<compile_context>
chip_gen: v7x
topology: tpu7x:2x2x1
jax: 0.10.2.dev20260603
libtpu: 0.0.44.dev20260713+nightly
codegen_flags: <defaults>
</compile_context>

<pallas_src>
import functools

import jax
import jax.numpy as jnp
from jax import lax
from jax.experimental import pallas as pl
from jax.experimental.pallas import tpu as pltpu
from jax.experimental.pallas import tpu_sc as plsc

B = 8
N = 2048
K = 16
L = 16
BOOT = 16
FGRP = 4

_NC = 2
_NS = 16
NW = _NC * _NS
RPW = (B * N) // NW

_GDN = lax.GatherDimensionNumbers(
    offset_dims=(), collapsed_slice_dims=(0,), start_index_map=(0,))


def _vgather(vec, idx):
    return lax.gather(vec, idx[:, None], _GDN, (1,),
                      mode=lax.GatherScatterMode.PROMISE_IN_BOUNDS)


def _knn_body(coords_hbm, dst_hbm, sq_hbm, x_v, y_v, z_v, c2_v,
              surva_v, survb_v, dst_buf, sq_buf):
    wid = lax.axis_index("s") * _NC + lax.axis_index("c")
    batch = wid // (N // RPW)
    r0 = (wid % (N // RPW)) * RPW

    cbase = batch * (3 * N)
    pltpu.sync_copy(coords_hbm.at[pl.ds(cbase, N)], x_v)
    pltpu.sync_copy(coords_hbm.at[pl.ds(cbase + N, N)], y_v)
    pltpu.sync_copy(coords_hbm.at[pl.ds(cbase + 2 * N, N)], z_v)

    iota = lax.iota(jnp.int32, L)
    lane15 = jnp.full((L,), L - 1, jnp.int32)
    inf = jnp.float32(jnp.inf)
    delta = jnp.float32(3e-4)

    def c2_body(c, _):
        for j in range(4):
            off = c * (4 * L) + j * L
            cx = x_v[pl.ds(off, L)]
            cy = y_v[pl.ds(off, L)]
            cz = z_v[pl.ds(off, L)]
            c2_v[pl.ds(off, L)] = cx * cx + cy * cy + cz * cz
        return 0

    lax.fori_loop(0, N // (4 * L), c2_body, 0)

    def row_body(i, _):
        qa = r0 + 2 * i
        qb = qa + 1
        blk = (qa // L) * L
        bx = x_v[pl.ds(blk, L)]
        by = y_v[pl.ds(blk, L)]
        bz = z_v[pl.ds(blk, L)]
        lane_a = jnp.full((L,), qa - blk, jnp.int32)
        lane_b = lane_a + 1
        qxa = _vgather(bx, lane_a)
        qya = _vgather(by, lane_a)
        qza = _vgather(bz, lane_a)
        qxb = _vgather(bx, lane_b)
        qyb = _vgather(by, lane_b)
        qzb = _vgather(bz, lane_b)

        def merge_sorted(bv, bi, cv, ci):
            take = (bv < cv) | ((bv == cv) & (bi < ci))
            nv = jnp.where(take, bv, cv)
            ni = jnp.where(take, bi, ci)
            rv, ri = plsc.sort_key_val(nv, ni)
            return rv, ri

        def lexmin(av, ai, dv, di):
            take = (av < dv) | ((av == dv) & (ai < di))
            nv = jnp.where(take, av, dv)
            ni = jnp.where(take, ai, di)
            rv, ri = plsc.sort_key_val(nv, ni)
            return rv, ri

        rev_iota = lane15 - iota

        H = BOOT // 2
        chains = [None] * 4
        for j in range(H):
            off0 = j * L
            off1 = (j + H) * L
            cx0 = x_v[pl.ds(off0, L)]
            cy0 = y_v[pl.ds(off0, L)]
            cz0 = z_v[pl.ds(off0, L)]
            cx1 = x_v[pl.ds(off1, L)]
            cy1 = y_v[pl.ds(off1, L)]
            cz1 = z_v[pl.ds(off1, L)]
            idx0 = iota + off0
            idx1 = iota + off1
            cands = []
            for (qx, qy, qz, qq) in ((qxa, qya, qza, qa), (qxb, qyb, qzb, qb)):
                for (cx, cy, cz, idxv) in ((cx0, cy0, cz0, idx0),
                                           (cx1, cy1, cz1, idx1)):
                    dx = cx - qx
                    dy = cy - qy
                    dz = cz - qz
                    sq = dx * dx + dy * dy + dz * dz
                    sq = jnp.where(idxv == qq, inf, sq)
                    cands.append(plsc.sort_key_val(sq, idxv, descending=True))
            for t in range(4):
                cv, ci = cands[t]
                if chains[t] is None:
                    chains[t] = plsc.sort_key_val(cv, ci)
                else:
                    bv0, bi0 = chains[t]
                    chains[t] = lexmin(bv0, bi0, cv, ci)
        half = []
        for t in range(0, 4, 2):
            av, ai = chains[t]
            ov, oi = chains[t + 1]
            dv = _vgather(ov, rev_iota)
            di = _vgather(oi, rev_iota)
            half.append(lexmin(av, ai, dv, di))
        bva, bia = half[0]
        bvb, bib = half[1]
        thra_v = _vgather(bva, lane15)
        thrb_v = _vgather(bvb, lane15)
        q2a = qxa * qxa + qya * qya + qza * qza
        q2b = qxb * qxb + qyb * qyb + qzb * qzb
        thra2_v = thra_v - q2a + delta
        thrb2_v = thrb_v - q2b + delta
        qxa2 = qxa + qxa
        qya2 = qya + qya
        qza2 = qza + qza
        qxb2 = qxb + qxb
        qyb2 = qyb + qyb
        qzb2 = qzb + qzb

        def filt_body(c, carry):
            ptra_v, ptrb_v = carry
            ma, mb, idxs = [], [], []
            for j in range(FGRP):
                off = c * (FGRP * L) + j * L
                cx = x_v[pl.ds(off, L)]
                cy = y_v[pl.ds(off, L)]
                cz = z_v[pl.ds(off, L)]
                c2 = c2_v[pl.ds(off, L)]
                idxv = iota + off
                ta = cx * qxa2 + cy * qya2 + cz * qza2
                tb = cx * qxb2 + cy * qyb2 + cz * qzb2
                ma.append(c2 - ta <= thra2_v)
                mb.append(c2 - tb <= thrb2_v)
                idxs.append(idxv)
            cnta = [plsc.cumsum(m.astype(jnp.int32)) for m in ma]
            cntb = [plsc.cumsum(m.astype(jnp.int32)) for m in mb]
            tota = [_vgather(cnt, lane15) for cnt in cnta]
            totb = [_vgather(cnt, lane15) for cnt in cntb]
            for j in range(FGRP):
                plsc.store_scatter(surva_v, [ptra_v + cnta[j]], idxs[j],
                                   mask=ma[j])
                ptra_v = ptra_v + tota[j]
                plsc.store_scatter(survb_v, [ptrb_v + cntb[j]], idxs[j],
                                   mask=mb[j])
                ptrb_v = ptrb_v + totb[j]
            return ptra_v, ptrb_v

        minus1 = jnp.full((L,), -1, jnp.int32)
        ptra_v, ptrb_v = plsc.parallel_loop(
            BOOT // FGRP, N // (FGRP * L), unroll=2,
            carry=(minus1, minus1))(filt_body)
        ptra_v = ptra_v + 1
        ptrb_v = ptrb_v + 1

        counta = ptra_v[0]
        countb = ptrb_v[0]
        nga = (counta + (L - 1)) // L
        ngb = (countb + (L - 1)) // L
        ng = lax.max(nga, ngb)

        def grp_body(g, carry):
            bva, bia, bvb, bib = carry
            offs = g * L
            lanepos = iota + offs
            idxga = surva_v[pl.ds(offs, L)]
            valida = lanepos < ptra_v
            idxga = jnp.where(valida, idxga, 0)
            idxgb = survb_v[pl.ds(offs, L)]
            validb = lanepos < ptrb_v
            idxgb = jnp.where(validb, idxgb, 0)
            dxa = plsc.load_gather(x_v, [idxga]) - qxa
            dya = plsc.load_gather(y_v, [idxga]) - qya
            dza = plsc.load_gather(z_v, [idxga]) - qza
            sqa = dxa * dxa + dya * dya + dza * dza
            dxb = plsc.load_gather(x_v, [idxgb]) - qxb
            dyb = plsc.load_gather(y_v, [idxgb]) - qyb
            dzb = plsc.load_gather(z_v, [idxgb]) - qzb
            sqb = dxb * dxb + dyb * dyb + dzb * dzb
            sqa = jnp.where(valida & (idxga != qa), sqa, inf)
            sqb = jnp.where(validb & (idxgb != qb), sqb, inf)
            cva, cia = plsc.sort_key_val(sqa, idxga, descending=True)
            cvb, cib = plsc.sort_key_val(sqb, idxgb, descending=True)
            bva, bia = merge_sorted(bva, bia, cva, cia)
            bvb, bib = merge_sorted(bvb, bib, cvb, cib)
            return bva, bia, bvb, bib

        bva, bia, bvb, bib = plsc.parallel_loop(
            0, ng, carry=(bva, bia, bvb, bib))(grp_body)

        sq_buf[pl.ds(2 * i * K, K)] = bva
        dst_buf[pl.ds(2 * i * K, K)] = bia + batch * N
        sq_buf[pl.ds((2 * i + 1) * K, K)] = bvb
        dst_buf[pl.ds((2 * i + 1) * K, K)] = bib + batch * N
        return 0

    lax.fori_loop(0, RPW // 2, row_body, 0)

    obase = wid * (RPW * K)
    pltpu.sync_copy(dst_buf, dst_hbm.at[pl.ds(obase, RPW * K)])
    pltpu.sync_copy(sq_buf, sq_hbm.at[pl.ds(obase, RPW * K)])


@jax.jit
def _knn_call(coords_t):
    mesh = plsc.VectorSubcoreMesh(core_axis_name="c", subcore_axis_name="s")
    f = functools.partial(
        pl.kernel,
        mesh=mesh,
        out_type=[
            jax.ShapeDtypeStruct((B * N * K,), jnp.int32),
            jax.ShapeDtypeStruct((B * N * K,), jnp.float32),
        ],
        scratch_types=[
            pltpu.VMEM((N,), jnp.float32),
            pltpu.VMEM((N,), jnp.float32),
            pltpu.VMEM((N,), jnp.float32),
            pltpu.VMEM((N,), jnp.float32),
            pltpu.VMEM((N,), jnp.int32),
            pltpu.VMEM((N,), jnp.int32),
            pltpu.VMEM((RPW * K,), jnp.int32),
            pltpu.VMEM((RPW * K,), jnp.float32),
        ],
        compiler_params=pltpu.CompilerParams(needs_layout_passes=False),
    )(_knn_body)
    return f(coords_t)


def kernel(coords, node_masks):
    del node_masks
    coords_t = jnp.transpose(coords, (0, 2, 1)).reshape(-1)
    dst, sq = _knn_call(coords_t)
    w = jnp.exp(-0.5 * jnp.sqrt(jnp.maximum(sq, 1e-12)))
    src = jnp.broadcast_to(
        jnp.arange(B * N, dtype=jnp.int32)[:, None], (B * N, K))
    edge_index = jnp.stack([src.reshape(-1), dst.reshape(-1)], axis=0)
    edge_weight = w.reshape(-1)
    return edge_index, edge_weight

# --- scband reference (transcript-rebuilt; emitter-appended) ---
"""Pipeline reference for scband-graph-builder-58007828300458 (READ-ONLY COPY).

The authoritative reference and input builder live on the scoring server;
editing this copy changes nothing except your own understanding.
"""

import jax, jax.numpy as jnp
import numpy as np

K_NEAREST = 16


def setup_inputs(seed: int = 0) -> dict:
    key = jax.random.key(seed)
    coords = jax.random.normal(jax.random.fold_in(key, 0), (8, 2048, 3), dtype=jnp.float32)
    node_masks = jnp.ones((8, 2048), dtype=bool)
    return {"coords": coords, "node_masks": node_masks}


def _pairwise_dists(coords):
    # coords: [B, N, 3] ; euclidean cdist with safe sqrt
    diff = coords[:, :, None, :] - coords[:, None, :, :]
    sq = jnp.sum(diff * diff, axis=-1)
    return jnp.sqrt(jnp.maximum(sq, 1e-12))


def reference(coords, node_masks):
    # Faithful translation of GraphBuilder.build_knn_graph for the case where
    # node_masks is all-True (every node valid), so n_valid == max_nodes per batch.
    B, N, _ = coords.shape
    k = min(K_NEAREST, N - 1)
    dists = _pairwise_dists(coords)                      # [B, N, N]
    eye = jnp.eye(N, dtype=bool)
    pair_valid = node_masks[:, :, None] & node_masks[:, None, :]
    masked = jnp.where(pair_valid & (~eye)[None, :, :], dists, jnp.inf)
    neg_vals, topk_idx = jax.lax.top_k(-masked, k)       # smallest-k distances
    topk_d = -neg_vals                                   # [B, N, k]
    edge_weight = jnp.exp(-0.5 * topk_d).reshape(-1)     # [B*N*k]
    offsets = (jnp.arange(B) * N)[:, None, None]
    src = jnp.broadcast_to(jnp.arange(N)[None, :, None], (B, N, k)) + offsets
    dst = topk_idx + offsets
    edge_index = jnp.stack([src.reshape(-1), dst.reshape(-1)], axis=0).astype(jnp.int32)
    return edge_index, edge_weight

if __name__ == "__main__":
    import jax
    _d = setup_inputs()
    print(jax.jit(kernel)(*tuple(_d.values())))

</pallas_src>

<mosaic_0001>
#map = affine_map<(d0, d1) -> (0)>
module attributes {stable_mosaic.version = 14 : i64} {
  func.func @_knn_body(%arg0: i32, %arg1: i32, %arg2: memref<49152xf32, #tpu.memory_space<hbm>>, %arg3: memref<262144xi32, #tpu.memory_space<hbm>>, %arg4: memref<262144xf32, #tpu.memory_space<hbm>>, %arg5: memref<2048xf32, #tpu.memory_space<vmem>>, %arg6: memref<2048xf32, #tpu.memory_space<vmem>>, %arg7: memref<2048xf32, #tpu.memory_space<vmem>>, %arg8: memref<2048xf32, #tpu.memory_space<vmem>>, %arg9: memref<2048xi32, #tpu.memory_space<vmem>>, %arg10: memref<2048xi32, #tpu.memory_space<vmem>>, %arg11: memref<8192xi32, #tpu.memory_space<vmem>>, %arg12: memref<8192xf32, #tpu.memory_space<vmem>>) attributes {dimension_semantics = [#tpu.dimension_semantics<core_parallel>, #tpu.dimension_semantics<subcore_parallel>], iteration_bounds = array<i64: 2, 16>, scalar_prefetch = 0 : i64, scratch_operands = 8 : i64, tpu.core_type = #tpu.core_type<sc_vector_subcore>, window_params = [{transform_indices = #map}, {transform_indices = #map}, {transform_indices = #map}]} {
    %mul3A = arith.constant 2 : i32
    %mul3A_0 = arith.muli %arg1, %mul3A : i32
    %add3A = arith.addi %mul3A_0, %arg0 : i32
    %jit3A = arith.constant 4 : i32
    %div3A = arith.divsi %add3A, %jit3A : i32
    %sign3A = arith.constant 0 : i32
    %sign3A_1 = arith.cmpi sgt, %add3A, %sign3A : i32
    %sign3A_2 = arith.extui %sign3A_1 : i1 to i32
    %sign3A_3 = arith.constant 0 : i32
    %sign3A_4 = arith.cmpi slt, %add3A, %sign3A_3 : i32
    %sign3A_5 = arith.extui %sign3A_4 : i1 to i32
    %sign3A_6 = arith.subi %sign3A_2, %sign3A_5 : i32
    %sign3A_7 = arith.constant 0 : i32
    %sign3A_8 = arith.cmpi sgt, %jit3A, %sign3A_7 : i32
    %sign3A_9 = arith.extui %sign3A_8 : i1 to i32
    %sign3A_10 = arith.constant 0 : i32
    %sign3A_11 = arith.cmpi slt, %jit3A, %sign3A_10 : i32
    %sign3A_12 = arith.extui %sign3A_11 : i1 to i32
    %sign3A_13 = arith.subi %sign3A_9, %sign3A_12 : i32
    %ne3A = arith.cmpi ne, %sign3A_6, %sign3A_13 : i32
    %rem3A = arith.remsi %add3A, %jit3A : i32
    %ne3A_14 = arith.constant 0 : i32
    %ne3A_15 = arith.cmpi ne, %rem3A, %ne3A_14 : i32
    %and3A = arith.andi %ne3A, %ne3A_15 : i1
    %sub3A = arith.constant 1 : i32
    %sub3A_16 = arith.subi %div3A, %sub3A : i32
    %select_n3A = arith.select %and3A, %sub3A_16, %div3A : i32
    %jit3A_17 = arith.constant 4 : i32
    %eq3A = arith.constant 0 : i32
    %eq3A_18 = arith.cmpi eq, %jit3A_17, %eq3A : i32
    %jit3A_19 = arith.constant 1 : i32
    %select_n3A_20 = arith.select %eq3A_18, %jit3A_19, %jit3A_17 : i32
    %rem3A_21 = arith.remsi %add3A, %select_n3A_20 : i32
    %ne3A_22 = arith.constant 0 : i32
    %ne3A_23 = arith.cmpi ne, %rem3A_21, %ne3A_22 : i32
    %lt3A = arith.constant 0 : i32
    %lt3A_24 = arith.cmpi slt, %rem3A_21, %lt3A : i32
    %lt3A_25 = arith.constant 0 : i32
    %lt3A_26 = arith.cmpi slt, %select_n3A_20, %lt3A_25 : i32
    %ne3A_27 = arith.xori %lt3A_24, %lt3A_26 : i1
    %and3A_28 = arith.andi %ne3A_27, %ne3A_23 : i1
    %add3A_29 = arith.addi %rem3A_21, %select_n3A_20 : i32
    %select_n3A_30 = arith.select %and3A_28, %add3A_29, %rem3A_21 : i32
    %mul3A_31 = arith.constant 512 : i32
    %mul3A_32 = arith.muli %select_n3A_30, %mul3A_31 : i32
    %mul3A_33 = arith.constant 6144 : i32
    %mul3A_34 = arith.muli %select_n3A, %mul3A_33 : i32
    "tpu.region"() ({
      %run_scoped3A = tpu.sem_alloc : memref<!tpu.dma_semaphore, #tpu.memory_space<semaphore_mem>>
      %dma_start3A = tpu.memref_slice %arg2[%mul3A_34] : memref<49152xf32, #tpu.memory_space<hbm>> -> memref<2048xf32, #tpu.memory_space<hbm>>
      %dma_start3A_57 = tpu.memref_slice %arg2[%mul3A_34] : memref<49152xf32, #tpu.memory_space<hbm>> -> memref<2048xf32, #tpu.memory_space<hbm>>
      tpu.enqueue_dma source(%dma_start3A_57 : memref<2048xf32, #tpu.memory_space<hbm>>) target(%arg5 : memref<2048xf32, #tpu.memory_space<vmem>>) target_semaphore(%run_scoped3A : memref<!tpu.dma_semaphore, #tpu.memory_space<semaphore_mem>>)
      %dma_wait3A = tpu.memref_slice %arg2[%mul3A_34] : memref<49152xf32, #tpu.memory_space<hbm>> -> memref<2048xf32, #tpu.memory_space<hbm>>
      %dma_wait3A_58 = tpu.memref_slice %arg2[%mul3A_34] : memref<49152xf32, #tpu.memory_space<hbm>> -> memref<2048xf32, #tpu.memory_space<hbm>>
      tpu.wait_dma2 semaphore(%run_scoped3A : memref<!tpu.dma_semaphore, #tpu.memory_space<semaphore_mem>>) src(%dma_wait3A_58 : memref<2048xf32, #tpu.memory_space<hbm>>) dst(%arg5 : memref<2048xf32, #tpu.memory_space<vmem>>)
      tpu.yield
    }) : () -> ()
    %add3A_35 = arith.constant 2048 : i32
    %add3A_36 = arith.addi %mul3A_34, %add3A_35 : i32
    "tpu.region"() ({
      %run_scoped3A = tpu.sem_alloc : memref<!tpu.dma_semaphore, #tpu.memory_space<semaphore_mem>>
      %dma_start3A = tpu.memref_slice %arg2[%add3A_36] : memref<49152xf32, #tpu.memory_space<hbm>> -> memref<2048xf32, #tpu.memory_space<hbm>>
      %dma_start3A_57 = tpu.memref_slice %arg2[%add3A_36] : memref<49152xf32, #tpu.memory_space<hbm>> -> memref<2048xf32, #tpu.memory_space<hbm>>
      tpu.enqueue_dma source(%dma_start3A_57 : memref<2048xf32, #tpu.memory_space<hbm>>) target(%arg6 : memref<2048xf32, #tpu.memory_space<vmem>>) target_semaphore(%run_scoped3A : memref<!tpu.dma_semaphore, #tpu.memory_space<semaphore_mem>>)
      %dma_wait3A = tpu.memref_slice %arg2[%add3A_36] : memref<49152xf32, #tpu.memory_space<hbm>> -> memref<2048xf32, #tpu.memory_space<hbm>>
      %dma_wait3A_58 = tpu.memref_slice %arg2[%add3A_36] : memref<49152xf32, #tpu.memory_space<hbm>> -> memref<2048xf32, #tpu.memory_space<hbm>>
      tpu.wait_dma2 semaphore(%run_scoped3A : memref<!tpu.dma_semaphore, #tpu.memory_space<semaphore_mem>>) src(%dma_wait3A_58 : memref<2048xf32, #tpu.memory_space<hbm>>) dst(%arg6 : memref<2048xf32, #tpu.memory_space<vmem>>)
      tpu.yield
    }) : () -> ()
    %add3A_37 = arith.constant 4096 : i32
    %add3A_38 = arith.addi %mul3A_34, %add3A_37 : i32
    "tpu.region"() ({
      %run_scoped3A = tpu.sem_alloc : memref<!tpu.dma_semaphore, #tpu.memory_space<semaphore_mem>>
      %dma_start3A = tpu.memref_slice %arg2[%add3A_38] : memref<49152xf32, #tpu.memory_space<hbm>> -> memref<2048xf32, #tpu.memory_space<hbm>>
      %dma_start3A_57 = tpu.memref_slice %arg2[%add3A_38] : memref<49152xf32, #tpu.memory_space<hbm>> -> memref<2048xf32, #tpu.memory_space<hbm>>
      tpu.enqueue_dma source(%dma_start3A_57 : memref<2048xf32, #tpu.memory_space<hbm>>) target(%arg7 : memref<2048xf32, #tpu.memory_space<vmem>>) target_semaphore(%run_scoped3A : memref<!tpu.dma_semaphore, #tpu.memory_space<semaphore_mem>>)
      %dma_wait3A = tpu.memref_slice %arg2[%add3A_38] : memref<49152xf32, #tpu.memory_space<hbm>> -> memref<2048xf32, #tpu.memory_space<hbm>>
      %dma_wait3A_58 = tpu.memref_slice %arg2[%add3A_38] : memref<49152xf32, #tpu.memory_space<hbm>> -> memref<2048xf32, #tpu.memory_space<hbm>>
      tpu.wait_dma2 semaphore(%run_scoped3A : memref<!tpu.dma_semaphore, #tpu.memory_space<semaphore_mem>>) src(%dma_wait3A_58 : memref<2048xf32, #tpu.memory_space<hbm>>) dst(%arg7 : memref<2048xf32, #tpu.memory_space<vmem>>)
      tpu.yield
    }) : () -> ()
    %iota3A = tpu.iota {dimensions = array<i32: 0>} : vector<16xi32>
    %broadcast_in_dim3A = arith.constant 15 : i32
    %broadcast_in_dim3A_39 = vector.broadcast %broadcast_in_dim3A : i32 to vector<16xi32>
    %scan3A = arith.constant 0 : i32
    %scan3A_40 = arith.constant 0 : i32
    %scan3A_41 = arith.constant 32 : i32
    %scan3A_42 = arith.addi %scan3A_40, %scan3A_41 : i32
    %scan3A_43 = arith.constant 1 : i32
    %scan3A_44 = scf.for %scan3A_57 = %scan3A_40 to %scan3A_42 step %scan3A_43 iter_args(%scan3A_58 = %scan3A) -> (i32)  : i32 {
      %mul3A_59 = arith.constant 64 : i32
      %mul3A_60 = arith.muli %scan3A_57, %mul3A_59 : i32
      %add3A_61 = arith.constant 0 : i32
      %add3A_62 = arith.addi %mul3A_60, %add3A_61 : i32
      %get3A = arith.index_cast %add3A_62 : i32 to index
      %get3A_63 = tpu.vector_load %arg5[%get3A] {strides = array<i32>} : memref<2048xf32, #tpu.memory_space<vmem>>, vector<16xf32>,
      %get3A_64 = arith.index_cast %add3A_62 : i32 to index
      %get3A_65 = tpu.vector_load %arg6[%get3A_64] {strides = array<i32>} : memref<2048xf32, #tpu.memory_space<vmem>>, vector<16xf32>,
      %get3A_66 = arith.index_cast %add3A_62 : i32 to index
      %get3A_67 = tpu.vector_load %arg7[%get3A_66] {strides = array<i32>} : memref<2048xf32, #tpu.memory_space<vmem>>, vector<16xf32>,
      %mul3A_68 = arith.mulf %get3A_63, %get3A_63 : vector<16xf32>
      %mul3A_69 = arith.mulf %get3A_65, %get3A_65 : vector<16xf32>
      %add3A_70 = arith.addf %mul3A_68, %mul3A_69 : vector<16xf32>
      %mul3A_71 = arith.mulf %get3A_67, %get3A_67 : vector<16xf32>
      %add3A_72 = arith.addf %add3A_70, %mul3A_71 : vector<16xf32>
      %swap3A = arith.index_cast %add3A_62 : i32 to index
      %swap3A_73 = tpu.vector_load %arg8[%swap3A] {strides = array<i32>} : memref<2048xf32, #tpu.memory_space<vmem>>, vector<16xf32>,
      tpu.vector_store %arg8[%swap3A], %add3A_72 {strides = array<i32>} : memref<2048xf32, #tpu.memory_space<vmem>>, vector<16xf32>,
      %mul3A_74 = arith.constant 64 : i32
      %mul3A_75 = arith.muli %scan3A_57, %mul3A_74 : i32
      %add3A_76 = arith.constant 16 : i32
      %add3A_77 = arith.addi %mul3A_75, %add3A_76 : i32
      %get3A_78 = arith.index_cast %add3A_77 : i32 to index
      %get3A_79 = tpu.vector_load %arg5[%get3A_78] {strides = array<i32>} : memref<2048xf32, #tpu.memory_space<vmem>>, vector<16xf32>,
      %get3A_80 = arith.index_cast %add3A_77 : i32 to index
      %get3A_81 = tpu.vector_load %arg6[%get3A_80] {strides = array<i32>} : memref<2048xf32, #tpu.memory_space<vmem>>, vector<16xf32>,
      %get3A_82 = arith.index_cast %add3A_77 : i32 to index
      %get3A_83 = tpu.vector_load %arg7[%get3A_82] {strides = array<i32>} : memref<2048xf32, #tpu.memory_space<vmem>>, vector<16xf32>,
      %mul3A_84 = arith.mulf %get3A_79, %get3A_79 : vector<16xf32>
      %mul3A_85 = arith.mulf %get3A_81, %get3A_81 : vector<16xf32>
      %add3A_86 = arith.addf %mul3A_84, %mul3A_85 : vector<16xf32>
      %mul3A_87 = arith.mulf %get3A_83, %get3A_83 : vector<16xf32>
      %add3A_88 = arith.addf %add3A_86, %mul3A_87 : vector<16xf32>
      %swap3A_89 = arith.index_cast %add3A_77 : i32 to index
      %swap3A_90 = tpu.vector_load %arg8[%swap3A_89] {strides = array<i32>} : memref<2048xf32, #tpu.memory_space<vmem>>, vector<16xf32>,
      tpu.vector_store %arg8[%swap3A_89], %add3A_88 {strides = array<i32>} : memref<2048xf32, #tpu.memory_space<vmem>>, vector<16xf32>,
      %mul3A_91 = arith.constant 64 : i32
      %mul3A_92 = arith.muli %scan3A_57, %mul3A_91 : i32
      %add3A_93 = arith.constant 32 : i32
      %add3A_94 = arith.addi %mul3A_92, %add3A_93 : i32
      %get3A_95 = arith.index_cast %add3A_94 : i32 to index
      %get3A_96 = tpu.vector_load %arg5[%get3A_95] {strides = array<i32>} : memref<2048xf32, #tpu.memory_space<vmem>>, vector<16xf32>,
      %get3A_97 = arith.index_cast %add3A_94 : i32 to index
      %get3A_98 = tpu.vector_load %arg6[%get3A_97] {strides = array<i32>} : memref<2048xf32, #tpu.memory_space<vmem>>, vector<16xf32>,
      %get3A_99 = arith.index_cast %add3A_94 : i32 to index
      %get3A_100 = tpu.vector_load %arg7[%get3A_99] {strides = array<i32>} : memref<2048xf32, #tpu.memory_space<vmem>>, vector<16xf32>,
      %mul3A_101 = arith.mulf %get3A_96, %get3A_96 : vector<16xf32>
      %mul3A_102 = arith.mulf %get3A_98, %get3A_98 : vector<16xf32>
      %add3A_103 = arith.addf %mul3A_101, %mul3A_102 : vector<16xf32>
      %mul3A_104 = arith.mulf %get3A_100, %get3A_100 : vector<16xf32>
      %add3A_105 = arith.addf %add3A_103, %mul3A_104 : vector<16xf32>
      %swap3A_106 = arith.index_cast %add3A_94 : i32 to index
      %swap3A_107 = tpu.vector_load %arg8[%swap3A_106] {strides = array<i32>} : memref<2048xf32, #tpu.memory_space<vmem>>, vector<16xf32>,
      tpu.vector_store %arg8[%swap3A_106], %add3A_105 {strides = array<i32>} : memref<2048xf32, #tpu.memory_space<vmem>>, vector<16xf32>,
      %mul3A_108 = arith.constant 64 : i32
      %mul3A_109 = arith.muli %scan3A_57, %mul3A_108 : i32
      %add3A_110 = arith.constant 48 : i32
      %add3A_111 = arith.addi %mul3A_109, %add3A_110 : i32
      %get3A_112 = arith.index_cast %add3A_111 : i32 to index
      %get3A_113 = tpu.vector_load %arg5[%get3A_112] {strides = array<i32>} : memref<2048xf32, #tpu.memory_space<vmem>>, vector<16xf32>,
      %get3A_114 = arith.index_cast %add3A_111 : i32 to index
      %get3A_115 = tpu.vector_load %arg6[%get3A_114] {strides = array<i32>} : memref<2048xf32, #tpu.memory_space<vmem>>, vector<16xf32>,
      %get3A_116 = arith.index_cast %add3A_111 : i32 to index
      %get3A_117 = tpu.vector_load %arg7[%get3A_116] {strides = array<i32>} : memref<2048xf32, #tpu.memory_space<vmem>>, vector<16xf32>,
      %mul3A_118 = arith.mulf %get3A_113, %get3A_113 : vector<16xf32>
      %mul3A_119 = arith.mulf %get3A_115, %get3A_115 : vector<16xf32>
      %add3A_120 = arith.addf %mul3A_118, %mul3A_119 : vector<16xf32>
      %mul3A_121 = arith.mulf %get3A_117, %get3A_117 : vector<16xf32>
      %add3A_122 = arith.addf %add3A_120, %mul3A_121 : vector<16xf32>
      %swap3A_123 = arith.index_cast %add3A_111 : i32 to index
      %swap3A_124 = tpu.vector_load %arg8[%swap3A_123] {strides = array<i32>} : memref<2048xf32, #tpu.memory_space<vmem>>, vector<16xf32>,
      tpu.vector_store %arg8[%swap3A_123], %add3A_122 {strides = array<i32>} : memref<2048xf32, #tpu.memory_space<vmem>>, vector<16xf32>,
      %scan3A_125 = arith.constant 0 : i32
      scf.yield %scan3A_125 : i32
    }
    %scan3A_45 = arith.constant 32 : i32
    %scan3A_46 = arith.constant 0x7F800000 : f32
    %scan3A_47 = arith.constant 3.000000e-04 : f32
    %scan3A_48 = arith.constant 0 : i32
    %scan3A_49 = arith.constant 0 : i32
    %scan3A_50 = arith.constant 256 : i32
    %scan3A_51 = arith.addi %scan3A_49, %scan3A_50 : i32
    %scan3A_52 = arith.constant 1 : i32
    %scan3A_53 = scf.for %scan3A_57 = %scan3A_49 to %scan3A_51 step %scan3A_52 iter_args(%scan3A_58 = %scan3A_48) -> (i32)  : i32 {
      %mul3A_59 = arith.constant 2 : i32
      %mul3A_60 = arith.muli %mul3A_59, %scan3A_57 : i32
      %add3A_61 = arith.addi %mul3A_32, %mul3A_60 : i32
      %add3A_62 = arith.constant 1 : i32
      %add3A_63 = arith.addi %add3A_61, %add3A_62 : i32
      %jit3A_64 = arith.constant 16 : i32
      %div3A_65 = arith.divsi %add3A_61, %jit3A_64 : i32
      %sign3A_66 = arith.constant 0 : i32
      %sign3A_67 = arith.cmpi sgt, %add3A_61, %sign3A_66 : i32
      %sign3A_68 = arith.extui %sign3A_67 : i1 to i32
      %sign3A_69 = arith.constant 0 : i32
      %sign3A_70 = arith.cmpi slt, %add3A_61, %sign3A_69 : i32
      %sign3A_71 = arith.extui %sign3A_70 : i1 to i32
      %sign3A_72 = arith.subi %sign3A_68, %sign3A_71 : i32
      %sign3A_73 = arith.constant 0 : i32
      %sign3A_74 = arith.cmpi sgt, %jit3A_64, %sign3A_73 : i32
      %sign3A_75 = arith.extui %sign3A_74 : i1 to i32
      %sign3A_76 = arith.constant 0 : i32
      %sign3A_77 = arith.cmpi slt, %jit3A_64, %sign3A_76 : i32
      %sign3A_78 = arith.extui %sign3A_77 : i1 to i32
      %sign3A_79 = arith.subi %sign3A_75, %sign3A_78 : i32
      %ne3A_80 = arith.cmpi ne, %sign3A_72, %sign3A_79 : i32
      %rem3A_81 = arith.remsi %add3A_61, %jit3A_64 : i32
      %ne3A_82 = arith.constant 0 : i32
      %ne3A_83 = arith.cmpi ne, %rem3A_81, %ne3A_82 : i32
      %and3A_84 = arith.andi %ne3A_80, %ne3A_83 : i1
      %sub3A_85 = arith.constant 1 : i32
      %sub3A_86 = arith.subi %div3A_65, %sub3A_85 : i32
      %select_n3A_87 = arith.select %and3A_84, %sub3A_86, %div3A_65 : i32
      %mul3A_88 = arith.constant 16 : i32
      %mul3A_89 = arith.muli %select_n3A_87, %mul3A_88 : i32
      %get3A = arith.index_cast %mul3A_89 : i32 to index
      %get3A_90 = tpu.vector_load %arg5[%get3A] {strides = array<i32>} : memref<2048xf32, #tpu.memory_space<vmem>>, vector<16xf32>,
      %get3A_91 = arith.index_cast %mul3A_89 : i32 to index
      %get3A_92 = tpu.vector_load %arg6[%get3A_91] {strides = array<i32>} : memref<2048xf32, #tpu.memory_space<vmem>>, vector<16xf32>,
      %get3A_93 = arith.index_cast %mul3A_89 : i32 to index
      %get3A_94 = tpu.vector_load %arg7[%get3A_93] {strides = array<i32>} : memref<2048xf32, #tpu.memory_space<vmem>>, vector<16xf32>,
      %sub3A_95 = arith.subi %add3A_61, %mul3A_89 : i32
      %broadcast_in_dim3A_96 = vector.broadcast %sub3A_95 : i32 to vector<16xi32>
      %add3A_97 = arith.constant 1 : i32
      %add3A_98 = vector.broadcast %add3A_97 : i32 to vector<16xi32>
      %add3A_99 = arith.addi %broadcast_in_dim3A_96, %add3A_98 : vector<16xi32>
      %broadcast_in_dim3A_100 = vector.shape_cast %broadcast_in_dim3A_96 : vector<16xi32> to vector<16x1xi32>
      %gather3A = vector.shape_cast %broadcast_in_dim3A_100 : vector<16x1xi32> to vector<16xi32>
      %gather3A_101 = tpu.dynamic_gather %get3A_90[%gather3A] in [0] : vector<16xf32>, vector<16xi32> -> vector<16xf32>
      %broadcast_in_dim3A_102 = vector.shape_cast %broadcast_in_dim3A_96 : vector<16xi32> to vector<16x1xi32>
      %gather3A_103 = vector.shape_cast %broadcast_in_dim3A_102 : vector<16x1xi32> to vector<16xi32>
      %gather3A_104 = tpu.dynamic_gather %get3A_92[%gather3A_103] in [0] : vector<16xf32>, vector<16xi32> -> vector<16xf32>
      %broadcast_in_dim3A_105 = vector.shape_cast %broadcast_in_dim3A_96 : vector<16xi32> to vector<16x1xi32>
      %gather3A_106 = vector.shape_cast %broadcast_in_dim3A_105 : vector<16x1xi32> to vector<16xi32>
      %gather3A_107 = tpu.dynamic_gather %get3A_94[%gather3A_106] in [0] : vector<16xf32>, vector<16xi32> -> vector<16xf32>
      %broadcast_in_dim3A_108 = vector.shape_cast %add3A_99 : vector<16xi32> to vector<16x1xi32>
      %gather3A_109 = vector.shape_cast %broadcast_in_dim3A_108 : vector<16x1xi32> to vector<16xi32>
      %gather3A_110 = tpu.dynamic_gather %get3A_90[%gather3A_109] in [0] : vector<16xf32>, vector<16xi32> -> vector<16xf32>
      %broadcast_in_dim3A_111 = vector.shape_cast %add3A_99 : vector<16xi32> to vector<16x1xi32>
      %gather3A_112 = vector.shape_cast %broadcast_in_dim3A_111 : vector<16x1xi32> to vector<16xi32>
      %gather3A_113 = tpu.dynamic_gather %get3A_92[%gather3A_112] in [0] : vector<16xf32>, vector<16xi32> -> vector<16xf32>
      %broadcast_in_dim3A_114 = vector.shape_cast %add3A_99 : vector<16xi32> to vector<16x1xi32>
      %gather3A_115 = vector.shape_cast %broadcast_in_dim3A_114 : vector<16x1xi32> to vector<16xi32>
      %gather3A_116 = tpu.dynamic_gather %get3A_94[%gather3A_115] in [0] : vector<16xf32>, vector<16xi32> -> vector<16xf32>
      %sub3A_117 = arith.subi %broadcast_in_dim3A_39, %iota3A : vector<16xi32>
      %get3A_118 = arith.constant 0 : index
      %get3A_119 = tpu.vector_load %arg5[%get3A_118] {strides = array<i32>} : memref<2048xf32, #tpu.memory_space<vmem>>, vector<16xf32>,
      %get3A_120 = arith.constant 0 : index
      %get3A_121 = tpu.vector_load %arg6[%get3A_120] {strides = array<i32>} : memref<2048xf32, #tpu.memory_space<vmem>>, vector<16xf32>,
      %get3A_122 = arith.constant 0 : index
      %get3A_123 = tpu.vector_load %arg7[%get3A_122] {strides = array<i32>} : memref<2048xf32, #tpu.memory_space<vmem>>, vector<16xf32>,
      %get3A_124 = arith.constant 128 : index
      %get3A_125 = tpu.vector_load %arg5[%get3A_124] {strides = array<i32>} : memref<2048xf32, #tpu.memory_space<vmem>>, vector<16xf32>,
      %get3A_126 = arith.constant 128 : index
      %get3A_127 = tpu.vector_load %arg6[%get3A_126] {strides = array<i32>} : memref<2048xf32, #tpu.memory_space<vmem>>, vector<16xf32>,
      %get3A_128 = arith.constant 128 : index
      %get3A_129 = tpu.vector_load %arg7[%get3A_128] {strides = array<i32>} : memref<2048xf32, #tpu.memory_space<vmem>>, vector<16xf32>,
      %add3A_130 = arith.constant 0 : i32
      %add3A_131 = vector.broadcast %add3A_130 : i32 to vector<16xi32>
      %add3A_132 = arith.addi %iota3A, %add3A_131 : vector<16xi32>
      %add3A_133 = arith.constant 128 : i32
      %add3A_134 = vector.broadcast %add3A_133 : i32 to vector<16xi32>
      %add3A_135 = arith.addi %iota3A, %add3A_134 : vector<16xi32>
      %sub3A_136 = arith.subf %get3A_119, %gather3A_101 : vector<16xf32>
      %sub3A_137 = arith.subf %get3A_121, %gather3A_104 : vector<16xf32>
      %sub3A_138 = arith.subf %get3A_123, %gather3A_107 : vector<16xf32>
      %mul3A_139 = arith.mulf %sub3A_136, %sub3A_136 : vector<16xf32>
      %mul3A_140 = arith.mulf %sub3A_137, %sub3A_137 : vector<16xf32>
      %add3A_141 = arith.addf %mul3A_139, %mul3A_140 : vector<16xf32>
      %mul3A_142 = arith.mulf %sub3A_138, %sub3A_138 : vector<16xf32>
      %add3A_143 = arith.addf %add3A_141, %mul3A_142 : vector<16xf32>
      %eq3A_144 = vector.broadcast %add3A_61 : i32 to vector<16xi32>
      %eq3A_145 = arith.cmpi eq, %add3A_132, %eq3A_144 : vector<16xi32>
      %broadcast_in_dim3A_146 = vector.broadcast %scan3A_46 : f32 to vector<16xf32>
      %select_n3A_147 = arith.select %eq3A_145, %broadcast_in_dim3A_146, %add3A_143 : vector<16xi1>, vector<16xf32>
      %masked_sort3A = arith.constant dense<true> : vector<16xi1>
      %masked_sort3A_148, %masked_sort3A_149, %masked_sort3A_150 = tpu.sort %select_n3A_147, %add3A_132 masked %masked_sort3A {descending = true} : (vector<16xf32>, vector<16xi32>, vector<16xi1>) -> (vector<16xi1>, vector<16xf32>, vector<16xi32>)
      %sub3A_151 = arith.subf %get3A_125, %gather3A_101 : vector<16xf32>
      %sub3A_152 = arith.subf %get3A_127, %gather3A_104 : vector<16xf32>
      %sub3A_153 = arith.subf %get3A_129, %gather3A_107 : vector<16xf32>
      %mul3A_154 = arith.mulf %sub3A_151, %sub3A_151 : vector<16xf32>
      %mul3A_155 = arith.mulf %sub3A_152, %sub3A_152 : vector<16xf32>
      %add3A_156 = arith.addf %mul3A_154, %mul3A_155 : vector<16xf32>
      %mul3A_157 = arith.mulf %sub3A_153, %sub3A_153 : vector<16xf32>
      %add3A_158 = arith.addf %add3A_156, %mul3A_157 : vector<16xf32>
      %eq3A_159 = vector.broadcast %add3A_61 : i32 to vector<16xi32>
      %eq3A_160 = arith.cmpi eq, %add3A_135, %eq3A_159 : vector<16xi32>
      %broadcast_in_dim3A_161 = vector.broadcast %scan3A_46 : f32 to vector<16xf32>
      %select_n3A_162 = arith.select %eq3A_160, %broadcast_in_dim3A_161, %add3A_158 : vector<16xi1>, vector<16xf32>
      %masked_sort3A_163 = arith.constant dense<true> : vector<16xi1>
      %masked_sort3A_164, %masked_sort3A_165, %masked_sort3A_166 = tpu.sort %select_n3A_162, %add3A_135 masked %masked_sort3A_163 {descending = true} : (vector<16xf32>, vector<16xi32>, vector<16xi1>) -> (vector<16xi1>, vector<16xf32>, vector<16xi32>)
      %sub3A_167 = arith.subf %get3A_119, %gather3A_110 : vector<16xf32>
      %sub3A_168 = arith.subf %get3A_121, %gather3A_113 : vector<16xf32>
      %sub3A_169 = arith.subf %get3A_123, %gather3A_116 : vector<16xf32>
      %mul3A_170 = arith.mulf %sub3A_167, %sub3A_167 : vector<16xf32>
      %mul3A_171 = arith.mulf %sub3A_168, %sub3A_168 : vector<16xf32>
      %add3A_172 = arith.addf %mul3A_170, %mul3A_171 : vector<16xf32>
      %mul3A_173 = arith.mulf %sub3A_169, %sub3A_169 : vector<16xf32>
      %add3A_174 = arith.addf %add3A_172, %mul3A_173 : vector<16xf32>
      %eq3A_175 = vector.broadcast %add3A_63 : i32 to vector<16xi32>
      %eq3A_176 = arith.cmpi eq, %add3A_132, %eq3A_175 : vector<16xi32>
      %broadcast_in_dim3A_177 = vector.broadcast %scan3A_46 : f32 to vector<16xf32>
      %select_n3A_178 = arith.select %eq3A_176, %broadcast_in_dim3A_177, %add3A_174 : vector<16xi1>, vector<16xf32>
      %masked_sort3A_179 = arith.constant dense<true> : vector<16xi1>
      %masked_sort3A_180, %masked_sort3A_181, %masked_sort3A_182 = tpu.sort %select_n3A_178, %add3A_132 masked %masked_sort3A_179 {descending = true} : (vector<16xf32>, vector<16xi32>, vector<16xi1>) -> (vector<16xi1>, vector<16xf32>, vector<16xi32>)
      %sub3A_183 = arith.subf %get3A_125, %gather3A_110 : vector<16xf32>
      %sub3A_184 = arith.subf %get3A_127, %gather3A_113 : vector<16xf32>
      %sub3A_185 = arith.subf %get3A_129, %gather3A_116 : vector<16xf32>
      %mul3A_186 = arith.mulf %sub3A_183, %sub3A_183 : vector<16xf32>
      %mul3A_187 = arith.mulf %sub3A_184, %sub3A_184 : vector<16xf32>
      %add3A_188 = arith.addf %mul3A_186, %mul3A_187 : vector<16xf32>
      %mul3A_189 = arith.mulf %sub3A_185, %sub3A_185 : vector<16xf32>
      %add3A_190 = arith.addf %add3A_188, %mul3A_189 : vector<16xf32>
      %eq3A_191 = vector.broadcast %add3A_63 : i32 to vector<16xi32>
      %eq3A_192 = arith.cmpi eq, %add3A_135, %eq3A_191 : vector<16xi32>
      %broadcast_in_dim3A_193 = vector.broadcast %scan3A_46 : f32 to vector<16xf32>
      %select_n3A_194 = arith.select %eq3A_192, %broadcast_in_dim3A_193, %add3A_190 : vector<16xi1>, vector<16xf32>
      %masked_sort3A_195 = arith.constant dense<true> : vector<16xi1>
      %masked_sort3A_196, %masked_sort3A_197, %masked_sort3A_198 = tpu.sort %select_n3A_194, %add3A_135 masked %masked_sort3A_195 {descending = true} : (vector<16xf32>, vector<16xi32>, vector<16xi1>) -> (vector<16xi1>, vector<16xf32>, vector<16xi32>)
      %masked_sort3A_199 = arith.constant dense<true> : vector<16xi1>
      %masked_sort3A_200, %masked_sort3A_201, %masked_sort3A_202 = tpu.sort %masked_sort3A_149, %masked_sort3A_150 masked %masked_sort3A_199 : (vector<16xf32>, vector<16xi32>, vector<16xi1>) -> (vector<16xi1>, vector<16xf32>, vector<16xi32>)
      %masked_sort3A_203 = arith.constant dense<true> : vector<16xi1>
      %masked_sort3A_204, %masked_sort3A_205, %masked_sort3A_206 = tpu.sort %masked_sort3A_165, %masked_sort3A_166 masked %masked_sort3A_203 : (vector<16xf32>, vector<16xi32>, vector<16xi1>) -> (vector<16xi1>, vector<16xf32>, vector<16xi32>)
      %masked_sort3A_207 = arith.constant dense<true> : vector<16xi1>
      %masked_sort3A_208, %masked_sort3A_209, %masked_sort3A_210 = tpu.sort %masked_sort3A_181, %masked_sort3A_182 masked %masked_sort3A_207 : (vector<16xf32>, vector<16xi32>, vector<16xi1>) -> (vector<16xi1>, vector<16xf32>, vector<16xi32>)
      %masked_sort3A_211 = arith.constant dense<true> : vector<16xi1>
      %masked_sort3A_212, %masked_sort3A_213, %masked_sort3A_214 = tpu.sort %masked_sort3A_197, %masked_sort3A_198 masked %masked_sort3A_211 : (vector<16xf32>, vector<16xi32>, vector<16xi1>) -> (vector<16xi1>, vector<16xf32>, vector<16xi32>)
      %get3A_215 = arith.constant 16 : index
      %get3A_216 = tpu.vector_load %arg5[%get3A_215] {strides = array<i32>} : memref<2048xf32, #tpu.memory_space<vmem>>, vector<16xf32>,
      %get3A_217 = arith.constant 16 : index
      %get3A_218 = tpu.vector_load %arg6[%get3A_217] {strides = array<i32>} : memref<2048xf32, #tpu.memory_space<vmem>>, vector<16xf32>,
      %get3A_219 = arith.constant 16 : index
      %get3A_220 = tpu.vector_load %arg7[%get3A_219] {strides = array<i32>} : memref<2048xf32, #tpu.memory_space<vmem>>, vector<16xf32>,
      %get3A_221 = arith.constant 144 : index
      %get3A_222 = tpu.vector_load %arg5[%get3A_221] {strides = array<i32>} : memref<2048xf32, #tpu.memory_space<vmem>>, vector<16xf32>,
      %get3A_223 = arith.constant 144 : index
      %get3A_224 = tpu.vector_load %arg6[%get3A_223] {strides = array<i32>} : memref<2048xf32, #tpu.memory_space<vmem>>, vector<16xf32>,
      %get3A_225 = arith.constant 144 : index
      %get3A_226 = tpu.vector_load %arg7[%get3A_225] {strides = array<i32>} : memref<2048xf32, #tpu.memory_space<vmem>>, vector<16xf32>,
      %add3A_227 = arith.constant 16 : i32
      %add3A_228 = vector.broadcast %add3A_227 : i32 to vector<16xi32>
      %add3A_229 = arith.addi %iota3A, %add3A_228 : vector<16xi32>
      %add3A_230 = arith.constant 144 : i32
      %add3A_231 = vector.broadcast %add3A_230 : i32 to vector<16xi32>
      %add3A_232 = arith.addi %iota3A, %add3A_231 : vector<16xi32>
      %sub3A_233 = arith.subf %get3A_216, %gather3A_101 : vector<16xf32>
      %sub3A_234 = arith.subf %get3A_218, %gather3A_104 : vector<16xf32>
      %sub3A_235 = arith.subf %get3A_220, %gather3A_107 : vector<16xf32>
      %mul3A_236 = arith.mulf %sub3A_233, %sub3A_233 : vector<16xf32>
      %mul3A_237 = arith.mulf %sub3A_234, %sub3A_234 : vector<16xf32>
      %add3A_238 = arith.addf %mul3A_236, %mul3A_237 : vector<16xf32>
      %mul3A_239 = arith.mulf %sub3A_235, %sub3A_235 : vector<16xf32>
      %add3A_240 = arith.addf %add3A_238, %mul3A_239 : vector<16xf32>
      %eq3A_241 = vector.broadcast %add3A_61 : i32 to vector<16xi32>
      %eq3A_242 = arith.cmpi eq, %add3A_229, %eq3A_241 : vector<16xi32>
      %broadcast_in_dim3A_243 = vector.broadcast %scan3A_46 : f32 to vector<16xf32>
      %select_n3A_244 = arith.select %eq3A_242, %broadcast_in_dim3A_243, %add3A_240 : vector<16xi1>, vector<16xf32>
      %masked_sort3A_245 = arith.constant dense<true> : vector<16xi1>
      %masked_sort3A_246, %masked_sort3A_247, %masked_sort3A_248 = tpu.sort %select_n3A_244, %add3A_229 masked %masked_sort3A_245 {descending = true} : (vector<16xf32>, vector<16xi32>, vector<16xi1>) -> (vector<16xi1>, vector<16xf32>, vector<16xi32>)
      %sub3A_249 = arith.subf %get3A_222, %gather3A_101 : vector<16xf32>
      %sub3A_250 = arith.subf %get3A_224, %gather3A_104 : vector<16xf32>
      %sub3A_251 = arith.subf %get3A_226, %gather3A_107 : vector<16xf32>
      %mul3A_252 = arith.mulf %sub3A_249, %sub3A_249 : vector<16xf32>
      %mul3A_253 = arith.mulf %sub3A_250, %sub3A_250 : vector<16xf32>
      %add3A_254 = arith.addf %mul3A_252, %mul3A_253 : vector<16xf32>
      %mul3A_255 = arith.mulf %sub3A_251, %sub3A_251 : vector<16xf32>
      %add3A_256 = arith.addf %add3A_254, %mul3A_255 : vector<16xf32>
      %eq3A_257 = vector.broadcast %add3A_61 : i32 to vector<16xi32>
      %eq3A_258 = arith.cmpi eq, %add3A_232, %eq3A_257 : vector<16xi32>
      %broadcast_in_dim3A_259 = vector.broadcast %scan3A_46 : f32 to vector<16xf32>
      %select_n3A_260 = arith.select %eq3A_258, %broadcast_in_dim3A_259, %add3A_256 : vector<16xi1>, vector<16xf32>
      %masked_sort3A_261 = arith.constant dense<true> : vector<16xi1>
      %masked_sort3A_262, %masked_sort3A_263, %masked_sort3A_264 = tpu.sort %select_n3A_260, %add3A_232 masked %masked_sort3A_261 {descending = true} : (vector<16xf32>, vector<16xi32>, vector<16xi1>) -> (vector<16xi1>, vector<16xf32>, vector<16xi32>)
      %sub3A_265 = arith.subf %get3A_216, %gather3A_110 : vector<16xf32>
      %sub3A_266 = arith.subf %get3A_218, %gather3A_113 : vector<16xf32>
      %sub3A_267 = arith.subf %get3A_220, %gather3A_116 : vector<16xf32>
      %mul3A_268 = arith.mulf %sub3A_265, %sub3A_265 : vector<16xf32>
      %mul3A_269 = arith.mulf %sub3A_266, %sub3A_266 : vector<16xf32>
      %add3A_270 = arith.addf %mul3A_268, %mul3A_269 : vector<16xf32>
      %mul3A_271 = arith.mulf %sub3A_267, %sub3A_267 : vector<16xf32>
      %add3A_272 = arith.addf %add3A_270, %mul3A_271 : vector<16xf32>
      %eq3A_273 = vector.broadcast %add3A_63 : i32 to vector<16xi32>
      %eq3A_274 = arith.cmpi eq, %add3A_229, %eq3A_273 : vector<16xi32>
      %broadcast_in_dim3A_275 = vector.broadcast %scan3A_46 : f32 to vector<16xf32>
      %select_n3A_276 = arith.select %eq3A_274, %broadcast_in_dim3A_275, %add3A_272 : vector<16xi1>, vector<16xf32>
      %masked_sort3A_277 = arith.constant dense<true> : vector<16xi1>
      %masked_sort3A_278, %masked_sort3A_279, %masked_sort3A_280 = tpu.sort %select_n3A_276, %add3A_229 masked %masked_sort3A_277 {descending = true} : (vector<16xf32>, vector<16xi32>, vector<16xi1>) -> (vector<16xi1>, vector<16xf32>, vector<16xi32>)
      %sub3A_281 = arith.subf %get3A_222, %gather3A_110 : vector<16xf32>
      %sub3A_282 = arith.subf %get3A_224, %gather3A_113 : vector<16xf32>
      %sub3A_283 = arith.subf %get3A_226, %gather3A_116 : vector<16xf32>
      %mul3A_284 = arith.mulf %sub3A_281, %sub3A_281 : vector<16xf32>
      %mul3A_285 = arith.mulf %sub3A_282, %sub3A_282 : vector<16xf32>
      %add3A_286 = arith.addf %mul3A_284, %mul3A_285 : vector<16xf32>
      %mul3A_287 = arith.mulf %sub3A_283, %sub3A_283 : vector<16xf32>
      %add3A_288 = arith.addf %add3A_286, %mul3A_287 : vector<16xf32>
      %eq3A_289 = vector.broadcast %add3A_63 : i32 to vector<16xi32>
      %eq3A_290 = arith.cmpi eq, %add3A_232, %eq3A_289 : vector<16xi32>
      %broadcast_in_dim3A_291 = vector.broadcast %scan3A_46 : f32 to vector<16xf32>
      %select_n3A_292 = arith.select %eq3A_290, %broadcast_in_dim3A_291, %add3A_288 : vector<16xi1>, vector<16xf32>
      %masked_sort3A_293 = arith.constant dense<true> : vector<16xi1>
      %masked_sort3A_294, %masked_sort3A_295, %masked_sort3A_296 = tpu.sort %select_n3A_292, %add3A_232 masked %masked_sort3A_293 {descending = true} : (vector<16xf32>, vector<16xi32>, vector<16xi1>) -> (vector<16xi1>, vector<16xf32>, vector<16xi32>)
      %lt3A_297 = arith.cmpf olt, %masked_sort3A_201, %masked_sort3A_247 : vector<16xf32>
      %eq3A_298 = arith.cmpf oeq, %masked_sort3A_201, %masked_sort3A_247 : vector<16xf32>
      %lt3A_299 = arith.cmpi slt, %masked_sort3A_202, %masked_sort3A_248 : vector<16xi32>
      %and3A_300 = arith.andi %eq3A_298, %lt3A_299 : vector<16xi1>
      %or3A = arith.ori %lt3A_297, %and3A_300 : vector<16xi1>
      %select_n3A_301 = arith.select %or3A, %masked_sort3A_201, %masked_sort3A_247 : vector<16xi1>, vector<16xf32>
      %select_n3A_302 = arith.select %or3A, %masked_sort3A_202, %masked_sort3A_248 : vector<16xi1>, vector<16xi32>
      %masked_sort3A_303 = arith.constant dense<true> : vector<16xi1>
      %masked_sort3A_304, %masked_sort3A_305, %masked_sort3A_306 = tpu.sort %select_n3A_301, %select_n3A_302 masked %masked_sort3A_303 : (vector<16xf32>, vector<16xi32>, vector<16xi1>) -> (vector<16xi1>, vector<16xf32>, vector<16xi32>)
      %lt3A_307 = arith.cmpf olt, %masked_sort3A_205, %masked_sort3A_263 : vector<16xf32>
      %eq3A_308 = arith.cmpf oeq, %masked_sort3A_205, %masked_sort3A_263 : vector<16xf32>
      %lt3A_309 = arith.cmpi slt, %masked_sort3A_206, %masked_sort3A_264 : vector<16xi32>
      %and3A_310 = arith.andi %eq3A_308, %lt3A_309 : vector<16xi1>
      %or3A_311 = arith.ori %lt3A_307, %and3A_310 : vector<16xi1>
      %select_n3A_312 = arith.select %or3A_311, %masked_sort3A_205, %masked_sort3A_263 : vector<16xi1>, vector<16xf32>
      %select_n3A_313 = arith.select %or3A_311, %masked_sort3A_206, %masked_sort3A_264 : vector<16xi1>, vector<16xi32>
      %masked_sort3A_314 = arith.constant dense<true> : vector<16xi1>
      %masked_sort3A_315, %masked_sort3A_316, %masked_sort3A_317 = tpu.sort %select_n3A_312, %select_n3A_313 masked %masked_sort3A_314 : (vector<16xf32>, vector<16xi32>, vector<16xi1>) -> (vector<16xi1>, vector<16xf32>, vector<16xi32>)
      %lt3A_318 = arith.cmpf olt, %masked_sort3A_209, %masked_sort3A_279 : vector<16xf32>
      %eq3A_319 = arith.cmpf oeq, %masked_sort3A_209, %masked_sort3A_279 : vector<16xf32>
      %lt3A_320 = arith.cmpi slt, %masked_sort3A_210, %masked_sort3A_280 : vector<16xi32>
      %and3A_321 = arith.andi %eq3A_319, %lt3A_320 : vector<16xi1>
      %or3A_322 = arith.ori %lt3A_318, %and3A_321 : vector<16xi1>
      %select_n3A_323 = arith.select %or3A_322, %masked_sort3A_209, %masked_sort3A_279 : vector<16xi1>, vector<16xf32>
      %select_n3A_324 = arith.select %or3A_322, %masked_sort3A_210, %masked_sort3A_280 : vector<16xi1>, vector<16xi32>
      %masked_sort3A_325 = arith.constant dense<true> : vector<16xi1>
      %masked_sort3A_326, %masked_sort3A_327, %masked_sort3A_328 = tpu.sort %select_n3A_323, %select_n3A_324 masked %masked_sort3A_325 : (vector<16xf32>, vector<16xi32>, vector<16xi1>) -> (vector<16xi1>, vector<16xf32>, vector<16xi32>)
      %lt3A_329 = arith.cmpf olt, %masked_sort3A_213, %masked_sort3A_295 : vector<16xf32>
      %eq3A_330 = arith.cmpf oeq, %masked_sort3A_213, %masked_sort3A_295 : vector<16xf32>
      %lt3A_331 = arith.cmpi slt, %masked_sort3A_214, %masked_sort3A_296 : vector<16xi32>
      %and3A_332 = arith.andi %eq3A_330, %lt3A_331 : vector<16xi1>
      %or3A_333 = arith.ori %lt3A_329, %and3A_332 : vector<16xi1>
      %select_n3A_334 = arith.select %or3A_333, %masked_sort3A_213, %masked_sort3A_295 : vector<16xi1>, vector<16xf32>
      %select_n3A_335 = arith.select %or3A_333, %masked_sort3A_214, %masked_sort3A_296 : vector<16xi1>, vector<16xi32>
      %masked_sort3A_336 = arith.constant dense<true> : vector<16xi1>
      %masked_sort3A_337, %masked_sort3A_338, %masked_sort3A_339 = tpu.sort %select_n3A_334, %select_n3A_335 masked %masked_sort3A_336 : (vector<16xf32>, vector<16xi32>, vector<16xi1>) -> (vector<16xi1>, vector<16xf32>, vector<16xi32>)
      %get3A_340 = arith.constant 32 : index
      %get3A_341 = tpu.vector_load %arg5[%get3A_340] {strides = array<i32>} : memref<2048xf32, #tpu.memory_space<vmem>>, vector<16xf32>,
      %get3A_342 = arith.constant 32 : index
      %get3A_343 = tpu.vector_load %arg6[%get3A_342] {strides = array<i32>} : memref<2048xf32, #tpu.memory_space<vmem>>, vector<16xf32>,
      %get3A_344 = arith.constant 32 : index
      %get3A_345 = tpu.vector_load %arg7[%get3A_344] {strides = array<i32>} : memref<2048xf32, #tpu.memory_space<vmem>>, vector<16xf32>,
      %get3A_346 = arith.constant 160 : index
      %get3A_347 = tpu.vector_load %arg5[%get3A_346] {strides = array<i32>} : memref<2048xf32, #tpu.memory_space<vmem>>, vector<16xf32>,
      %get3A_348 = arith.constant 160 : index
      %get3A_349 = tpu.vector_load %arg6[%get3A_348] {strides = array<i32>} : memref<2048xf32, #tpu.memory_space<vmem>>, vector<16xf32>,
      %get3A_350 = arith.constant 160 : index
      %get3A_351 = tpu.vector_load %arg7[%get3A_350] {strides = array<i32>} : memref<2048xf32, #tpu.memory_space<vmem>>, vector<16xf32>,
      %add3A_352 = arith.constant 32 : i32
      %add3A_353 = vector.broadcast %add3A_352 : i32 to vector<16xi32>
      %add3A_354 = arith.addi %iota3A, %add3A_353 : vector<16xi32>
      %add3A_355 = arith.constant 160 : i32
      %add3A_356 = vector.broadcast %add3A_355 : i32 to vector<16xi32>
      %add3A_357 = arith.addi %iota3A, %add3A_356 : vector<16xi32>
      %sub3A_358 = arith.subf %get3A_341, %gather3A_101 : vector<16xf32>
      %sub3A_359 = arith.subf %get3A_343, %gather3A_104 : vector<16xf32>
      %sub3A_360 = arith.subf %get3A_345, %gather3A_107 : vector<16xf32>
      %mul3A_361 = arith.mulf %sub3A_358, %sub3A_358 : vector<16xf32>
      %mul3A_362 = arith.mulf %sub3A_359, %sub3A_359 : vector<16xf32>
      %add3A_363 = arith.addf %mul3A_361, %mul3A_362 : vector<16xf32>
      %mul3A_364 = arith.mulf %sub3A_360, %sub3A_360 : vector<16xf32>
      %add3A_365 = arith.addf %add3A_363, %mul3A_364 : vector<16xf32>
      %eq3A_366 = vector.broadcast %add3A_61 : i32 to vector<16xi32>
      %eq3A_367 = arith.cmpi eq, %add3A_354, %eq3A_366 : vector<16xi32>
      %broadcast_in_dim3A_368 = vector.broadcast %scan3A_46 : f32 to vector<16xf32>
      %select_n3A_369 = arith.select %eq3A_367, %broadcast_in_dim3A_368, %add3A_365 : vector<16xi1>, vector<16xf32>
      %masked_sort3A_370 = arith.constant dense<true> : vector<16xi1>
      %masked_sort3A_371, %masked_sort3A_372, %masked_sort3A_373 = tpu.sort %select_n3A_369, %add3A_354 masked %masked_sort3A_370 {descending = true} : (vector<16xf32>, vector<16xi32>, vector<16xi1>) -> (vector<16xi1>, vector<16xf32>, vector<16xi32>)
      %sub3A_374 = arith.subf %get3A_347, %gather3A_101 : vector<16xf32>
      %sub3A_375 = arith.subf %get3A_349, %gather3A_104 : vector<16xf32>
      %sub3A_376 = arith.subf %get3A_351, %gather3A_107 : vector<16xf32>
      %mul3A_377 = arith.mulf %sub3A_374, %sub3A_374 : vector<16xf32>
      %mul3A_378 = arith.mulf %sub3A_375, %sub3A_375 : vector<16xf32>
      %add3A_379 = arith.addf %mul3A_377, %mul3A_378 : vector<16xf32>
      %mul3A_380 = arith.mulf %sub3A_376, %sub3A_376 : vector<16xf32>
      %add3A_381 = arith.addf %add3A_379, %mul3A_380 : vector<16xf32>
      %eq3A_382 = vector.broadcast %add3A_61 : i32 to vector<16xi32>
      %eq3A_383 = arith.cmpi eq, %add3A_357, %eq3A_382 : vector<16xi32>
      %broadcast_in_dim3A_384 = vector.broadcast %scan3A_46 : f32 to vector<16xf32>
      %select_n3A_385 = arith.select %eq3A_383, %broadcast_in_dim3A_384, %add3A_381 : vector<16xi1>, vector<16xf32>
      %masked_sort3A_386 = arith.constant dense<true> : vector<16xi1>
      %masked_sort3A_387, %masked_sort3A_388, %masked_sort3A_389 = tpu.sort %select_n3A_385, %add3A_357 masked %masked_sort3A_386 {descending = true} : (vector<16xf32>, vector<16xi32>, vector<16xi1>) -> (vector<16xi1>, vector<16xf32>, vector<16xi32>)
      %sub3A_390 = arith.subf %get3A_341, %gather3A_110 : vector<16xf32>
      %sub3A_391 = arith.subf %get3A_343, %gather3A_113 : vector<16xf32>
      %sub3A_392 = arith.subf %get3A_345, %gather3A_116 : vector<16xf32>
      %mul3A_393 = arith.mulf %sub3A_390, %sub3A_390 : vector<16xf32>
      %mul3A_394 = arith.mulf %sub3A_391, %sub3A_391 : vector<16xf32>
      %add3A_395 = arith.addf %mul3A_393, %mul3A_394 : vector<16xf32>
      %mul3A_396 = arith.mulf %sub3A_392, %sub3A_392 : vector<16xf32>
      %add3A_397 = arith.addf %add3A_395, %mul3A_396 : vector<16xf32>
      %eq3A_398 = vector.broadcast %add3A_63 : i32 to vector<16xi32>
      %eq3A_399 = arith.cmpi eq, %add3A_354, %eq3A_398 : vector<16xi32>
      %broadcast_in_dim3A_400 = vector.broadcast %scan3A_46 : f32 to vector<16xf32>
      %select_n3A_401 = arith.select %eq3A_399, %broadcast_in_dim3A_400, %add3A_397 : vector<16xi1>, vector<16xf32>
      %masked_sort3A_402 = arith.constant dense<true> : vector<16xi1>
      %masked_sort3A_403, %masked_sort3A_404, %masked_sort3A_405 = tpu.sort %select_n3A_401, %add3A_354 masked %masked_sort3A_402 {descending = true} : (vector<16xf32>, vector<16xi32>, vector<16xi1>) -> (vector<16xi1>, vector<16xf32>, vector<16xi32>)
      %sub3A_406 = arith.subf %get3A_347, %gather3A_110 : vector<16xf32>
      %sub3A_407 = arith.subf %get3A_349, %gather3A_113 : vector<16xf32>
      %sub3A_408 = arith.subf %get3A_351, %gather3A_116 : vector<16xf32>
      %mul3A_409 = arith.mulf %sub3A_406, %sub3A_406 : vector<16xf32>
      %mul3A_410 = arith.mulf %sub3A_407, %sub3A_407 : vector<16xf32>
      %add3A_411 = arith.addf %mul3A_409, %mul3A_410 : vector<16xf32>
      %mul3A_412 = arith.mulf %sub3A_408, %sub3A_408 : vector<16xf32>
      %add3A_413 = arith.addf %add3A_411, %mul3A_412 : vector<16xf32>
      %eq3A_414 = vector.broadcast %add3A_63 : i32 to vector<16xi32>
      %eq3A_415 = arith.cmpi eq, %add3A_357, %eq3A_414 : vector<16xi32>
      %broadcast_in_dim3A_416 = vector.broadcast %scan3A_46 : f32 to vector<16xf32>
      %select_n3A_417 = arith.select %eq3A_415, %broadcast_in_dim3A_416, %add3A_413 : vector<16xi1>, vector<16xf32>
      %masked_sort3A_418 = arith.constant dense<true> : vector<16xi1>
      %masked_sort3A_419, %masked_sort3A_420, %masked_sort3A_421 = tpu.sort %select_n3A_417, %add3A_357 masked %masked_sort3A_418 {descending = true} : (vector<16xf32>, vector<16xi32>, vector<16xi1>) -> (vector<16xi1>, vector<16xf32>, vector<16xi32>)
      %lt3A_422 = arith.cmpf olt, %masked_sort3A_305, %masked_sort3A_372 : vector<16xf32>
      %eq3A_423 = arith.cmpf oeq, %masked_sort3A_305, %masked_sort3A_372 : vector<16xf32>
      %lt3A_424 = arith.cmpi slt, %masked_sort3A_306, %masked_sort3A_373 : vector<16xi32>
      %and3A_425 = arith.andi %eq3A_423, %lt3A_424 : vector<16xi1>
      %or3A_426 = arith.ori %lt3A_422, %and3A_425 : vector<16xi1>
      %select_n3A_427 = arith.select %or3A_426, %masked_sort3A_305, %masked_sort3A_372 : vector<16xi1>, vector<16xf32>
      %select_n3A_428 = arith.select %or3A_426, %masked_sort3A_306, %masked_sort3A_373 : vector<16xi1>, vector<16xi32>
      %masked_sort3A_429 = arith.constant dense<true> : vector<16xi1>
      %masked_sort3A_430, %masked_sort3A_431, %masked_sort3A_432 = tpu.sort %select_n3A_427, %select_n3A_428 masked %masked_sort3A_429 : (vector<16xf32>, vector<16xi32>, vector<16xi1>) -> (vector<16xi1>, vector<16xf32>, vector<16xi32>)
      %lt3A_433 = arith.cmpf olt, %masked_sort3A_316, %masked_sort3A_388 : vector<16xf32>
      %eq3A_434 = arith.cmpf oeq, %masked_sort3A_316, %masked_sort3A_388 : vector<16xf32>
      %lt3A_435 = arith.cmpi slt, %masked_sort3A_317, %masked_sort3A_389 : vector<16xi32>
      %and3A_436 = arith.andi %eq3A_434, %lt3A_435 : vector<16xi1>
      %or3A_437 = arith.ori %lt3A_433, %and3A_436 : vector<16xi1>
      %select_n3A_438 = arith.select %or3A_437, %masked_sort3A_316, %masked_sort3A_388 : vector<16xi1>, vector<16xf32>
      %select_n3A_439 = arith.select %or3A_437, %masked_sort3A_317, %masked_sort3A_389 : vector<16xi1>, vector<16xi32>
      %masked_sort3A_440 = arith.constant dense<true> : vector<16xi1>
      %masked_sort3A_441, %masked_sort3A_442, %masked_sort3A_443 = tpu.sort %select_n3A_438, %select_n3A_439 masked %masked_sort3A_440 : (vector<16xf32>, vector<16xi32>, vector<16xi1>) -> (vector<16xi1>, vector<16xf32>, vector<16xi32>)
      %lt3A_444 = arith.cmpf olt, %masked_sort3A_327, %masked_sort3A_404 : vector<16xf32>
      %eq3A_445 = arith.cmpf oeq, %masked_sort3A_327, %masked_sort3A_404 : vector<16xf32>
      %lt3A_446 = arith.cmpi slt, %masked_sort3A_328, %masked_sort3A_405 : vector<16xi32>
      %and3A_447 = arith.andi %eq3A_445, %lt3A_446 : vector<16xi1>
      %or3A_448 = arith.ori %lt3A_444, %and3A_447 : vector<16xi1>
      %select_n3A_449 = arith.select %or3A_448, %masked_sort3A_327, %masked_sort3A_404 : vector<16xi1>, vector<16xf32>
      %select_n3A_450 = arith.select %or3A_448, %masked_sort3A_328, %masked_sort3A_405 : vector<16xi1>, vector<16xi32>
      %masked_sort3A_451 = arith.constant dense<true> : vector<16xi1>
      %masked_sort3A_452, %masked_sort3A_453, %masked_sort3A_454 = tpu.sort %select_n3A_449, %select_n3A_450 masked %masked_sort3A_451 : (vector<16xf32>, vector<16xi32>, vector<16xi1>) -> (vector<16xi1>, vector<16xf32>, vector<16xi32>)
      %lt3A_455 = arith.cmpf olt, %masked_sort3A_338, %masked_sort3A_420 : vector<16xf32>
      %eq3A_456 = arith.cmpf oeq, %masked_sort3A_338, %masked_sort3A_420 : vector<16xf32>
      %lt3A_457 = arith.cmpi slt, %masked_sort3A_339, %masked_sort3A_421 : vector<16xi32>
      %and3A_458 = arith.andi %eq3A_456, %lt3A_457 : vector<16xi1>
      %or3A_459 = arith.ori %lt3A_455, %and3A_458 : vector<16xi1>
      %select_n3A_460 = arith.select %or3A_459, %masked_sort3A_338, %masked_sort3A_420 : vector<16xi1>, vector<16xf32>
      %select_n3A_461 = arith.select %or3A_459, %masked_sort3A_339, %masked_sort3A_421 : vector<16xi1>, vector<16xi32>
      %masked_sort3A_462 = arith.constant dense<true> : vector<16xi1>
      %masked_sort3A_463, %masked_sort3A_464, %masked_sort3A_465 = tpu.sort %select_n3A_460, %select_n3A_461 masked %masked_sort3A_462 : (vector<16xf32>, vector<16xi32>, vector<16xi1>) -> (vector<16xi1>, vector<16xf32>, vector<16xi32>)
      %get3A_466 = arith.constant 48 : index
      %get3A_467 = tpu.vector_load %arg5[%get3A_466] {strides = array<i32>} : memref<2048xf32, #tpu.memory_space<vmem>>, vector<16xf32>,
      %get3A_468 = arith.constant 48 : index
      %get3A_469 = tpu.vector_load %arg6[%get3A_468] {strides = array<i32>} : memref<2048xf32, #tpu.memory_space<vmem>>, vector<16xf32>,
      %get3A_470 = arith.constant 48 : index
      %get3A_471 = tpu.vector_load %arg7[%get3A_470] {strides = array<i32>} : memref<2048xf32, #tpu.memory_space<vmem>>, vector<16xf32>,
      %get3A_472 = arith.constant 176 : index
      %get3A_473 = tpu.vector_load %arg5[%get3A_472] {strides = array<i32>} : memref<2048xf32, #tpu.memory_space<vmem>>, vector<16xf32>,
      %get3A_474 = arith.constant 176 : index
      %get3A_475 = tpu.vector_load %arg6[%get3A_474] {strides = array<i32>} : memref<2048xf32, #tpu.memory_space<vmem>>, vector<16xf32>,
      %get3A_476 = arith.constant 176 : index
      %get3A_477 = tpu.vector_load %arg7[%get3A_476] {strides = array<i32>} : memref<2048xf32, #tpu.memory_space<vmem>>, vector<16xf32>,
      %add3A_478 = arith.constant 48 : i32
      %add3A_479 = vector.broadcast %add3A_478 : i32 to vector<16xi32>
      %add3A_480 = arith.addi %iota3A, %add3A_479 : vector<16xi32>
      %add3A_481 = arith.constant 176 : i32
      %add3A_482 = vector.broadcast %add3A_481 : i32 to vector<16xi32>
      %add3A_483 = arith.addi %iota3A, %add3A_482 : vector<16xi32>
      %sub3A_484 = arith.subf %get3A_467, %gather3A_101 : vector<16xf32>
      %sub3A_485 = arith.subf %get3A_469, %gather3A_104 : vector<16xf32>
      %sub3A_486 = arith.subf %get3A_471, %gather3A_107 : vector<16xf32>
      %mul3A_487 = arith.mulf %sub3A_484, %sub3A_484 : vector<16xf32>
      %mul3A_488 = arith.mulf %sub3A_485, %sub3A_485 : vector<16xf32>
      %add3A_489 = arith.addf %mul3A_487, %mul3A_488 : vector<16xf32>
      %mul3A_490 = arith.mulf %sub3A_486, %sub3A_486 : vector<16xf32>
      %add3A_491 = arith.addf %add3A_489, %mul3A_490 : vector<16xf32>
      %eq3A_492 = vector.broadcast %add3A_61 : i32 to vector<16xi32>
      %eq3A_493 = arith.cmpi eq, %add3A_480, %eq3A_492 : vector<16xi32>
      %broadcast_in_dim3A_494 = vector.broadcast %scan3A_46 : f32 to vector<16xf32>
      %select_n3A_495 = arith.select %eq3A_493, %broadcast_in_dim3A_494, %add3A_491 : vector<16xi1>, vector<16xf32>
      %masked_sort3A_496 = arith.constant dense<true> : vector<16xi1>
      %masked_sort3A_497, %masked_sort3A_498, %masked_sort3A_499 = tpu.sort %select_n3A_495, %add3A_480 masked %masked_sort3A_496 {descending = true} : (vector<16xf32>, vector<16xi32>, vector<16xi1>) -> (vector<16xi1>, vector<16xf32>, vector<16xi32>)
      %sub3A_500 = arith.subf %get3A_473, %gather3A_101 : vector<16xf32>
      %sub3A_501 = arith.subf %get3A_475, %gather3A_104 : vector<16xf32>
      %sub3A_502 = arith.subf %get3A_477, %gather3A_107 : vector<16xf32>
      %mul3A_503 = arith.mulf %sub3A_500, %sub3A_500 : vector<16xf32>
      %mul3A_504 = arith.mulf %sub3A_501, %sub3A_501 : vector<16xf32>
      %add3A_505 = arith.addf %mul3A_503, %mul3A_504 : vector<16xf32>
      %mul3A_506 = arith.mulf %sub3A_502, %sub3A_502 : vector<16xf32>
      %add3A_507 = arith.addf %add3A_505, %mul3A_506 : vector<16xf32>
      %eq3A_508 = vector.broadcast %add3A_61 : i32 to vector<16xi32>
      %eq3A_509 = arith.cmpi eq, %add3A_483, %eq3A_508 : vector<16xi32>
      %broadcast_in_dim3A_510 = vector.broadcast %scan3A_46 : f32 to vector<16xf32>
      %select_n3A_511 = arith.select %eq3A_509, %broadcast_in_dim3A_510, %add3A_507 : vector<16xi1>, vector<16xf32>
      %masked_sort3A_512 = arith.constant dense<true> : vector<16xi1>
      %masked_sort3A_513, %masked_sort3A_514, %masked_sort3A_515 = tpu.sort %select_n3A_511, %add3A_483 masked %masked_sort3A_512 {descending = true} : (vector<16xf32>, vector<16xi32>, vector<16xi1>) -> (vector<16xi1>, vector<16xf32>, vector<16xi32>)
      %sub3A_516 = arith.subf %get3A_467, %gather3A_110 : vector<16xf32>
      %sub3A_517 = arith.subf %get3A_469, %gather3A_113 : vector<16xf32>
      %sub3A_518 = arith.subf %get3A_471, %gather3A_116 : vector<16xf32>
      %mul3A_519 = arith.mulf %sub3A_516, %sub3A_516 : vector<16xf32>
      %mul3A_520 = arith.mulf %sub3A_517, %sub3A_517 : vector<16xf32>
      %add3A_521 = arith.addf %mul3A_519, %mul3A_520 : vector<16xf32>
      %mul3A_522 = arith.mulf %sub3A_518, %sub3A_518 : vector<16xf32>
      %add3A_523 = arith.addf %add3A_521, %mul3A_522 : vector<16xf32>
      %eq3A_524 = vector.broadcast %add3A_63 : i32 to vector<16xi32>
      %eq3A_525 = arith.cmpi eq, %add3A_480, %eq3A_524 : vector<16xi32>
      %broadcast_in_dim3A_526 = vector.broadcast %scan3A_46 : f32 to vector<16xf32>
      %select_n3A_527 = arith.select %eq3A_525, %broadcast_in_dim3A_526, %add3A_523 : vector<16xi1>, vector<16xf32>
      %masked_sort3A_528 = arith.constant dense<true> : vector<16xi1>
      %masked_sort3A_529, %masked_sort3A_530, %masked_sort3A_531 = tpu.sort %select_n3A_527, %add3A_480 masked %masked_sort3A_528 {descending = true} : (vector<16xf32>, vector<16xi32>, vector<16xi1>) -> (vector<16xi1>, vector<16xf32>, vector<16xi32>)
      %sub3A_532 = arith.subf %get3A_473, %gather3A_110 : vector<16xf32>
      %sub3A_533 = arith.subf %get3A_475, %gather3A_113 : vector<16xf32>
      %sub3A_534 = arith.subf %get3A_477, %gather3A_116 : vector<16xf32>
      %mul3A_535 = arith.mulf %sub3A_532, %sub3A_532 : vector<16xf32>
      %mul3A_536 = arith.mulf %sub3A_533, %sub3A_533 : vector<16xf32>
      %add3A_537 = arith.addf %mul3A_535, %mul3A_536 : vector<16xf32>
      %mul3A_538 = arith.mulf %sub3A_534, %sub3A_534 : vector<16xf32>
      %add3A_539 = arith.addf %add3A_537, %mul3A_538 : vector<16xf32>
      %eq3A_540 = vector.broadcast %add3A_63 : i32 to vector<16xi32>
      %eq3A_541 = arith.cmpi eq, %add3A_483, %eq3A_540 : vector<16xi32>
      %broadcast_in_dim3A_542 = vector.broadcast %scan3A_46 : f32 to vector<16xf32>
      %select_n3A_543 = arith.select %eq3A_541, %broadcast_in_dim3A_542, %add3A_539 : vector<16xi1>, vector<16xf32>
      %masked_sort3A_544 = arith.constant dense<true> : vector<16xi1>
      %masked_sort3A_545, %masked_sort3A_546, %masked_sort3A_547 = tpu.sort %select_n3A_543, %add3A_483 masked %masked_sort3A_544 {descending = true} : (vector<16xf32>, vector<16xi32>, vector<16xi1>) -> (vector<16xi1>, vector<16xf32>, vector<16xi32>)
      %lt3A_548 = arith.cmpf olt, %masked_sort3A_431, %masked_sort3A_498 : vector<16xf32>
      %eq3A_549 = arith.cmpf oeq, %masked_sort3A_431, %masked_sort3A_498 : vector<16xf32>
      %lt3A_550 = arith.cmpi slt, %masked_sort3A_432, %masked_sort3A_499 : vector<16xi32>
      %and3A_551 = arith.andi %eq3A_549, %lt3A_550 : vector<16xi1>
      %or3A_552 = arith.ori %lt3A_548, %and3A_551 : vector<16xi1>
      %select_n3A_553 = arith.select %or3A_552, %masked_sort3A_431, %masked_sort3A_498 : vector<16xi1>, vector<16xf32>
      %select_n3A_554 = arith.select %or3A_552, %masked_sort3A_432, %masked_sort3A_499 : vector<16xi1>, vector<16xi32>
      %masked_sort3A_555 = arith.constant dense<true> : vector<16xi1>
      %masked_sort3A_556, %masked_sort3A_557, %masked_sort3A_558 = tpu.sort %select_n3A_553, %select_n3A_554 masked %masked_sort3A_555 : (vector<16xf32>, vector<16xi32>, vector<16xi1>) -> (vector<16xi1>, vector<16xf32>, vector<16xi32>)
      %lt3A_559 = arith.cmpf olt, %masked_sort3A_442, %masked_sort3A_514 : vector<16xf32>
      %eq3A_560 = arith.cmpf oeq, %masked_sort3A_442, %masked_sort3A_514 : vector<16xf32>
      %lt3A_561 = arith.cmpi slt, %masked_sort3A_443, %masked_sort3A_515 : vector<16xi32>
      %and3A_562 = arith.andi %eq3A_560, %lt3A_561 : vector<16xi1>
      %or3A_563 = arith.ori %lt3A_559, %and3A_562 : vector<16xi1>
      %select_n3A_564 = arith.select %or3A_563, %masked_sort3A_442, %masked_sort3A_514 : vector<16xi1>, vector<16xf32>
      %select_n3A_565 = arith.select %or3A_563, %masked_sort3A_443, %masked_sort3A_515 : vector<16xi1>, vector<16xi32>
      %masked_sort3A_566 = arith.constant dense<true> : vector<16xi1>
      %masked_sort3A_567, %masked_sort3A_568, %masked_sort3A_569 = tpu.sort %select_n3A_564, %select_n3A_565 masked %masked_sort3A_566 : (vector<16xf32>, vector<16xi32>, vector<16xi1>) -> (vector<16xi1>, vector<16xf32>, vector<16xi32>)
      %lt3A_570 = arith.cmpf olt, %masked_sort3A_453, %masked_sort3A_530 : vector<16xf32>
      %eq3A_571 = arith.cmpf oeq, %masked_sort3A_453, %masked_sort3A_530 : vector<16xf32>
      %lt3A_572 = arith.cmpi slt, %masked_sort3A_454, %masked_sort3A_531 : vector<16xi32>
      %and3A_573 = arith.andi %eq3A_571, %lt3A_572 : vector<16xi1>
      %or3A_574 = arith.ori %lt3A_570, %and3A_573 : vector<16xi1>
      %select_n3A_575 = arith.select %or3A_574, %masked_sort3A_453, %masked_sort3A_530 : vector<16xi1>, vector<16xf32>
      %select_n3A_576 = arith.select %or3A_574, %masked_sort3A_454, %masked_sort3A_531 : vector<16xi1>, vector<16xi32>
      %masked_sort3A_577 = arith.constant dense<true> : vector<16xi1>
      %masked_sort3A_578, %masked_sort3A_579, %masked_sort3A_580 = tpu.sort %select_n3A_575, %select_n3A_576 masked %masked_sort3A_577 : (vector<16xf32>, vector<16xi32>, vector<16xi1>) -> (vector<16xi1>, vector<16xf32>, vector<16xi32>)
      %lt3A_581 = arith.cmpf olt, %masked_sort3A_464, %masked_sort3A_546 : vector<16xf32>
      %eq3A_582 = arith.cmpf oeq, %masked_sort3A_464, %masked_sort3A_546 : vector<16xf32>
      %lt3A_583 = arith.cmpi slt, %masked_sort3A_465, %masked_sort3A_547 : vector<16xi32>
      %and3A_584 = arith.andi %eq3A_582, %lt3A_583 : vector<16xi1>
      %or3A_585 = arith.ori %lt3A_581, %and3A_584 : vector<16xi1>
      %select_n3A_586 = arith.select %or3A_585, %masked_sort3A_464, %masked_sort3A_546 : vector<16xi1>, vector<16xf32>
      %select_n3A_587 = arith.select %or3A_585, %masked_sort3A_465, %masked_sort3A_547 : vector<16xi1>, vector<16xi32>
      %masked_sort3A_588 = arith.constant dense<true> : vector<16xi1>
      %masked_sort3A_589, %masked_sort3A_590, %masked_sort3A_591 = tpu.sort %select_n3A_586, %select_n3A_587 masked %masked_sort3A_588 : (vector<16xf32>, vector<16xi32>, vector<16xi1>) -> (vector<16xi1>, vector<16xf32>, vector<16xi32>)
      %get3A_592 = arith.constant 64 : index
      %get3A_593 = tpu.vector_load %arg5[%get3A_592] {strides = array<i32>} : memref<2048xf32, #tpu.memory_space<vmem>>, vector<16xf32>,
      %get3A_594 = arith.constant 64 : index
      %get3A_595 = tpu.vector_load %arg6[%get3A_594] {strides = array<i32>} : memref<2048xf32, #tpu.memory_space<vmem>>, vector<16xf32>,
      %get3A_596 = arith.constant 64 : index
      %get3A_597 = tpu.vector_load %arg7[%get3A_596] {strides = array<i32>} : memref<2048xf32, #tpu.memory_space<vmem>>, vector<16xf32>,
      %get3A_598 = arith.constant 192 : index
      %get3A_599 = tpu.vector_load %arg5[%get3A_598] {strides = array<i32>} : memref<2048xf32, #tpu.memory_space<vmem>>, vector<16xf32>,
      %get3A_600 = arith.constant 192 : index
      %get3A_601 = tpu.vector_load %arg6[%get3A_600] {strides = array<i32>} : memref<2048xf32, #tpu.memory_space<vmem>>, vector<16xf32>,
      %get3A_602 = arith.constant 192 : index
      %get3A_603 = tpu.vector_load %arg7[%get3A_602] {strides = array<i32>} : memref<2048xf32, #tpu.memory_space<vmem>>, vector<16xf32>,
      %add3A_604 = arith.constant 64 : i32
      %add3A_605 = vector.broadcast %add3A_604 : i32 to vector<16xi32>
      %add3A_606 = arith.addi %iota3A, %add3A_605 : vector<16xi32>
      %add3A_607 = arith.constant 192 : i32
      %add3A_608 = vector.broadcast %add3A_607 : i32 to vector<16xi32>
      %add3A_609 = arith.addi %iota3A, %add3A_608 : vector<16xi32>
      %sub3A_610 = arith.subf %get3A_593, %gather3A_101 : vector<16xf32>
      %sub3A_611 = arith.subf %get3A_595, %gather3A_104 : vector<16xf32>
      %sub3A_612 = arith.subf %get3A_597, %gather3A_107 : vector<16xf32>
      %mul3A_613 = arith.mulf %sub3A_610, %sub3A_610 : vector<16xf32>
      %mul3A_614 = arith.mulf %sub3A_611, %sub3A_611 : vector<16xf32>
      %add3A_615 = arith.addf %mul3A_613, %mul3A_614 : vector<16xf32>
      %mul3A_616 = arith.mulf %sub3A_612, %sub3A_612 : vector<16xf32>
      %add3A_617 = arith.addf %add3A_615, %mul3A_616 : vector<16xf32>
      %eq3A_618 = vector.broadcast %add3A_61 : i32 to vector<16xi32>
      %eq3A_619 = arith.cmpi eq, %add3A_606, %eq3A_618 : vector<16xi32>
      %broadcast_in_dim3A_620 = vector.broadcast %scan3A_46 : f32 to vector<16xf32>
      %select_n3A_621 = arith.select %eq3A_619, %broadcast_in_dim3A_620, %add3A_617 : vector<16xi1>, vector<16xf32>
      %masked_sort3A_622 = arith.constant dense<true> : vector<16xi1>
      %masked_sort3A_623, %masked_sort3A_624, %masked_sort3A_625 = tpu.sort %select_n3A_621, %add3A_606 masked %masked_sort3A_622 {descending = true} : (vector<16xf32>, vector<16xi32>, vector<16xi1>) -> (vector<16xi1>, vector<16xf32>, vector<16xi32>)
      %sub3A_626 = arith.subf %get3A_599, %gather3A_101 : vector<16xf32>
      %sub3A_627 = arith.subf %get3A_601, %gather3A_104 : vector<16xf32>
      %sub3A_628 = arith.subf %get3A_603, %gather3A_107 : vector<16xf32>
      %mul3A_629 = arith.mulf %sub3A_626, %sub3A_626 : vector<16xf32>
      %mul3A_630 = arith.mulf %sub3A_627, %sub3A_627 : vector<16xf32>
      %add3A_631 = arith.addf %mul3A_629, %mul3A_630 : vector<16xf32>
      %mul3A_632 = arith.mulf %sub3A_628, %sub3A_628 : vector<16xf32>
      %add3A_633 = arith.addf %add3A_631, %mul3A_632 : vector<16xf32>
      %eq3A_634 = vector.broadcast %add3A_61 : i32 to vector<16xi32>
      %eq3A_635 = arith.cmpi eq, %add3A_609, %eq3A_634 : vector<16xi32>
      %broadcast_in_dim3A_636 = vector.broadcast %scan3A_46 : f32 to vector<16xf32>
      %select_n3A_637 = arith.select %eq3A_635, %broadcast_in_dim3A_636, %add3A_633 : vector<16xi1>, vector<16xf32>
      %masked_sort3A_638 = arith.constant dense<true> : vector<16xi1>
      %masked_sort3A_639, %masked_sort3A_640, %masked_sort3A_641 = tpu.sort %select_n3A_637, %add3A_609 masked %masked_sort3A_638 {descending = true} : (vector<16xf32>, vector<16xi32>, vector<16xi1>) -> (vector<16xi1>, vector<16xf32>, vector<16xi32>)
      %sub3A_642 = arith.subf %get3A_593, %gather3A_110 : vector<16xf32>
      %sub3A_643 = arith.subf %get3A_595, %gather3A_113 : vector<16xf32>
      %sub3A_644 = arith.subf %get3A_597, %gather3A_116 : vector<16xf32>
      %mul3A_645 = arith.mulf %sub3A_642, %sub3A_642 : vector<16xf32>
      %mul3A_646 = arith.mulf %sub3A_643, %sub3A_643 : vector<16xf32>
      %add3A_647 = arith.addf %mul3A_645, %mul3A_646 : vector<16xf32>
      %mul3A_648 = arith.mulf %sub3A_644, %sub3A_644 : vector<16xf32>
      %add3A_649 = arith.addf %add3A_647, %mul3A_648 : vector<16xf32>
      %eq3A_650 = vector.broadcast %add3A_63 : i32 to vector<16xi32>
      %eq3A_651 = arith.cmpi eq, %add3A_606, %eq3A_650 : vector<16xi32>
      %broadcast_in_dim3A_652 = vector.broadcast %scan3A_46 : f32 to vector<16xf32>
      %select_n3A_653 = arith.select %eq3A_651, %broadcast_in_dim3A_652, %add3A_649 : vector<16xi1>, vector<16xf32>
      %masked_sort3A_654 = arith.constant dense<true> : vector<16xi1>
      %masked_sort3A_655, %masked_sort3A_656, %masked_sort3A_657 = tpu.sort %select_n3A_653, %add3A_606 masked %masked_sort3A_654 {descending = true} : (vector<16xf32>, vector<16xi32>, vector<16xi1>) -> (vector<16xi1>, vector<16xf32>, vector<16xi32>)
      %sub3A_658 = arith.subf %get3A_599, %gather3A_110 : vector<16xf32>
      %sub3A_659 = arith.subf %get3A_601, %gather3A_113 : vector<16xf32>
      %sub3A_660 = arith.subf %get3A_603, %gather3A_116 : vector<16xf32>
      %mul3A_661 = arith.mulf %sub3A_658, %sub3A_658 : vector<16xf32>
      %mul3A_662 = arith.mulf %sub3A_659, %sub3A_659 : vector<16xf32>
      %add3A_663 = arith.addf %mul3A_661, %mul3A_662 : vector<16xf32>
      %mul3A_664 = arith.mulf %sub3A_660, %sub3A_660 : vector<16xf32>
      %add3A_665 = arith.addf %add3A_663, %mul3A_664 : vector<16xf32>
      %eq3A_666 = vector.broadcast %add3A_63 : i32 to vector<16xi32>
      %eq3A_667 = arith.cmpi eq, %add3A_609, %eq3A_666 : vector<16xi32>
      %broadcast_in_dim3A_668 = vector.broadcast %scan3A_46 : f32 to vector<16xf32>
      %select_n3A_669 = arith.select %eq3A_667, %broadcast_in_dim3A_668, %add3A_665 : vector<16xi1>, vector<16xf32>
      %masked_sort3A_670 = arith.constant dense<true> : vector<16xi1>
      %masked_sort3A_671, %masked_sort3A_672, %masked_sort3A_673 = tpu.sort %select_n3A_669, %add3A_609 masked %masked_sort3A_670 {descending = true} : (vector<16xf32>, vector<16xi32>, vector<16xi1>) -> (vector<16xi1>, vector<16xf32>, vector<16xi32>)
      %lt3A_674 = arith.cmpf olt, %masked_sort3A_557, %masked_sort3A_624 : vector<16xf32>
      %eq3A_675 = arith.cmpf oeq, %masked_sort3A_557, %masked_sort3A_624 : vector<16xf32>
      %lt3A_676 = arith.cmpi slt, %masked_sort3A_558, %masked_sort3A_625 : vector<16xi32>
      %and3A_677 = arith.andi %eq3A_675, %lt3A_676 : vector<16xi1>
      %or3A_678 = arith.ori %lt3A_674, %and3A_677 : vector<16xi1>
      %select_n3A_679 = arith.select %or3A_678, %masked_sort3A_557, %masked_sort3A_624 : vector<16xi1>, vector<16xf32>
      %select_n3A_680 = arith.select %or3A_678, %masked_sort3A_558, %masked_sort3A_625 : vector<16xi1>, vector<16xi32>
      %masked_sort3A_681 = arith.constant dense<true> : vector<16xi1>
      %masked_sort3A_682, %masked_sort3A_683, %masked_sort3A_684 = tpu.sort %select_n3A_679, %select_n3A_680 masked %masked_sort3A_681 : (vector<16xf32>, vector<16xi32>, vector<16xi1>) -> (vector<16xi1>, vector<16xf32>, vector<16xi32>)
      %lt3A_685 = arith.cmpf olt, %masked_sort3A_568, %masked_sort3A_640 : vector<16xf32>
      %eq3A_686 = arith.cmpf oeq, %masked_sort3A_568, %masked_sort3A_640 : vector<16xf32>
      %lt3A_687 = arith.cmpi slt, %masked_sort3A_569, %masked_sort3A_641 : vector<16xi32>
      %and3A_688 = arith.andi %eq3A_686, %lt3A_687 : vector<16xi1>
      %or3A_689 = arith.ori %lt3A_685, %and3A_688 : vector<16xi1>
      %select_n3A_690 = arith.select %or3A_689, %masked_sort3A_568, %masked_sort3A_640 : vector<16xi1>, vector<16xf32>
      %select_n3A_691 = arith.select %or3A_689, %masked_sort3A_569, %masked_sort3A_641 : vector<16xi1>, vector<16xi32>
      %masked_sort3A_692 = arith.constant dense<true> : vector<16xi1>
      %masked_sort3A_693, %masked_sort3A_694, %masked_sort3A_695 = tpu.sort %select_n3A_690, %select_n3A_691 masked %masked_sort3A_692 : (vector<16xf32>, vector<16xi32>, vector<16xi1>) -> (vector<16xi1>, vector<16xf32>, vector<16xi32>)
      %lt3A_696 = arith.cmpf olt, %masked_sort3A_579, %masked_sort3A_656 : vector<16xf32>
      %eq3A_697 = arith.cmpf oeq, %masked_sort3A_579, %masked_sort3A_656 : vector<16xf32>
      %lt3A_698 = arith.cmpi slt, %masked_sort3A_580, %masked_sort3A_657 : vector<16xi32>
      %and3A_699 = arith.andi %eq3A_697, %lt3A_698 : vector<16xi1>
      %or3A_700 = arith.ori %lt3A_696, %and3A_699 : vector<16xi1>
      %select_n3A_701 = arith.select %or3A_700, %masked_sort3A_579, %masked_sort3A_656 : vector<16xi1>, vector<16xf32>
      %select_n3A_702 = arith.select %or3A_700, %masked_sort3A_580, %masked_sort3A_657 : vector<16xi1>, vector<16xi32>
      %masked_sort3A_703 = arith.constant dense<true> : vector<16xi1>
      %masked_sort3A_704, %masked_sort3A_705, %masked_sort3A_706 = tpu.sort %select_n3A_701, %select_n3A_702 masked %masked_sort3A_703 : (vector<16xf32>, vector<16xi32>, vector<16xi1>) -> (vector<16xi1>, vector<16xf32>, vector<16xi32>)
      %lt3A_707 = arith.cmpf olt, %masked_sort3A_590, %masked_sort3A_672 : vector<16xf32>
      %eq3A_708 = arith.cmpf oeq, %masked_sort3A_590, %masked_sort3A_672 : vector<16xf32>
      %lt3A_709 = arith.cmpi slt, %masked_sort3A_591, %masked_sort3A_673 : vector<16xi32>
      %and3A_710 = arith.andi %eq3A_708, %lt3A_709 : vector<16xi1>
      %or3A_711 = arith.ori %lt3A_707, %and3A_710 : vector<16xi1>
      %select_n3A_712 = arith.select %or3A_711, %masked_sort3A_590, %masked_sort3A_672 : vector<16xi1>, vector<16xf32>
      %select_n3A_713 = arith.select %or3A_711, %masked_sort3A_591, %masked_sort3A_673 : vector<16xi1>, vector<16xi32>
      %masked_sort3A_714 = arith.constant dense<true> : vector<16xi1>
      %masked_sort3A_715, %masked_sort3A_716, %masked_sort3A_717 = tpu.sort %select_n3A_712, %select_n3A_713 masked %masked_sort3A_714 : (vector<16xf32>, vector<16xi32>, vector<16xi1>) -> (vector<16xi1>, vector<16xf32>, vector<16xi32>)
      %get3A_718 = arith.constant 80 : index
      %get3A_719 = tpu.vector_load %arg5[%get3A_718] {strides = array<i32>} : memref<2048xf32, #tpu.memory_space<vmem>>, vector<16xf32>,
      %get3A_720 = arith.constant 80 : index
      %get3A_721 = tpu.vector_load %arg6[%get3A_720] {strides = array<i32>} : memref<2048xf32, #tpu.memory_space<vmem>>, vector<16xf32>,
      %get3A_722 = arith.constant 80 : index
      %get3A_723 = tpu.vector_load %arg7[%get3A_722] {strides = array<i32>} : memref<2048xf32, #tpu.memory_space<vmem>>, vector<16xf32>,
      %get3A_724 = arith.constant 208 : index
      %get3A_725 = tpu.vector_load %arg5[%get3A_724] {strides = array<i32>} : memref<2048xf32, #tpu.memory_space<vmem>>, vector<16xf32>,
      %get3A_726 = arith.constant 208 : index
      %get3A_727 = tpu.vector_load %arg6[%get3A_726] {strides = array<i32>} : memref<2048xf32, #tpu.memory_space<vmem>>, vector<16xf32>,
      %get3A_728 = arith.constant 208 : index
      %get3A_729 = tpu.vector_load %arg7[%get3A_728] {strides = array<i32>} : memref<2048xf32, #tpu.memory_space<vmem>>, vector<16xf32>,
      %add3A_730 = arith.constant 80 : i32
      %add3A_731 = vector.broadcast %add3A_730 : i32 to vector<16xi32>
      %add3A_732 = arith.addi %iota3A, %add3A_731 : vector<16xi32>
      %add3A_733 = arith.constant 208 : i32
      %add3A_734 = vector.broadcast %add3A_733 : i32 to vector<16xi32>
      %add3A_735 = arith.addi %iota3A, %add3A_734 : vector<16xi32>
      %sub3A_736 = arith.subf %get3A_719, %gather3A_101 : vector<16xf32>
      %sub3A_737 = arith.subf %get3A_721, %gather3A_104 : vector<16xf32>
      %sub3A_738 = arith.subf %get3A_723, %gather3A_107 : vector<16xf32>
      %mul3A_739 = arith.mulf %sub3A_736, %sub3A_736 : vector<16xf32>
      %mul3A_740 = arith.mulf %sub3A_737, %sub3A_737 : vector<16xf32>
      %add3A_741 = arith.addf %mul3A_739, %mul3A_740 : vector<16xf32>
      %mul3A_742 = arith.mulf %sub3A_738, %sub3A_738 : vector<16xf32>
      %add3A_743 = arith.addf %add3A_741, %mul3A_742 : vector<16xf32>
      %eq3A_744 = vector.broadcast %add3A_61 : i32 to vector<16xi32>
      %eq3A_745 = arith.cmpi eq, %add3A_732, %eq3A_744 : vector<16xi32>
      %broadcast_in_dim3A_746 = vector.broadcast %scan3A_46 : f32 to vector<16xf32>
      %select_n3A_747 = arith.select %eq3A_745, %broadcast_in_dim3A_746, %add3A_743 : vector<16xi1>, vector<16xf32>
      %masked_sort3A_748 = arith.constant dense<true> : vector<16xi1>
      %masked_sort3A_749, %masked_sort3A_750, %masked_sort3A_751 = tpu.sort %select_n3A_747, %add3A_732 masked %masked_sort3A_748 {descending = true} : (vector<16xf32>, vector<16xi32>, vector<16xi1>) -> (vector<16xi1>, vector<16xf32>, vector<16xi32>)
      %sub3A_752 = arith.subf %get3A_725, %gather3A_101 : vector<16xf32>
      %sub3A_753 = arith.subf %get3A_727, %gather3A_104 : vector<16xf32>
      %sub3A_754 = arith.subf %get3A_729, %gather3A_107 : vector<16xf32>
      %mul3A_755 = arith.mulf %sub3A_752, %sub3A_752 : vector<16xf32>
      %mul3A_756 = arith.mulf %sub3A_753, %sub3A_753 : vector<16xf32>
      %add3A_757 = arith.addf %mul3A_755, %mul3A_756 : vector<16xf32>
      %mul3A_758 = arith.mulf %sub3A_754, %sub3A_754 : vector<16xf32>
      %add3A_759 = arith.addf %add3A_757, %mul3A_758 : vector<16xf32>
      %eq3A_760 = vector.broadcast %add3A_61 : i32 to vector<16xi32>
      %eq3A_761 = arith.cmpi eq, %add3A_735, %eq3A_760 : vector<16xi32>
      %broadcast_in_dim3A_762 = vector.broadcast %scan3A_46 : f32 to vector<16xf32>
      %select_n3A_763 = arith.select %eq3A_761, %broadcast_in_dim3A_762, %add3A_759 : vector<16xi1>, vector<16xf32>
      %masked_sort3A_764 = arith.constant dense<true> : vector<16xi1>
      %masked_sort3A_765, %masked_sort3A_766, %masked_sort3A_767 = tpu.sort %select_n3A_763, %add3A_735 masked %masked_sort3A_764 {descending = true} : (vector<16xf32>, vector<16xi32>, vector<16xi1>) -> (vector<16xi1>, vector<16xf32>, vector<16xi32>)
      %sub3A_768 = arith.subf %get3A_719, %gather3A_110 : vector<16xf32>
      %sub3A_769 = arith.subf %get3A_721, %gather3A_113 : vector<16xf32>
      %sub3A_770 = arith.subf %get3A_723, %gather3A_116 : vector<16xf32>
      %mul3A_771 = arith.mulf %sub3A_768, %sub3A_768 : vector<16xf32>
      %mul3A_772 = arith.mulf %sub3A_769, %sub3A_769 : vector<16xf32>
      %add3A_773 = arith.addf %mul3A_771, %mul3A_772 : vector<16xf32>
      %mul3A_774 = arith.mulf %sub3A_770, %sub3A_770 : vector<16xf32>
      %add3A_775 = arith.addf %add3A_773, %mul3A_774 : vector<16xf32>
      %eq3A_776 = vector.broadcast %add3A_63 : i32 to vector<16xi32>
      %eq3A_777 = arith.cmpi eq, %add3A_732, %eq3A_776 : vector<16xi32>
      %broadcast_in_dim3A_778 = vector.broadcast %scan3A_46 : f32 to vector<16xf32>
      %select_n3A_779 = arith.select %eq3A_777, %broadcast_in_dim3A_778, %add3A_775 : vector<16xi1>, vector<16xf32>
      %masked_sort3A_780 = arith.constant dense<true> : vector<16xi1>
      %masked_sort3A_781, %masked_sort3A_782, %masked_sort3A_783 = tpu.sort %select_n3A_779, %add3A_732 masked %masked_sort3A_780 {descending = true} : (vector<16xf32>, vector<16xi32>, vector<16xi1>) -> (vector<16xi1>, vector<16xf32>, vector<16xi32>)
      %sub3A_784 = arith.subf %get3A_725, %gather3A_110 : vector<16xf32>
      %sub3A_785 = arith.subf %get3A_727, %gather3A_113 : vector<16xf32>
      %sub3A_786 = arith.subf %get3A_729, %gather3A_116 : vector<16xf32>
      %mul3A_787 = arith.mulf %sub3A_784, %sub3A_784 : vector<16xf32>
      %mul3A_788 = arith.mulf %sub3A_785, %sub3A_785 : vector<16xf32>
      %add3A_789 = arith.addf %mul3A_787, %mul3A_788 : vector<16xf32>
      %mul3A_790 = arith.mulf %sub3A_786, %sub3A_786 : vector<16xf32>
      %add3A_791 = arith.addf %add3A_789, %mul3A_790 : vector<16xf32>
      %eq3A_792 = vector.broadcast %add3A_63 : i32 to vector<16xi32>
      %eq3A_793 = arith.cmpi eq, %add3A_735, %eq3A_792 : vector<16xi32>
      %broadcast_in_dim3A_794 = vector.broadcast %scan3A_46 : f32 to vector<16xf32>
      %select_n3A_795 = arith.select %eq3A_793, %broadcast_in_dim3A_794, %add3A_791 : vector<16xi1>, vector<16xf32>
      %masked_sort3A_796 = arith.constant dense<true> : vector<16xi1>
      %masked_sort3A_797, %masked_sort3A_798, %masked_sort3A_799 = tpu.sort %select_n3A_795, %add3A_735 masked %masked_sort3A_796 {descending = true} : (vector<16xf32>, vector<16xi32>, vector<16xi1>) -> (vector<16xi1>, vector<16xf32>, vector<16xi32>)
      %lt3A_800 = arith.cmpf olt, %masked_sort3A_683, %masked_sort3A_750 : vector<16xf32>
      %eq3A_801 = arith.cmpf oeq, %masked_sort3A_683, %masked_sort3A_750 : vector<16xf32>
      %lt3A_802 = arith.cmpi slt, %masked_sort3A_684, %masked_sort3A_751 : vector<16xi32>
      %and3A_803 = arith.andi %eq3A_801, %lt3A_802 : vector<16xi1>
      %or3A_804 = arith.ori %lt3A_800, %and3A_803 : vector<16xi1>
      %select_n3A_805 = arith.select %or3A_804, %masked_sort3A_683, %masked_sort3A_750 : vector<16xi1>, vector<16xf32>
      %select_n3A_806 = arith.select %or3A_804, %masked_sort3A_684, %masked_sort3A_751 : vector<16xi1>, vector<16xi32>
      %masked_sort3A_807 = arith.constant dense<true> : vector<16xi1>
      %masked_sort3A_808, %masked_sort3A_809, %masked_sort3A_810 = tpu.sort %select_n3A_805, %select_n3A_806 masked %masked_sort3A_807 : (vector<16xf32>, vector<16xi32>, vector<16xi1>) -> (vector<16xi1>, vector<16xf32>, vector<16xi32>)
      %lt3A_811 = arith.cmpf olt, %masked_sort3A_694, %masked_sort3A_766 : vector<16xf32>
      %eq3A_812 = arith.cmpf oeq, %masked_sort3A_694, %masked_sort3A_766 : vector<16xf32>
      %lt3A_813 = arith.cmpi slt, %masked_sort3A_695, %masked_sort3A_767 : vector<16xi32>
      %and3A_814 = arith.andi %eq3A_812, %lt3A_813 : vector<16xi1>
      %or3A_815 = arith.ori %lt3A_811, %and3A_814 : vector<16xi1>
      %select_n3A_816 = arith.select %or3A_815, %masked_sort3A_694, %masked_sort3A_766 : vector<16xi1>, vector<16xf32>
      %select_n3A_817 = arith.select %or3A_815, %masked_sort3A_695, %masked_sort3A_767 : vector<16xi1>, vector<16xi32>
      %masked_sort3A_818 = arith.constant dense<true> : vector<16xi1>
      %masked_sort3A_819, %masked_sort3A_820, %masked_sort3A_821 = tpu.sort %select_n3A_816, %select_n3A_817 masked %masked_sort3A_818 : (vector<16xf32>, vector<16xi32>, vector<16xi1>) -> (vector<16xi1>, vector<16xf32>, vector<16xi32>)
      %lt3A_822 = arith.cmpf olt, %masked_sort3A_705, %masked_sort3A_782 : vector<16xf32>
      %eq3A_823 = arith.cmpf oeq, %masked_sort3A_705, %masked_sort3A_782 : vector<16xf32>
      %lt3A_824 = arith.cmpi slt, %masked_sort3A_706, %masked_sort3A_783 : vector<16xi32>
      %and3A_825 = arith.andi %eq3A_823, %lt3A_824 : vector<16xi1>
      %or3A_826 = arith.ori %lt3A_822, %and3A_825 : vector<16xi1>
      %select_n3A_827 = arith.select %or3A_826, %masked_sort3A_705, %masked_sort3A_782 : vector<16xi1>, vector<16xf32>
      %select_n3A_828 = arith.select %or3A_826, %masked_sort3A_706, %masked_sort3A_783 : vector<16xi1>, vector<16xi32>
      %masked_sort3A_829 = arith.constant dense<true> : vector<16xi1>
      %masked_sort3A_830, %masked_sort3A_831, %masked_sort3A_832 = tpu.sort %select_n3A_827, %select_n3A_828 masked %masked_sort3A_829 : (vector<16xf32>, vector<16xi32>, vector<16xi1>) -> (vector<16xi1>, vector<16xf32>, vector<16xi32>)
      %lt3A_833 = arith.cmpf olt, %masked_sort3A_716, %masked_sort3A_798 : vector<16xf32>
      %eq3A_834 = arith.cmpf oeq, %masked_sort3A_716, %masked_sort3A_798 : vector<16xf32>
      %lt3A_835 = arith.cmpi slt, %masked_sort3A_717, %masked_sort3A_799 : vector<16xi32>
      %and3A_836 = arith.andi %eq3A_834, %lt3A_835 : vector<16xi1>
      %or3A_837 = arith.ori %lt3A_833, %and3A_836 : vector<16xi1>
      %select_n3A_838 = arith.select %or3A_837, %masked_sort3A_716, %masked_sort3A_798 : vector<16xi1>, vector<16xf32>
      %select_n3A_839 = arith.select %or3A_837, %masked_sort3A_717, %masked_sort3A_799 : vector<16xi1>, vector<16xi32>
      %masked_sort3A_840 = arith.constant dense<true> : vector<16xi1>
      %masked_sort3A_841, %masked_sort3A_842, %masked_sort3A_843 = tpu.sort %select_n3A_838, %select_n3A_839 masked %masked_sort3A_840 : (vector<16xf32>, vector<16xi32>, vector<16xi1>) -> (vector<16xi1>, vector<16xf32>, vector<16xi32>)
      %get3A_844 = arith.constant 96 : index
      %get3A_845 = tpu.vector_load %arg5[%get3A_844] {strides = array<i32>} : memref<2048xf32, #tpu.memory_space<vmem>>, vector<16xf32>,
      %get3A_846 = arith.constant 96 : index
      %get3A_847 = tpu.vector_load %arg6[%get3A_846] {strides = array<i32>} : memref<2048xf32, #tpu.memory_space<vmem>>, vector<16xf32>,
      %get3A_848 = arith.constant 96 : index
      %get3A_849 = tpu.vector_load %arg7[%get3A_848] {strides = array<i32>} : memref<2048xf32, #tpu.memory_space<vmem>>, vector<16xf32>,
      %get3A_850 = arith.constant 224 : index
      %get3A_851 = tpu.vector_load %arg5[%get3A_850] {strides = array<i32>} : memref<2048xf32, #tpu.memory_space<vmem>>, vector<16xf32>,
      %get3A_852 = arith.constant 224 : index
      %get3A_853 = tpu.vector_load %arg6[%get3A_852] {strides = array<i32>} : memref<2048xf32, #tpu.memory_space<vmem>>, vector<16xf32>,
      %get3A_854 = arith.constant 224 : index
      %get3A_855 = tpu.vector_load %arg7[%get3A_854] {strides = array<i32>} : memref<2048xf32, #tpu.memory_space<vmem>>, vector<16xf32>,
      %add3A_856 = arith.constant 96 : i32
      %add3A_857 = vector.broadcast %add3A_856 : i32 to vector<16xi32>
      %add3A_858 = arith.addi %iota3A, %add3A_857 : vector<16xi32>
      %add3A_859 = arith.constant 224 : i32
      %add3A_860 = vector.broadcast %add3A_859 : i32 to vector<16xi32>
      %add3A_861 = arith.addi %iota3A, %add3A_860 : vector<16xi32>
      %sub3A_862 = arith.subf %get3A_845, %gather3A_101 : vector<16xf32>
      %sub3A_863 = arith.subf %get3A_847, %gather3A_104 : vector<16xf32>
      %sub3A_864 = arith.subf %get3A_849, %gather3A_107 : vector<16xf32>
      %mul3A_865 = arith.mulf %sub3A_862, %sub3A_862 : vector<16xf32>
      %mul3A_866 = arith.mulf %sub3A_863, %sub3A_863 : vector<16xf32>
      %add3A_867 = arith.addf %mul3A_865, %mul3A_866 : vector<16xf32>
      %mul3A_868 = arith.mulf %sub3A_864, %sub3A_864 : vector<16xf32>
      %add3A_869 = arith.addf %add3A_867, %mul3A_868 : vector<16xf32>
      %eq3A_870 = vector.broadcast %add3A_61 : i32 to vector<16xi32>
      %eq3A_871 = arith.cmpi eq, %add3A_858, %eq3A_870 : vector<16xi32>
      %broadcast_in_dim3A_872 = vector.broadcast %scan3A_46 : f32 to vector<16xf32>
      %select_n3A_873 = arith.select %eq3A_871, %broadcast_in_dim3A_872, %add3A_869 : vector<16xi1>, vector<16xf32>
      %masked_sort3A_874 = arith.constant dense<true> : vector<16xi1>
      %masked_sort3A_875, %masked_sort3A_876, %masked_sort3A_877 = tpu.sort %select_n3A_873, %add3A_858 masked %masked_sort3A_874 {descending = true} : (vector<16xf32>, vector<16xi32>, vector<16xi1>) -> (vector<16xi1>, vector<16xf32>, vector<16xi32>)
      %sub3A_878 = arith.subf %get3A_851, %gather3A_101 : vector<16xf32>
      %sub3A_879 = arith.subf %get3A_853, %gather3A_104 : vector<16xf32>
      %sub3A_880 = arith.subf %get3A_855, %gather3A_107 : vector<16xf32>
      %mul3A_881 = arith.mulf %sub3A_878, %sub3A_878 : vector<16xf32>
      %mul3A_882 = arith.mulf %sub3A_879, %sub3A_879 : vector<16xf32>
      %add3A_883 = arith.addf %mul3A_881, %mul3A_882 : vector<16xf32>
      %mul3A_884 = arith.mulf %sub3A_880, %sub3A_880 : vector<16xf32>
      %add3A_885 = arith.addf %add3A_883, %mul3A_884 : vector<16xf32>
      %eq3A_886 = vector.broadcast %add3A_61 : i32 to vector<16xi32>
      %eq3A_887 = arith.cmpi eq, %add3A_861, %eq3A_886 : vector<16xi32>
      %broadcast_in_dim3A_888 = vector.broadcast %scan3A_46 : f32 to vector<16xf32>
      %select_n3A_889 = arith.select %eq3A_887, %broadcast_in_dim3A_888, %add3A_885 : vector<16xi1>, vector<16xf32>
      %masked_sort3A_890 = arith.constant dense<true> : vector<16xi1>
      %masked_sort3A_891, %masked_sort3A_892, %masked_sort3A_893 = tpu.sort %select_n3A_889, %add3A_861 masked %masked_sort3A_890 {descending = true} : (vector<16xf32>, vector<16xi32>, vector<16xi1>) -> (vector<16xi1>, vector<16xf32>, vector<16xi32>)
      %sub3A_894 = arith.subf %get3A_845, %gather3A_110 : vector<16xf32>
      %sub3A_895 = arith.subf %get3A_847, %gather3A_113 : vector<16xf32>
      %sub3A_896 = arith.subf %get3A_849, %gather3A_116 : vector<16xf32>
      %mul3A_897 = arith.mulf %sub3A_894, %sub3A_894 : vector<16xf32>
      %mul3A_898 = arith.mulf %sub3A_895, %sub3A_895 : vector<16xf32>
      %add3A_899 = arith.addf %mul3A_897, %mul3A_898 : vector<16xf32>
      %mul3A_900 = arith.mulf %sub3A_896, %sub3A_896 : vector<16xf32>
      %add3A_901 = arith.addf %add3A_899, %mul3A_900 : vector<16xf32>
      %eq3A_902 = vector.broadcast %add3A_63 : i32 to vector<16xi32>
      %eq3A_903 = arith.cmpi eq, %add3A_858, %eq3A_902 : vector<16xi32>
      %broadcast_in_dim3A_904 = vector.broadcast %scan3A_46 : f32 to vector<16xf32>
      %select_n3A_905 = arith.select %eq3A_903, %broadcast_in_dim3A_904, %add3A_901 : vector<16xi1>, vector<16xf32>
      %masked_sort3A_906 = arith.constant dense<true> : vector<16xi1>
      %masked_sort3A_907, %masked_sort3A_908, %masked_sort3A_909 = tpu.sort %select_n3A_905, %add3A_858 masked %masked_sort3A_906 {descending = true} : (vector<16xf32>, vector<16xi32>, vector<16xi1>) -> (vector<16xi1>, vector<16xf32>, vector<16xi32>)
      %sub3A_910 = arith.subf %get3A_851, %gather3A_110 : vector<16xf32>
      %sub3A_911 = arith.subf %get3A_853, %gather3A_113 : vector<16xf32>
      %sub3A_912 = arith.subf %get3A_855, %gather3A_116 : vector<16xf32>
      %mul3A_913 = arith.mulf %sub3A_910, %sub3A_910 : vector<16xf32>
      %mul3A_914 = arith.mulf %sub3A_911, %sub3A_911 : vector<16xf32>
      %add3A_915 = arith.addf %mul3A_913, %mul3A_914 : vector<16xf32>
      %mul3A_916 = arith.mulf %sub3A_912, %sub3A_912 : vector<16xf32>
      %add3A_917 = arith.addf %add3A_915, %mul3A_916 : vector<16xf32>
      %eq3A_918 = vector.broadcast %add3A_63 : i32 to vector<16xi32>
      %eq3A_919 = arith.cmpi eq, %add3A_861, %eq3A_918 : vector<16xi32>
      %broadcast_in_dim3A_920 = vector.broadcast %scan3A_46 : f32 to vector<16xf32>
      %select_n3A_921 = arith.select %eq3A_919, %broadcast_in_dim3A_920, %add3A_917 : vector<16xi1>, vector<16xf32>
      %masked_sort3A_922 = arith.constant dense<true> : vector<16xi1>
      %masked_sort3A_923, %masked_sort3A_924, %masked_sort3A_925 = tpu.sort %select_n3A_921, %add3A_861 masked %masked_sort3A_922 {descending = true} : (vector<16xf32>, vector<16xi32>, vector<16xi1>) -> (vector<16xi1>, vector<16xf32>, vector<16xi32>)
      %lt3A_926 = arith.cmpf olt, %masked_sort3A_809, %masked_sort3A_876 : vector<16xf32>
      %eq3A_927 = arith.cmpf oeq, %masked_sort3A_809, %masked_sort3A_876 : vector<16xf32>
      %lt3A_928 = arith.cmpi slt, %masked_sort3A_810, %masked_sort3A_877 : vector<16xi32>
      %and3A_929 = arith.andi %eq3A_927, %lt3A_928 : vector<16xi1>
      %or3A_930 = arith.ori %lt3A_926, %and3A_929 : vector<16xi1>
      %select_n3A_931 = arith.select %or3A_930, %masked_sort3A_809, %masked_sort3A_876 : vector<16xi1>, vector<16xf32>
      %select_n3A_932 = arith.select %or3A_930, %masked_sort3A_810, %masked_sort3A_877 : vector<16xi1>, vector<16xi32>
      %masked_sort3A_933 = arith.constant dense<true> : vector<16xi1>
      %masked_sort3A_934, %masked_sort3A_935, %masked_sort3A_936 = tpu.sort %select_n3A_931, %select_n3A_932 masked %masked_sort3A_933 : (vector<16xf32>, vector<16xi32>, vector<16xi1>) -> (vector<16xi1>, vector<16xf32>, vector<16xi32>)
      %lt3A_937 = arith.cmpf olt, %masked_sort3A_820, %masked_sort3A_892 : vector<16xf32>
      %eq3A_938 = arith.cmpf oeq, %masked_sort3A_820, %masked_sort3A_892 : vector<16xf32>
      %lt3A_939 = arith.cmpi slt, %masked_sort3A_821, %masked_sort3A_893 : vector<16xi32>
      %and3A_940 = arith.andi %eq3A_938, %lt3A_939 : vector<16xi1>
      %or3A_941 = arith.ori %lt3A_937, %and3A_940 : vector<16xi1>
      %select_n3A_942 = arith.select %or3A_941, %masked_sort3A_820, %masked_sort3A_892 : vector<16xi1>, vector<16xf32>
      %select_n3A_943 = arith.select %or3A_941, %masked_sort3A_821, %masked_sort3A_893 : vector<16xi1>, vector<16xi32>
      %masked_sort3A_944 = arith.constant dense<true> : vector<16xi1>
      %masked_sort3A_945, %masked_sort3A_946, %masked_sort3A_947 = tpu.sort %select_n3A_942, %select_n3A_943 masked %masked_sort3A_944 : (vector<16xf32>, vector<16xi32>, vector<16xi1>) -> (vector<16xi1>, vector<16xf32>, vector<16xi32>)
      %lt3A_948 = arith.cmpf olt, %masked_sort3A_831, %masked_sort3A_908 : vector<16xf32>
      %eq3A_949 = arith.cmpf oeq, %masked_sort3A_831, %masked_sort3A_908 : vector<16xf32>
      %lt3A_950 = arith.cmpi slt, %masked_sort3A_832, %masked_sort3A_909 : vector<16xi32>
      %and3A_951 = arith.andi %eq3A_949, %lt3A_950 : vector<16xi1>
      %or3A_952 = arith.ori %lt3A_948, %and3A_951 : vector<16xi1>
      %select_n3A_953 = arith.select %or3A_952, %masked_sort3A_831, %masked_sort3A_908 : vector<16xi1>, vector<16xf32>
      %select_n3A_954 = arith.select %or3A_952, %masked_sort3A_832, %masked_sort3A_909 : vector<16xi1>, vector<16xi32>
      %masked_sort3A_955 = arith.constant dense<true> : vector<16xi1>
      %masked_sort3A_956, %masked_sort3A_957, %masked_sort3A_958 = tpu.sort %select_n3A_953, %select_n3A_954 masked %masked_sort3A_955 : (vector<16xf32>, vector<16xi32>, vector<16xi1>) -> (vector<16xi1>, vector<16xf32>, vector<16xi32>)
      %lt3A_959 = arith.cmpf olt, %masked_sort3A_842, %masked_sort3A_924 : vector<16xf32>
      %eq3A_960 = arith.cmpf oeq, %masked_sort3A_842, %masked_sort3A_924 : vector<16xf32>
      %lt3A_961 = arith.cmpi slt, %masked_sort3A_843, %masked_sort3A_925 : vector<16xi32>
      %and3A_962 = arith.andi %eq3A_960, %lt3A_961 : vector<16xi1>
      %or3A_963 = arith.ori %lt3A_959, %and3A_962 : vector<16xi1>
      %select_n3A_964 = arith.select %or3A_963, %masked_sort3A_842, %masked_sort3A_924 : vector<16xi1>, vector<16xf32>
      %select_n3A_965 = arith.select %or3A_963, %masked_sort3A_843, %masked_sort3A_925 : vector<16xi1>, vector<16xi32>
      %masked_sort3A_966 = arith.constant dense<true> : vector<16xi1>
      %masked_sort3A_967, %masked_sort3A_968, %masked_sort3A_969 = tpu.sort %select_n3A_964, %select_n3A_965 masked %masked_sort3A_966 : (vector<16xf32>, vector<16xi32>, vector<16xi1>) -> (vector<16xi1>, vector<16xf32>, vector<16xi32>)
      %get3A_970 = arith.constant 112 : index
      %get3A_971 = tpu.vector_load %arg5[%get3A_970] {strides = array<i32>} : memref<2048xf32, #tpu.memory_space<vmem>>, vector<16xf32>,
      %get3A_972 = arith.constant 112 : index
      %get3A_973 = tpu.vector_load %arg6[%get3A_972] {strides = array<i32>} : memref<2048xf32, #tpu.memory_space<vmem>>, vector<16xf32>,
      %get3A_974 = arith.constant 112 : index
      %get3A_975 = tpu.vector_load %arg7[%get3A_974] {strides = array<i32>} : memref<2048xf32, #tpu.memory_space<vmem>>, vector<16xf32>,
      %get3A_976 = arith.constant 240 : index
      %get3A_977 = tpu.vector_load %arg5[%get3A_976] {strides = array<i32>} : memref<2048xf32, #tpu.memory_space<vmem>>, vector<16xf32>,
      %get3A_978 = arith.constant 240 : index
      %get3A_979 = tpu.vector_load %arg6[%get3A_978] {strides = array<i32>} : memref<2048xf32, #tpu.memory_space<vmem>>, vector<16xf32>,
      %get3A_980 = arith.constant 240 : index
      %get3A_981 = tpu.vector_load %arg7[%get3A_980] {strides = array<i32>} : memref<2048xf32, #tpu.memory_space<vmem>>, vector<16xf32>,
      %add3A_982 = arith.constant 112 : i32
      %add3A_983 = vector.broadcast %add3A_982 : i32 to vector<16xi32>
      %add3A_984 = arith.addi %iota3A, %add3A_983 : vector<16xi32>
      %add3A_985 = arith.constant 240 : i32
      %add3A_986 = vector.broadcast %add3A_985 : i32 to vector<16xi32>
      %add3A_987 = arith.addi %iota3A, %add3A_986 : vector<16xi32>
      %sub3A_988 = arith.subf %get3A_971, %gather3A_101 : vector<16xf32>
      %sub3A_989 = arith.subf %get3A_973, %gather3A_104 : vector<16xf32>
      %sub3A_990 = arith.subf %get3A_975, %gather3A_107 : vector<16xf32>
      %mul3A_991 = arith.mulf %sub3A_988, %sub3A_988 : vector<16xf32>
      %mul3A_992 = arith.mulf %sub3A_989, %sub3A_989 : vector<16xf32>
      %add3A_993 = arith.addf %mul3A_991, %mul3A_992 : vector<16xf32>
      %mul3A_994 = arith.mulf %sub3A_990, %sub3A_990 : vector<16xf32>
      %add3A_995 = arith.addf %add3A_993, %mul3A_994 : vector<16xf32>
      %eq3A_996 = vector.broadcast %add3A_61 : i32 to vector<16xi32>
      %eq3A_997 = arith.cmpi eq, %add3A_984, %eq3A_996 : vector<16xi32>
      %broadcast_in_dim3A_998 = vector.broadcast %scan3A_46 : f32 to vector<16xf32>
      %select_n3A_999 = arith.select %eq3A_997, %broadcast_in_dim3A_998, %add3A_995 : vector<16xi1>, vector<16xf32>
      %masked_sort3A_1000 = arith.constant dense<true> : vector<16xi1>
      %masked_sort3A_1001, %masked_sort3A_1002, %masked_sort3A_1003 = tpu.sort %select_n3A_999, %add3A_984 masked %masked_sort3A_1000 {descending = true} : (vector<16xf32>, vector<16xi32>, vector<16xi1>) -> (vector<16xi1>, vector<16xf32>, vector<16xi32>)
      %sub3A_1004 = arith.subf %get3A_977, %gather3A_101 : vector<16xf32>
      %sub3A_1005 = arith.subf %get3A_979, %gather3A_104 : vector<16xf32>
      %sub3A_1006 = arith.subf %get3A_981, %gather3A_107 : vector<16xf32>
      %mul3A_1007 = arith.mulf %sub3A_1004, %sub3A_1004 : vector<16xf32>
      %mul3A_1008 = arith.mulf %sub3A_1005, %sub3A_1005 : vector<16xf32>
      %add3A_1009 = arith.addf %mul3A_1007, %mul3A_1008 : vector<16xf32>
      %mul3A_1010 = arith.mulf %sub3A_1006, %sub3A_1006 : vector<16xf32>
      %add3A_1011 = arith.addf %add3A_1009, %mul3A_1010 : vector<16xf32>
      %eq3A_1012 = vector.broadcast %add3A_61 : i32 to vector<16xi32>
      %eq3A_1013 = arith.cmpi eq, %add3A_987, %eq3A_1012 : vector<16xi32>
      %broadcast_in_dim3A_1014 = vector.broadcast %scan3A_46 : f32 to vector<16xf32>
      %select_n3A_1015 = arith.select %eq3A_1013, %broadcast_in_dim3A_1014, %add3A_1011 : vector<16xi1>, vector<16xf32>
      %masked_sort3A_1016 = arith.constant dense<true> : vector<16xi1>
      %masked_sort3A_1017, %masked_sort3A_1018, %masked_sort3A_1019 = tpu.sort %select_n3A_1015, %add3A_987 masked %masked_sort3A_1016 {descending = true} : (vector<16xf32>, vector<16xi32>, vector<16xi1>) -> (vector<16xi1>, vector<16xf32>, vector<16xi32>)
      %sub3A_1020 = arith.subf %get3A_971, %gather3A_110 : vector<16xf32>
      %sub3A_1021 = arith.subf %get3A_973, %gather3A_113 : vector<16xf32>
      %sub3A_1022 = arith.subf %get3A_975, %gather3A_116 : vector<16xf32>
      %mul3A_1023 = arith.mulf %sub3A_1020, %sub3A_1020 : vector<16xf32>
      %mul3A_1024 = arith.mulf %sub3A_1021, %sub3A_1021 : vector<16xf32>
      %add3A_1025 = arith.addf %mul3A_1023, %mul3A_1024 : vector<16xf32>
      %mul3A_1026 = arith.mulf %sub3A_1022, %sub3A_1022 : vector<16xf32>
      %add3A_1027 = arith.addf %add3A_1025, %mul3A_1026 : vector<16xf32>
      %eq3A_1028 = vector.broadcast %add3A_63 : i32 to vector<16xi32>
      %eq3A_1029 = arith.cmpi eq, %add3A_984, %eq3A_1028 : vector<16xi32>
      %broadcast_in_dim3A_1030 = vector.broadcast %scan3A_46 : f32 to vector<16xf32>
      %select_n3A_1031 = arith.select %eq3A_1029, %broadcast_in_dim3A_1030, %add3A_1027 : vector<16xi1>, vector<16xf32>
      %masked_sort3A_1032 = arith.constant dense<true> : vector<16xi1>
      %masked_sort3A_1033, %masked_sort3A_1034, %masked_sort3A_1035 = tpu.sort %select_n3A_1031, %add3A_984 masked %masked_sort3A_1032 {descending = true} : (vector<16xf32>, vector<16xi32>, vector<16xi1>) -> (vector<16xi1>, vector<16xf32>, vector<16xi32>)
      %sub3A_1036 = arith.subf %get3A_977, %gather3A_110 : vector<16xf32>
      %sub3A_1037 = arith.subf %get3A_979, %gather3A_113 : vector<16xf32>
      %sub3A_1038 = arith.subf %get3A_981, %gather3A_116 : vector<16xf32>
      %mul3A_1039 = arith.mulf %sub3A_1036, %sub3A_1036 : vector<16xf32>
      %mul3A_1040 = arith.mulf %sub3A_1037, %sub3A_1037 : vector<16xf32>
      %add3A_1041 = arith.addf %mul3A_1039, %mul3A_1040 : vector<16xf32>
      %mul3A_1042 = arith.mulf %sub3A_1038, %sub3A_1038 : vector<16xf32>
      %add3A_1043 = arith.addf %add3A_1041, %mul3A_1042 : vector<16xf32>
      %eq3A_1044 = vector.broadcast %add3A_63 : i32 to vector<16xi32>
      %eq3A_1045 = arith.cmpi eq, %add3A_987, %eq3A_1044 : vector<16xi32>
      %broadcast_in_dim3A_1046 = vector.broadcast %scan3A_46 : f32 to vector<16xf32>
      %select_n3A_1047 = arith.select %eq3A_1045, %broadcast_in_dim3A_1046, %add3A_1043 : vector<16xi1>, vector<16xf32>
      %masked_sort3A_1048 = arith.constant dense<true> : vector<16xi1>
      %masked_sort3A_1049, %masked_sort3A_1050, %masked_sort3A_1051 = tpu.sort %select_n3A_1047, %add3A_987 masked %masked_sort3A_1048 {descending = true} : (vector<16xf32>, vector<16xi32>, vector<16xi1>) -> (vector<16xi1>, vector<16xf32>, vector<16xi32>)
      %lt3A_1052 = arith.cmpf olt, %masked_sort3A_935, %masked_sort3A_1002 : vector<16xf32>
      %eq3A_1053 = arith.cmpf oeq, %masked_sort3A_935, %masked_sort3A_1002 : vector<16xf32>
      %lt3A_1054 = arith.cmpi slt, %masked_sort3A_936, %masked_sort3A_1003 : vector<16xi32>
      %and3A_1055 = arith.andi %eq3A_1053, %lt3A_1054 : vector<16xi1>
      %or3A_1056 = arith.ori %lt3A_1052, %and3A_1055 : vector<16xi1>
      %select_n3A_1057 = arith.select %or3A_1056, %masked_sort3A_935, %masked_sort3A_1002 : vector<16xi1>, vector<16xf32>
      %select_n3A_1058 = arith.select %or3A_1056, %masked_sort3A_936, %masked_sort3A_1003 : vector<16xi1>, vector<16xi32>
      %masked_sort3A_1059 = arith.constant dense<true> : vector<16xi1>
      %masked_sort3A_1060, %masked_sort3A_1061, %masked_sort3A_1062 = tpu.sort %select_n3A_1057, %select_n3A_1058 masked %masked_sort3A_1059 : (vector<16xf32>, vector<16xi32>, vector<16xi1>) -> (vector<16xi1>, vector<16xf32>, vector<16xi32>)
      %lt3A_1063 = arith.cmpf olt, %masked_sort3A_946, %masked_sort3A_1018 : vector<16xf32>
      %eq3A_1064 = arith.cmpf oeq, %masked_sort3A_946, %masked_sort3A_1018 : vector<16xf32>
      %lt3A_1065 = arith.cmpi slt, %masked_sort3A_947, %masked_sort3A_1019 : vector<16xi32>
      %and3A_1066 = arith.andi %eq3A_1064, %lt3A_1065 : vector<16xi1>
      %or3A_1067 = arith.ori %lt3A_1063, %and3A_1066 : vector<16xi1>
      %select_n3A_1068 = arith.select %or3A_1067, %masked_sort3A_946, %masked_sort3A_1018 : vector<16xi1>, vector<16xf32>
      %select_n3A_1069 = arith.select %or3A_1067, %masked_sort3A_947, %masked_sort3A_1019 : vector<16xi1>, vector<16xi32>
      %masked_sort3A_1070 = arith.constant dense<true> : vector<16xi1>
      %masked_sort3A_1071, %masked_sort3A_1072, %masked_sort3A_1073 = tpu.sort %select_n3A_1068, %select_n3A_1069 masked %masked_sort3A_1070 : (vector<16xf32>, vector<16xi32>, vector<16xi1>) -> (vector<16xi1>, vector<16xf32>, vector<16xi32>)
      %lt3A_1074 = arith.cmpf olt, %masked_sort3A_957, %masked_sort3A_1034 : vector<16xf32>
      %eq3A_1075 = arith.cmpf oeq, %masked_sort3A_957, %masked_sort3A_1034 : vector<16xf32>
      %lt3A_1076 = arith.cmpi slt, %masked_sort3A_958, %masked_sort3A_1035 : vector<16xi32>
      %and3A_1077 = arith.andi %eq3A_1075, %lt3A_1076 : vector<16xi1>
      %or3A_1078 = arith.ori %lt3A_1074, %and3A_1077 : vector<16xi1>
      %select_n3A_1079 = arith.select %or3A_1078, %masked_sort3A_957, %masked_sort3A_1034 : vector<16xi1>, vector<16xf32>
      %select_n3A_1080 = arith.select %or3A_1078, %masked_sort3A_958, %masked_sort3A_1035 : vector<16xi1>, vector<16xi32>
      %masked_sort3A_1081 = arith.constant dense<true> : vector<16xi1>
      %masked_sort3A_1082, %masked_sort3A_1083, %masked_sort3A_1084 = tpu.sort %select_n3A_1079, %select_n3A_1080 masked %masked_sort3A_1081 : (vector<16xf32>, vector<16xi32>, vector<16xi1>) -> (vector<16xi1>, vector<16xf32>, vector<16xi32>)
      %lt3A_1085 = arith.cmpf olt, %masked_sort3A_968, %masked_sort3A_1050 : vector<16xf32>
      %eq3A_1086 = arith.cmpf oeq, %masked_sort3A_968, %masked_sort3A_1050 : vector<16xf32>
      %lt3A_1087 = arith.cmpi slt, %masked_sort3A_969, %masked_sort3A_1051 : vector<16xi32>
      %and3A_1088 = arith.andi %eq3A_1086, %lt3A_1087 : vector<16xi1>
      %or3A_1089 = arith.ori %lt3A_1085, %and3A_1088 : vector<16xi1>
      %select_n3A_1090 = arith.select %or3A_1089, %masked_sort3A_968, %masked_sort3A_1050 : vector<16xi1>, vector<16xf32>
      %select_n3A_1091 = arith.select %or3A_1089, %masked_sort3A_969, %masked_sort3A_1051 : vector<16xi1>, vector<16xi32>
      %masked_sort3A_1092 = arith.constant dense<true> : vector<16xi1>
      %masked_sort3A_1093, %masked_sort3A_1094, %masked_sort3A_1095 = tpu.sort %select_n3A_1090, %select_n3A_1091 masked %masked_sort3A_1092 : (vector<16xf32>, vector<16xi32>, vector<16xi1>) -> (vector<16xi1>, vector<16xf32>, vector<16xi32>)
      %broadcast_in_dim3A_1096 = vector.shape_cast %sub3A_117 : vector<16xi32> to vector<16x1xi32>
      %gather3A_1097 = vector.shape_cast %broadcast_in_dim3A_1096 : vector<16x1xi32> to vector<16xi32>
      %gather3A_1098 = tpu.dynamic_gather %masked_sort3A_1072[%gather3A_1097] in [0] : vector<16xf32>, vector<16xi32> -> vector<16xf32>
      %broadcast_in_dim3A_1099 = vector.shape_cast %sub3A_117 : vector<16xi32> to vector<16x1xi32>
      %gather3A_1100 = vector.shape_cast %broadcast_in_dim3A_1099 : vector<16x1xi32> to vector<16xi32>
      %gather3A_1101 = tpu.dynamic_gather %masked_sort3A_1073[%gather3A_1100] in [0] : vector<16xi32>, vector<16xi32> -> vector<16xi32>
      %lt3A_1102 = arith.cmpf olt, %masked_sort3A_1061, %gather3A_1098 : vector<16xf32>
      %eq3A_1103 = arith.cmpf oeq, %masked_sort3A_1061, %gather3A_1098 : vector<16xf32>
      %lt3A_1104 = arith.cmpi slt, %masked_sort3A_1062, %gather3A_1101 : vector<16xi32>
      %and3A_1105 = arith.andi %eq3A_1103, %lt3A_1104 : vector<16xi1>
      %or3A_1106 = arith.ori %lt3A_1102, %and3A_1105 : vector<16xi1>
      %select_n3A_1107 = arith.select %or3A_1106, %masked_sort3A_1061, %gather3A_1098 : vector<16xi1>, vector<16xf32>
      %select_n3A_1108 = arith.select %or3A_1106, %masked_sort3A_1062, %gather3A_1101 : vector<16xi1>, vector<16xi32>
      %masked_sort3A_1109 = arith.constant dense<true> : vector<16xi1>
      %masked_sort3A_1110, %masked_sort3A_1111, %masked_sort3A_1112 = tpu.sort %select_n3A_1107, %select_n3A_1108 masked %masked_sort3A_1109 : (vector<16xf32>, vector<16xi32>, vector<16xi1>) -> (vector<16xi1>, vector<16xf32>, vector<16xi32>)
      %broadcast_in_dim3A_1113 = vector.shape_cast %sub3A_117 : vector<16xi32> to vector<16x1xi32>
      %gather3A_1114 = vector.shape_cast %broadcast_in_dim3A_1113 : vector<16x1xi32> to vector<16xi32>
      %gather3A_1115 = tpu.dynamic_gather %masked_sort3A_1094[%gather3A_1114] in [0] : vector<16xf32>, vector<16xi32> -> vector<16xf32>
      %broadcast_in_dim3A_1116 = vector.shape_cast %sub3A_117 : vector<16xi32> to vector<16x1xi32>
      %gather3A_1117 = vector.shape_cast %broadcast_in_dim3A_1116 : vector<16x1xi32> to vector<16xi32>
      %gather3A_1118 = tpu.dynamic_gather %masked_sort3A_1095[%gather3A_1117] in [0] : vector<16xi32>, vector<16xi32> -> vector<16xi32>
      %lt3A_1119 = arith.cmpf olt, %masked_sort3A_1083, %gather3A_1115 : vector<16xf32>
      %eq3A_1120 = arith.cmpf oeq, %masked_sort3A_1083, %gather3A_1115 : vector<16xf32>
      %lt3A_1121 = arith.cmpi slt, %masked_sort3A_1084, %gather3A_1118 : vector<16xi32>
      %and3A_1122 = arith.andi %eq3A_1120, %lt3A_1121 : vector<16xi1>
      %or3A_1123 = arith.ori %lt3A_1119, %and3A_1122 : vector<16xi1>
      %select_n3A_1124 = arith.select %or3A_1123, %masked_sort3A_1083, %gather3A_1115 : vector<16xi1>, vector<16xf32>
      %select_n3A_1125 = arith.select %or3A_1123, %masked_sort3A_1084, %gather3A_1118 : vector<16xi1>, vector<16xi32>
      %masked_sort3A_1126 = arith.constant dense<true> : vector<16xi1>
      %masked_sort3A_1127, %masked_sort3A_1128, %masked_sort3A_1129 = tpu.sort %select_n3A_1124, %select_n3A_1125 masked %masked_sort3A_1126 : (vector<16xf32>, vector<16xi32>, vector<16xi1>) -> (vector<16xi1>, vector<16xf32>, vector<16xi32>)
      %broadcast_in_dim3A_1130 = vector.shape_cast %broadcast_in_dim3A_39 : vector<16xi32> to vector<16x1xi32>
      %gather3A_1131 = vector.shape_cast %broadcast_in_dim3A_1130 : vector<16x1xi32> to vector<16xi32>
      %gather3A_1132 = tpu.dynamic_gather %masked_sort3A_1111[%gather3A_1131] in [0] : vector<16xf32>, vector<16xi32> -> vector<16xf32>
      %broadcast_in_dim3A_1133 = vector.shape_cast %broadcast_in_dim3A_39 : vector<16xi32> to vector<16x1xi32>
      %gather3A_1134 = vector.shape_cast %broadcast_in_dim3A_1133 : vector<16x1xi32> to vector<16xi32>
      %gather3A_1135 = tpu.dynamic_gather %masked_sort3A_1128[%gather3A_1134] in [0] : vector<16xf32>, vector<16xi32> -> vector<16xf32>
      %mul3A_1136 = arith.mulf %gather3A_101, %gather3A_101 : vector<16xf32>
      %mul3A_1137 = arith.mulf %gather3A_104, %gather3A_104 : vector<16xf32>
      %add3A_1138 = arith.addf %mul3A_1136, %mul3A_1137 : vector<16xf32>
      %mul3A_1139 = arith.mulf %gather3A_107, %gather3A_107 : vector<16xf32>
      %add3A_1140 = arith.addf %add3A_1138, %mul3A_1139 : vector<16xf32>
      %mul3A_1141 = arith.mulf %gather3A_110, %gather3A_110 : vector<16xf32>
      %mul3A_1142 = arith.mulf %gather3A_113, %gather3A_113 : vector<16xf32>
      %add3A_1143 = arith.addf %mul3A_1141, %mul3A_1142 : vector<16xf32>
      %mul3A_1144 = arith.mulf %gather3A_116, %gather3A_116 : vector<16xf32>
      %add3A_1145 = arith.addf %add3A_1143, %mul3A_1144 : vector<16xf32>
      %sub3A_1146 = arith.subf %gather3A_1132, %add3A_1140 : vector<16xf32>
      %add3A_1147 = vector.broadcast %scan3A_47 : f32 to vector<16xf32>
      %add3A_1148 = arith.addf %sub3A_1146, %add3A_1147 : vector<16xf32>
      %sub3A_1149 = arith.subf %gather3A_1135, %add3A_1145 : vector<16xf32>
      %add3A_1150 = vector.broadcast %scan3A_47 : f32 to vector<16xf32>
      %add3A_1151 = arith.addf %sub3A_1149, %add3A_1150 : vector<16xf32>
      %add3A_1152 = arith.addf %gather3A_101, %gather3A_101 : vector<16xf32>
      %add3A_1153 = arith.addf %gather3A_104, %gather3A_104 : vector<16xf32>
      %add3A_1154 = arith.addf %gather3A_107, %gather3A_107 : vector<16xf32>
      %add3A_1155 = arith.addf %gather3A_110, %gather3A_110 : vector<16xf32>
      %add3A_1156 = arith.addf %gather3A_113, %gather3A_113 : vector<16xf32>
      %add3A_1157 = arith.addf %gather3A_116, %gather3A_116 : vector<16xf32>
      %broadcast_in_dim3A_1158 = arith.constant -1 : i32
      %broadcast_in_dim3A_1159 = vector.broadcast %broadcast_in_dim3A_1158 : i32 to vector<16xi32>
      %parallel_loop3A = arith.constant 4 : i32
      %parallel_loop3A_1160 = arith.constant 32 : i32
      %parallel_loop3A_1161 = arith.constant 1 : i32
      %parallel_loop3A_1162:2 = scf.for %parallel_loop3A_1262 = %parallel_loop3A to %parallel_loop3A_1160 step %parallel_loop3A_1161 iter_args(%parallel_loop3A_1263 = %broadcast_in_dim3A_1159, %parallel_loop3A_1264 = %broadcast_in_dim3A_1159) -> (vector<16xi32>, vector<16xi32>)  : i32 {
        %parallel_loop3A_1265 = arith.constant 64 : i32
        %parallel_loop3A_1266 = arith.muli %parallel_loop3A_1262, %parallel_loop3A_1265 : i32
        %parallel_loop3A_1267 = arith.constant 0 : i32
        %parallel_loop3A_1268 = arith.addi %parallel_loop3A_1266, %parallel_loop3A_1267 : i32
        %parallel_loop3A_1269 = arith.index_cast %parallel_loop3A_1268 : i32 to index
        %parallel_loop3A_1270 = tpu.vector_load %arg5[%parallel_loop3A_1269] {strides = array<i32>} : memref<2048xf32, #tpu.memory_space<vmem>>, vector<16xf32>,
        %parallel_loop3A_1271 = arith.index_cast %parallel_loop3A_1268 : i32 to index
        %parallel_loop3A_1272 = tpu.vector_load %arg6[%parallel_loop3A_1271] {strides = array<i32>} : memref<2048xf32, #tpu.memory_space<vmem>>, vector<16xf32>,
        %parallel_loop3A_1273 = arith.index_cast %parallel_loop3A_1268 : i32 to index
        %parallel_loop3A_1274 = tpu.vector_load %arg7[%parallel_loop3A_1273] {strides = array<i32>} : memref<2048xf32, #tpu.memory_space<vmem>>, vector<16xf32>,
        %parallel_loop3A_1275 = arith.index_cast %parallel_loop3A_1268 : i32 to index
        %parallel_loop3A_1276 = tpu.vector_load %arg8[%parallel_loop3A_1275] {strides = array<i32>} : memref<2048xf32, #tpu.memory_space<vmem>>, vector<16xf32>,
        %parallel_loop3A_1277 = vector.broadcast %parallel_loop3A_1268 : i32 to vector<16xi32>
        %parallel_loop3A_1278 = arith.addi %iota3A, %parallel_loop3A_1277 : vector<16xi32>
        %parallel_loop3A_1279 = arith.mulf %parallel_loop3A_1270, %add3A_1152 : vector<16xf32>
        %parallel_loop3A_1280 = arith.mulf %parallel_loop3A_1272, %add3A_1153 : vector<16xf32>
        %parallel_loop3A_1281 = arith.addf %parallel_loop3A_1279, %parallel_loop3A_1280 : vector<16xf32>
        %parallel_loop3A_1282 = arith.mulf %parallel_loop3A_1274, %add3A_1154 : vector<16xf32>
        %parallel_loop3A_1283 = arith.addf %parallel_loop3A_1281, %parallel_loop3A_1282 : vector<16xf32>
        %parallel_loop3A_1284 = arith.mulf %parallel_loop3A_1270, %add3A_1155 : vector<16xf32>
        %parallel_loop3A_1285 = arith.mulf %parallel_loop3A_1272, %add3A_1156 : vector<16xf32>
        %parallel_loop3A_1286 = arith.addf %parallel_loop3A_1284, %parallel_loop3A_1285 : vector<16xf32>
        %parallel_loop3A_1287 = arith.mulf %parallel_loop3A_1274, %add3A_1157 : vector<16xf32>
        %parallel_loop3A_1288 = arith.addf %parallel_loop3A_1286, %parallel_loop3A_1287 : vector<16xf32>
        %parallel_loop3A_1289 = arith.subf %parallel_loop3A_1276, %parallel_loop3A_1283 : vector<16xf32>
        %parallel_loop3A_1290 = arith.cmpf ole, %parallel_loop3A_1289, %add3A_1148 : vector<16xf32>
        %parallel_loop3A_1291 = arith.subf %parallel_loop3A_1276, %parallel_loop3A_1288 : vector<16xf32>
        %parallel_loop3A_1292 = arith.cmpf ole, %parallel_loop3A_1291, %add3A_1151 : vector<16xf32>
        %parallel_loop3A_1293 = arith.constant 64 : i32
        %parallel_loop3A_1294 = arith.muli %parallel_loop3A_1262, %parallel_loop3A_1293 : i32
        %parallel_loop3A_1295 = arith.constant 16 : i32
        %parallel_loop3A_1296 = arith.addi %parallel_loop3A_1294, %parallel_loop3A_1295 : i32
        %parallel_loop3A_1297 = arith.index_cast %parallel_loop3A_1296 : i32 to index
        %parallel_loop3A_1298 = tpu.vector_load %arg5[%parallel_loop3A_1297] {strides = array<i32>} : memref<2048xf32, #tpu.memory_space<vmem>>, vector<16xf32>,
        %parallel_loop3A_1299 = arith.index_cast %parallel_loop3A_1296 : i32 to index
        %parallel_loop3A_1300 = tpu.vector_load %arg6[%parallel_loop3A_1299] {strides = array<i32>} : memref<2048xf32, #tpu.memory_space<vmem>>, vector<16xf32>,
        %parallel_loop3A_1301 = arith.index_cast %parallel_loop3A_1296 : i32 to index
        %parallel_loop3A_1302 = tpu.vector_load %arg7[%parallel_loop3A_1301] {strides = array<i32>} : memref<2048xf32, #tpu.memory_space<vmem>>, vector<16xf32>,
        %parallel_loop3A_1303 = arith.index_cast %parallel_loop3A_1296 : i32 to index
        %parallel_loop3A_1304 = tpu.vector_load %arg8[%parallel_loop3A_1303] {strides = array<i32>} : memref<2048xf32, #tpu.memory_space<vmem>>, vector<16xf32>,
        %parallel_loop3A_1305 = vector.broadcast %parallel_loop3A_1296 : i32 to vector<16xi32>
        %parallel_loop3A_1306 = arith.addi %iota3A, %parallel_loop3A_1305 : vector<16xi32>
        %parallel_loop3A_1307 = arith.mulf %parallel_loop3A_1298, %add3A_1152 : vector<16xf32>
        %parallel_loop3A_1308 = arith.mulf %parallel_loop3A_1300, %add3A_1153 : vector<16xf32>
        %parallel_loop3A_1309 = arith.addf %parallel_loop3A_1307, %parallel_loop3A_1308 : vector<16xf32>
        %parallel_loop3A_1310 = arith.mulf %parallel_loop3A_1302, %add3A_1154 : vector<16xf32>
        %parallel_loop3A_1311 = arith.addf %parallel_loop3A_1309, %parallel_loop3A_1310 : vector<16xf32>
        %parallel_loop3A_1312 = arith.mulf %parallel_loop3A_1298, %add3A_1155 : vector<16xf32>
        %parallel_loop3A_1313 = arith.mulf %parallel_loop3A_1300, %add3A_1156 : vector<16xf32>
        %parallel_loop3A_1314 = arith.addf %parallel_loop3A_1312, %parallel_loop3A_1313 : vector<16xf32>
        %parallel_loop3A_1315 = arith.mulf %parallel_loop3A_1302, %add3A_1157 : vector<16xf32>
        %parallel_loop3A_1316 = arith.addf %parallel_loop3A_1314, %parallel_loop3A_1315 : vector<16xf32>
        %parallel_loop3A_1317 = arith.subf %parallel_loop3A_1304, %parallel_loop3A_1311 : vector<16xf32>
        %parallel_loop3A_1318 = arith.cmpf ole, %parallel_loop3A_1317, %add3A_1148 : vector<16xf32>
        %parallel_loop3A_1319 = arith.subf %parallel_loop3A_1304, %parallel_loop3A_1316 : vector<16xf32>
        %parallel_loop3A_1320 = arith.cmpf ole, %parallel_loop3A_1319, %add3A_1151 : vector<16xf32>
        %parallel_loop3A_1321 = arith.constant 64 : i32
        %parallel_loop3A_1322 = arith.muli %parallel_loop3A_1262, %parallel_loop3A_1321 : i32
        %parallel_loop3A_1323 = arith.constant 32 : i32
        %parallel_loop3A_1324 = arith.addi %parallel_loop3A_1322, %parallel_loop3A_1323 : i32
        %parallel_loop3A_1325 = arith.index_cast %parallel_loop3A_1324 : i32 to index
        %parallel_loop3A_1326 = tpu.vector_load %arg5[%parallel_loop3A_1325] {strides = array<i32>} : memref<2048xf32, #tpu.memory_space<vmem>>, vector<16xf32>,
        %parallel_loop3A_1327 = arith.index_cast %parallel_loop3A_1324 : i32 to index
        %parallel_loop3A_1328 = tpu.vector_load %arg6[%parallel_loop3A_1327] {strides = array<i32>} : memref<2048xf32, #tpu.memory_space<vmem>>, vector<16xf32>,
        %parallel_loop3A_1329 = arith.index_cast %parallel_loop3A_1324 : i32 to index
        %parallel_loop3A_1330 = tpu.vector_load %arg7[%parallel_loop3A_1329] {strides = array<i32>} : memref<2048xf32, #tpu.memory_space<vmem>>, vector<16xf32>,
        %parallel_loop3A_1331 = arith.index_cast %parallel_loop3A_1324 : i32 to index
        %parallel_loop3A_1332 = tpu.vector_load %arg8[%parallel_loop3A_1331] {strides = array<i32>} : memref<2048xf32, #tpu.memory_space<vmem>>, vector<16xf32>,
        %parallel_loop3A_1333 = vector.broadcast %parallel_loop3A_1324 : i32 to vector<16xi32>
        %parallel_loop3A_1334 = arith.addi %iota3A, %parallel_loop3A_1333 : vector<16xi32>
        %parallel_loop3A_1335 = arith.mulf %parallel_loop3A_1326, %add3A_1152 : vector<16xf32>
        %parallel_loop3A_1336 = arith.mulf %parallel_loop3A_1328, %add3A_1153 : vector<16xf32>
        %parallel_loop3A_1337 = arith.addf %parallel_loop3A_1335, %parallel_loop3A_1336 : vector<16xf32>
        %parallel_loop3A_1338 = arith.mulf %parallel_loop3A_1330, %add3A_1154 : vector<16xf32>
        %parallel_loop3A_1339 = arith.addf %parallel_loop3A_1337, %parallel_loop3A_1338 : vector<16xf32>
        %parallel_loop3A_1340 = arith.mulf %parallel_loop3A_1326, %add3A_1155 : vector<16xf32>
        %parallel_loop3A_1341 = arith.mulf %parallel_loop3A_1328, %add3A_1156 : vector<16xf32>
        %parallel_loop3A_1342 = arith.addf %parallel_loop3A_1340, %parallel_loop3A_1341 : vector<16xf32>
        %parallel_loop3A_1343 = arith.mulf %parallel_loop3A_1330, %add3A_1157 : vector<16xf32>
        %parallel_loop3A_1344 = arith.addf %parallel_loop3A_1342, %parallel_loop3A_1343 : vector<16xf32>
        %parallel_loop3A_1345 = arith.subf %parallel_loop3A_1332, %parallel_loop3A_1339 : vector<16xf32>
        %parallel_loop3A_1346 = arith.cmpf ole, %parallel_loop3A_1345, %add3A_1148 : vector<16xf32>
        %parallel_loop3A_1347 = arith.subf %parallel_loop3A_1332, %parallel_loop3A_1344 : vector<16xf32>
        %parallel_loop3A_1348 = arith.cmpf ole, %parallel_loop3A_1347, %add3A_1151 : vector<16xf32>
        %parallel_loop3A_1349 = arith.constant 64 : i32
        %parallel_loop3A_1350 = arith.muli %parallel_loop3A_1262, %parallel_loop3A_1349 : i32
        %parallel_loop3A_1351 = arith.constant 48 : i32
        %parallel_loop3A_1352 = arith.addi %parallel_loop3A_1350, %parallel_loop3A_1351 : i32
        %parallel_loop3A_1353 = arith.index_cast %parallel_loop3A_1352 : i32 to index
        %parallel_loop3A_1354 = tpu.vector_load %arg5[%parallel_loop3A_1353] {strides = array<i32>} : memref<2048xf32, #tpu.memory_space<vmem>>, vector<16xf32>,
        %parallel_loop3A_1355 = arith.index_cast %parallel_loop3A_1352 : i32 to index
        %parallel_loop3A_1356 = tpu.vector_load %arg6[%parallel_loop3A_1355] {strides = array<i32>} : memref<2048xf32, #tpu.memory_space<vmem>>, vector<16xf32>,
        %parallel_loop3A_1357 = arith.index_cast %parallel_loop3A_1352 : i32 to index
        %parallel_loop3A_1358 = tpu.vector_load %arg7[%parallel_loop3A_1357] {strides = array<i32>} : memref<2048xf32, #tpu.memory_space<vmem>>, vector<16xf32>,
        %parallel_loop3A_1359 = arith.index_cast %parallel_loop3A_1352 : i32 to index
        %parallel_loop3A_1360 = tpu.vector_load %arg8[%parallel_loop3A_1359] {strides = array<i32>} : memref<2048xf32, #tpu.memory_space<vmem>>, vector<16xf32>,
        %parallel_loop3A_1361 = vector.broadcast %parallel_loop3A_1352 : i32 to vector<16xi32>
        %parallel_loop3A_1362 = arith.addi %iota3A, %parallel_loop3A_1361 : vector<16xi32>
        %parallel_loop3A_1363 = arith.mulf %parallel_loop3A_1354, %add3A_1152 : vector<16xf32>
        %parallel_loop3A_1364 = arith.mulf %parallel_loop3A_1356, %add3A_1153 : vector<16xf32>
        %parallel_loop3A_1365 = arith.addf %parallel_loop3A_1363, %parallel_loop3A_1364 : vector<16xf32>
        %parallel_loop3A_1366 = arith.mulf %parallel_loop3A_1358, %add3A_1154 : vector<16xf32>
        %parallel_loop3A_1367 = arith.addf %parallel_loop3A_1365, %parallel_loop3A_1366 : vector<16xf32>
        %parallel_loop3A_1368 = arith.mulf %parallel_loop3A_1354, %add3A_1155 : vector<16xf32>
        %parallel_loop3A_1369 = arith.mulf %parallel_loop3A_1356, %add3A_1156 : vector<16xf32>
        %parallel_loop3A_1370 = arith.addf %parallel_loop3A_1368, %parallel_loop3A_1369 : vector<16xf32>
        %parallel_loop3A_1371 = arith.mulf %parallel_loop3A_1358, %add3A_1157 : vector<16xf32>
        %parallel_loop3A_1372 = arith.addf %parallel_loop3A_1370, %parallel_loop3A_1371 : vector<16xf32>
        %parallel_loop3A_1373 = arith.subf %parallel_loop3A_1360, %parallel_loop3A_1367 : vector<16xf32>
        %parallel_loop3A_1374 = arith.cmpf ole, %parallel_loop3A_1373, %add3A_1148 : vector<16xf32>
        %parallel_loop3A_1375 = arith.subf %parallel_loop3A_1360, %parallel_loop3A_1372 : vector<16xf32>
        %parallel_loop3A_1376 = arith.cmpf ole, %parallel_loop3A_1375, %add3A_1151 : vector<16xf32>
        %parallel_loop3A_1377 = arith.extui %parallel_loop3A_1290 : vector<16xi1> to vector<16xi32>
        %parallel_loop3A_1378 = arith.constant true
        %parallel_loop3A_1379 = vector.broadcast %parallel_loop3A_1378 : i1 to vector<16xi1>
        %parallel_loop3A_1380 = tpu.scan <sum>, %parallel_loop3A_1377 masked %parallel_loop3A_1379 : vector<16xi32>, vector<16xi1> -> vector<16xi32>
        %parallel_loop3A_1381 = arith.extui %parallel_loop3A_1318 : vector<16xi1> to vector<16xi32>
        %parallel_loop3A_1382 = arith.constant true
        %parallel_loop3A_1383 = vector.broadcast %parallel_loop3A_1382 : i1 to vector<16xi1>
        %parallel_loop3A_1384 = tpu.scan <sum>, %parallel_loop3A_1381 masked %parallel_loop3A_1383 : vector<16xi32>, vector<16xi1> -> vector<16xi32>
        %parallel_loop3A_1385 = arith.extui %parallel_loop3A_1346 : vector<16xi1> to vector<16xi32>
        %parallel_loop3A_1386 = arith.constant true
        %parallel_loop3A_1387 = vector.broadcast %parallel_loop3A_1386 : i1 to vector<16xi1>
        %parallel_loop3A_1388 = tpu.scan <sum>, %parallel_loop3A_1385 masked %parallel_loop3A_1387 : vector<16xi32>, vector<16xi1> -> vector<16xi32>
        %parallel_loop3A_1389 = arith.extui %parallel_loop3A_1374 : vector<16xi1> to vector<16xi32>
        %parallel_loop3A_1390 = arith.constant true
        %parallel_loop3A_1391 = vector.broadcast %parallel_loop3A_1390 : i1 to vector<16xi1>
        %parallel_loop3A_1392 = tpu.scan <sum>, %parallel_loop3A_1389 masked %parallel_loop3A_1391 : vector<16xi32>, vector<16xi1> -> vector<16xi32>
        %parallel_loop3A_1393 = arith.extui %parallel_loop3A_1292 : vector<16xi1> to vector<16xi32>
        %parallel_loop3A_1394 = arith.constant true
        %parallel_loop3A_1395 = vector.broadcast %parallel_loop3A_1394 : i1 to vector<16xi1>
        %parallel_loop3A_1396 = tpu.scan <sum>, %parallel_loop3A_1393 masked %parallel_loop3A_1395 : vector<16xi32>, vector<16xi1> -> vector<16xi32>
        %parallel_loop3A_1397 = arith.extui %parallel_loop3A_1320 : vector<16xi1> to vector<16xi32>
        %parallel_loop3A_1398 = arith.constant true
        %parallel_loop3A_1399 = vector.broadcast %parallel_loop3A_1398 : i1 to vector<16xi1>
        %parallel_loop3A_1400 = tpu.scan <sum>, %parallel_loop3A_1397 masked %parallel_loop3A_1399 : vector<16xi32>, vector<16xi1> -> vector<16xi32>
        %parallel_loop3A_1401 = arith.extui %parallel_loop3A_1348 : vector<16xi1> to vector<16xi32>
        %parallel_loop3A_1402 = arith.constant true
        %parallel_loop3A_1403 = vector.broadcast %parallel_loop3A_1402 : i1 to vector<16xi1>
        %parallel_loop3A_1404 = tpu.scan <sum>, %parallel_loop3A_1401 masked %parallel_loop3A_1403 : vector<16xi32>, vector<16xi1> -> vector<16xi32>
        %parallel_loop3A_1405 = arith.extui %parallel_loop3A_1376 : vector<16xi1> to vector<16xi32>
        %parallel_loop3A_1406 = arith.constant true
        %parallel_loop3A_1407 = vector.broadcast %parallel_loop3A_1406 : i1 to vector<16xi1>
        %parallel_loop3A_1408 = tpu.scan <sum>, %parallel_loop3A_1405 masked %parallel_loop3A_1407 : vector<16xi32>, vector<16xi1> -> vector<16xi32>
        %parallel_loop3A_1409 = vector.shape_cast %broadcast_in_dim3A_39 : vector<16xi32> to vector<16x1xi32>
        %parallel_loop3A_1410 = vector.shape_cast %parallel_loop3A_1409 : vector<16x1xi32> to vector<16xi32>
        %parallel_loop3A_1411 = tpu.dynamic_gather %parallel_loop3A_1380[%parallel_loop3A_1410] in [0] : vector<16xi32>, vector<16xi32> -> vector<16xi32>
        %parallel_loop3A_1412 = vector.shape_cast %broadcast_in_dim3A_39 : vector<16xi32> to vector<16x1xi32>
        %parallel_loop3A_1413 = vector.shape_cast %parallel_loop3A_1412 : vector<16x1xi32> to vector<16xi32>
        %parallel_loop3A_1414 = tpu.dynamic_gather %parallel_loop3A_1384[%parallel_loop3A_1413] in [0] : vector<16xi32>, vector<16xi32> -> vector<16xi32>
        %parallel_loop3A_1415 = vector.shape_cast %broadcast_in_dim3A_39 : vector<16xi32> to vector<16x1xi32>
        %parallel_loop3A_1416 = vector.shape_cast %parallel_loop3A_1415 : vector<16x1xi32> to vector<16xi32>
        %parallel_loop3A_1417 = tpu.dynamic_gather %parallel_loop3A_1388[%parallel_loop3A_1416] in [0] : vector<16xi32>, vector<16xi32> -> vector<16xi32>
        %parallel_loop3A_1418 = vector.shape_cast %broadcast_in_dim3A_39 : vector<16xi32> to vector<16x1xi32>
        %parallel_loop3A_1419 = vector.shape_cast %parallel_loop3A_1418 : vector<16x1xi32> to vector<16xi32>
        %parallel_loop3A_1420 = tpu.dynamic_gather %parallel_loop3A_1392[%parallel_loop3A_1419] in [0] : vector<16xi32>, vector<16xi32> -> vector<16xi32>
        %parallel_loop3A_1421 = vector.shape_cast %broadcast_in_dim3A_39 : vector<16xi32> to vector<16x1xi32>
        %parallel_loop3A_1422 = vector.shape_cast %parallel_loop3A_1421 : vector<16x1xi32> to vector<16xi32>
        %parallel_loop3A_1423 = tpu.dynamic_gather %parallel_loop3A_1396[%parallel_loop3A_1422] in [0] : vector<16xi32>, vector<16xi32> -> vector<16xi32>
        %parallel_loop3A_1424 = vector.shape_cast %broadcast_in_dim3A_39 : vector<16xi32> to vector<16x1xi32>
        %parallel_loop3A_1425 = vector.shape_cast %parallel_loop3A_1424 : vector<16x1xi32> to vector<16xi32>
        %parallel_loop3A_1426 = tpu.dynamic_gather %parallel_loop3A_1400[%parallel_loop3A_1425] in [0] : vector<16xi32>, vector<16xi32> -> vector<16xi32>
        %parallel_loop3A_1427 = vector.shape_cast %broadcast_in_dim3A_39 : vector<16xi32> to vector<16x1xi32>
        %parallel_loop3A_1428 = vector.shape_cast %parallel_loop3A_1427 : vector<16x1xi32> to vector<16xi32>
        %parallel_loop3A_1429 = tpu.dynamic_gather %parallel_loop3A_1404[%parallel_loop3A_1428] in [0] : vector<16xi32>, vector<16xi32> -> vector<16xi32>
        %parallel_loop3A_1430 = vector.shape_cast %broadcast_in_dim3A_39 : vector<16xi32> to vector<16x1xi32>
        %parallel_loop3A_1431 = vector.shape_cast %parallel_loop3A_1430 : vector<16x1xi32> to vector<16xi32>
        %parallel_loop3A_1432 = tpu.dynamic_gather %parallel_loop3A_1408[%parallel_loop3A_1431] in [0] : vector<16xi32>, vector<16xi32> -> vector<16xi32>
        %parallel_loop3A_1433 = arith.addi %parallel_loop3A_1263, %parallel_loop3A_1380 : vector<16xi32>
        tpu.vector_store_idx %arg9[%parallel_loop3A_1433], %parallel_loop3A_1278 masked %parallel_loop3A_1290 : memref<2048xi32, #tpu.memory_space<vmem>>[vector<16xi32>], vector<16xi32>, vector<16xi1>
        %parallel_loop3A_1434 = arith.addi %parallel_loop3A_1263, %parallel_loop3A_1411 : vector<16xi32>
        %parallel_loop3A_1435 = arith.addi %parallel_loop3A_1264, %parallel_loop3A_1396 : vector<16xi32>
        tpu.vector_store_idx %arg10[%parallel_loop3A_1435], %parallel_loop3A_1278 masked %parallel_loop3A_1292 : memref<2048xi32, #tpu.memory_space<vmem>>[vector<16xi32>], vector<16xi32>, vector<16xi1>
        %parallel_loop3A_1436 = arith.addi %parallel_loop3A_1264, %parallel_loop3A_1423 : vector<16xi32>
        %parallel_loop3A_1437 = arith.addi %parallel_loop3A_1434, %parallel_loop3A_1384 : vector<16xi32>
        tpu.vector_store_idx %arg9[%parallel_loop3A_1437], %parallel_loop3A_1306 masked %parallel_loop3A_1318 : memref<2048xi32, #tpu.memory_space<vmem>>[vector<16xi32>], vector<16xi32>, vector<16xi1>
        %parallel_loop3A_1438 = arith.addi %parallel_loop3A_1434, %parallel_loop3A_1414 : vector<16xi32>
        %parallel_loop3A_1439 = arith.addi %parallel_loop3A_1436, %parallel_loop3A_1400 : vector<16xi32>
        tpu.vector_store_idx %arg10[%parallel_loop3A_1439], %parallel_loop3A_1306 masked %parallel_loop3A_1320 : memref<2048xi32, #tpu.memory_space<vmem>>[vector<16xi32>], vector<16xi32>, vector<16xi1>
        %parallel_loop3A_1440 = arith.addi %parallel_loop3A_1436, %parallel_loop3A_1426 : vector<16xi32>
        %parallel_loop3A_1441 = arith.addi %parallel_loop3A_1438, %parallel_loop3A_1388 : vector<16xi32>
        tpu.vector_store_idx %arg9[%parallel_loop3A_1441], %parallel_loop3A_1334 masked %parallel_loop3A_1346 : memref<2048xi32, #tpu.memory_space<vmem>>[vector<16xi32>], vector<16xi32>, vector<16xi1>
        %parallel_loop3A_1442 = arith.addi %parallel_loop3A_1438, %parallel_loop3A_1417 : vector<16xi32>
        %parallel_loop3A_1443 = arith.addi %parallel_loop3A_1440, %parallel_loop3A_1404 : vector<16xi32>
        tpu.vector_store_idx %arg10[%parallel_loop3A_1443], %parallel_loop3A_1334 masked %parallel_loop3A_1348 : memref<2048xi32, #tpu.memory_space<vmem>>[vector<16xi32>], vector<16xi32>, vector<16xi1>
        %parallel_loop3A_1444 = arith.addi %parallel_loop3A_1440, %parallel_loop3A_1429 : vector<16xi32>
        %parallel_loop3A_1445 = arith.addi %parallel_loop3A_1442, %parallel_loop3A_1392 : vector<16xi32>
        tpu.vector_store_idx %arg9[%parallel_loop3A_1445], %parallel_loop3A_1362 masked %parallel_loop3A_1374 : memref<2048xi32, #tpu.memory_space<vmem>>[vector<16xi32>], vector<16xi32>, vector<16xi1>
        %parallel_loop3A_1446 = arith.addi %parallel_loop3A_1442, %parallel_loop3A_1420 : vector<16xi32>
        %parallel_loop3A_1447 = arith.addi %parallel_loop3A_1444, %parallel_loop3A_1408 : vector<16xi32>
        tpu.vector_store_idx %arg10[%parallel_loop3A_1447], %parallel_loop3A_1362 masked %parallel_loop3A_1376 : memref<2048xi32, #tpu.memory_space<vmem>>[vector<16xi32>], vector<16xi32>, vector<16xi1>
        %parallel_loop3A_1448 = arith.addi %parallel_loop3A_1444, %parallel_loop3A_1432 : vector<16xi32>
        scf.yield %parallel_loop3A_1446, %parallel_loop3A_1448 : vector<16xi32>, vector<16xi32>
      } {sc.loop_unroll_factor = 2 : i64, sc.parallel_access}
      %add3A_1163 = arith.constant 1 : i32
      %add3A_1164 = vector.broadcast %add3A_1163 : i32 to vector<16xi32>
      %add3A_1165 = arith.addi %parallel_loop3A_1162#0, %add3A_1164 : vector<16xi32>
      %add3A_1166 = arith.constant 1 : i32
      %add3A_1167 = vector.broadcast %add3A_1166 : i32 to vector<16xi32>
      %add3A_1168 = arith.addi %parallel_loop3A_1162#1, %add3A_1167 : vector<16xi32>
      %slice3A = vector.extract_strided_slice %add3A_1165 {offsets = [0], sizes = [1], strides = [1]} : vector<16xi32> to vector<1xi32>
      %squeeze3A = vector.extract %slice3A[0] : i32 from vector<1xi32>
      %slice3A_1169 = vector.extract_strided_slice %add3A_1168 {offsets = [0], sizes = [1], strides = [1]} : vector<16xi32> to vector<1xi32>
      %squeeze3A_1170 = vector.extract %slice3A_1169[0] : i32 from vector<1xi32>
      %add3A_1171 = arith.constant 15 : i32
      %add3A_1172 = arith.addi %squeeze3A, %add3A_1171 : i32
      %jit3A_1173 = arith.constant 16 : i32
      %div3A_1174 = arith.divsi %add3A_1172, %jit3A_1173 : i32
      %sign3A_1175 = arith.constant 0 : i32
      %sign3A_1176 = arith.cmpi sgt, %add3A_1172, %sign3A_1175 : i32
      %sign3A_1177 = arith.extui %sign3A_1176 : i1 to i32
      %sign3A_1178 = arith.constant 0 : i32
      %sign3A_1179 = arith.cmpi slt, %add3A_1172, %sign3A_1178 : i32
      %sign3A_1180 = arith.extui %sign3A_1179 : i1 to i32
      %sign3A_1181 = arith.subi %sign3A_1177, %sign3A_1180 : i32
      %sign3A_1182 = arith.constant 0 : i32
      %sign3A_1183 = arith.cmpi sgt, %jit3A_1173, %sign3A_1182 : i32
      %sign3A_1184 = arith.extui %sign3A_1183 : i1 to i32
      %sign3A_1185 = arith.constant 0 : i32
      %sign3A_1186 = arith.cmpi slt, %jit3A_1173, %sign3A_1185 : i32
      %sign3A_1187 = arith.extui %sign3A_1186 : i1 to i32
      %sign3A_1188 = arith.subi %sign3A_1184, %sign3A_1187 : i32
      %ne3A_1189 = arith.cmpi ne, %sign3A_1181, %sign3A_1188 : i32
      %rem3A_1190 = arith.remsi %add3A_1172, %jit3A_1173 : i32
      %ne3A_1191 = arith.constant 0 : i32
      %ne3A_1192 = arith.cmpi ne, %rem3A_1190, %ne3A_1191 : i32
      %and3A_1193 = arith.andi %ne3A_1189, %ne3A_1192 : i1
      %sub3A_1194 = arith.constant 1 : i32
      %sub3A_1195 = arith.subi %div3A_1174, %sub3A_1194 : i32
      %select_n3A_1196 = arith.select %and3A_1193, %sub3A_1195, %div3A_1174 : i32
      %add3A_1197 = arith.constant 15 : i32
      %add3A_1198 = arith.addi %squeeze3A_1170, %add3A_1197 : i32
      %jit3A_1199 = arith.constant 16 : i32
      %div3A_1200 = arith.divsi %add3A_1198, %jit3A_1199 : i32
      %sign3A_1201 = arith.constant 0 : i32
      %sign3A_1202 = arith.cmpi sgt, %add3A_1198, %sign3A_1201 : i32
      %sign3A_1203 = arith.extui %sign3A_1202 : i1 to i32
      %sign3A_1204 = arith.constant 0 : i32
      %sign3A_1205 = arith.cmpi slt, %add3A_1198, %sign3A_1204 : i32
      %sign3A_1206 = arith.extui %sign3A_1205 : i1 to i32
      %sign3A_1207 = arith.subi %sign3A_1203, %sign3A_1206 : i32
      %sign3A_1208 = arith.constant 0 : i32
      %sign3A_1209 = arith.cmpi sgt, %jit3A_1199, %sign3A_1208 : i32
      %sign3A_1210 = arith.extui %sign3A_1209 : i1 to i32
      %sign3A_1211 = arith.constant 0 : i32
      %sign3A_1212 = arith.cmpi slt, %jit3A_1199, %sign3A_1211 : i32
      %sign3A_1213 = arith.extui %sign3A_1212 : i1 to i32
      %sign3A_1214 = arith.subi %sign3A_1210, %sign3A_1213 : i32
      %ne3A_1215 = arith.cmpi ne, %sign3A_1207, %sign3A_1214 : i32
      %rem3A_1216 = arith.remsi %add3A_1198, %jit3A_1199 : i32
      %ne3A_1217 = arith.constant 0 : i32
      %ne3A_1218 = arith.cmpi ne, %rem3A_1216, %ne3A_1217 : i32
      %and3A_1219 = arith.andi %ne3A_1215, %ne3A_1218 : i1
      %sub3A_1220 = arith.constant 1 : i32
      %sub3A_1221 = arith.subi %div3A_1200, %sub3A_1220 : i32
      %select_n3A_1222 = arith.select %and3A_1219, %sub3A_1221, %div3A_1200 : i32
      %max3A = arith.maxsi %select_n3A_1196, %select_n3A_1222 : i32
      %parallel_loop3A_1223 = arith.constant 0 : i32
      %parallel_loop3A_1224 = arith.constant 1 : i32
      %parallel_loop3A_1225:4 = scf.for %parallel_loop3A_1262 = %parallel_loop3A_1223 to %max3A step %parallel_loop3A_1224 iter_args(%parallel_loop3A_1263 = %masked_sort3A_1111, %parallel_loop3A_1264 = %masked_sort3A_1112, %parallel_loop3A_1265 = %masked_sort3A_1128, %parallel_loop3A_1266 = %masked_sort3A_1129) -> (vector<16xf32>, vector<16xi32>, vector<16xf32>, vector<16xi32>)  : i32 {
        %parallel_loop3A_1267 = arith.constant 16 : i32
        %parallel_loop3A_1268 = arith.muli %parallel_loop3A_1262, %parallel_loop3A_1267 : i32
        %parallel_loop3A_1269 = vector.broadcast %parallel_loop3A_1268 : i32 to vector<16xi32>
        %parallel_loop3A_1270 = arith.addi %iota3A, %parallel_loop3A_1269 : vector<16xi32>
        %parallel_loop3A_1271 = arith.index_cast %parallel_loop3A_1268 : i32 to index
        %parallel_loop3A_1272 = tpu.vector_load %arg9[%parallel_loop3A_1271] {strides = array<i32>} : memref<2048xi32, #tpu.memory_space<vmem>>, vector<16xi32>,
        %parallel_loop3A_1273 = arith.cmpi slt, %parallel_loop3A_1270, %add3A_1165 : vector<16xi32>
        %parallel_loop3A_1274 = arith.constant 0 : i32
        %parallel_loop3A_1275 = vector.broadcast %parallel_loop3A_1274 : i32 to vector<16xi32>
        %parallel_loop3A_1276 = arith.select %parallel_loop3A_1273, %parallel_loop3A_1272, %parallel_loop3A_1275 : vector<16xi1>, vector<16xi32>
        %parallel_loop3A_1277 = arith.index_cast %parallel_loop3A_1268 : i32 to index
        %parallel_loop3A_1278 = tpu.vector_load %arg10[%parallel_loop3A_1277] {strides = array<i32>} : memref<2048xi32, #tpu.memory_space<vmem>>, vector<16xi32>,
        %parallel_loop3A_1279 = arith.cmpi slt, %parallel_loop3A_1270, %add3A_1168 : vector<16xi32>
        %parallel_loop3A_1280 = arith.constant 0 : i32
        %parallel_loop3A_1281 = vector.broadcast %parallel_loop3A_1280 : i32 to vector<16xi32>
        %parallel_loop3A_1282 = arith.select %parallel_loop3A_1279, %parallel_loop3A_1278, %parallel_loop3A_1281 : vector<16xi1>, vector<16xi32>
        %parallel_loop3A_1283 = tpu.vector_load_idx %arg5[%parallel_loop3A_1276] : memref<2048xf32, #tpu.memory_space<vmem>>[vector<16xi32>], vector<16xf32>,
        %parallel_loop3A_1284 = arith.subf %parallel_loop3A_1283, %gather3A_101 : vector<16xf32>
        %parallel_loop3A_1285 = tpu.vector_load_idx %arg6[%parallel_loop3A_1276] : memref<2048xf32, #tpu.memory_space<vmem>>[vector<16xi32>], vector<16xf32>,
        %parallel_loop3A_1286 = arith.subf %parallel_loop3A_1285, %gather3A_104 : vector<16xf32>
        %parallel_loop3A_1287 = tpu.vector_load_idx %arg7[%parallel_loop3A_1276] : memref<2048xf32, #tpu.memory_space<vmem>>[vector<16xi32>], vector<16xf32>,
        %parallel_loop3A_1288 = arith.subf %parallel_loop3A_1287, %gather3A_107 : vector<16xf32>
        %parallel_loop3A_1289 = arith.mulf %parallel_loop3A_1284, %parallel_loop3A_1284 : vector<16xf32>
        %parallel_loop3A_1290 = arith.mulf %parallel_loop3A_1286, %parallel_loop3A_1286 : vector<16xf32>
        %parallel_loop3A_1291 = arith.addf %parallel_loop3A_1289, %parallel_loop3A_1290 : vector<16xf32>
        %parallel_loop3A_1292 = arith.mulf %parallel_loop3A_1288, %parallel_loop3A_1288 : vector<16xf32>
        %parallel_loop3A_1293 = arith.addf %parallel_loop3A_1291, %parallel_loop3A_1292 : vector<16xf32>
        %parallel_loop3A_1294 = tpu.vector_load_idx %arg5[%parallel_loop3A_1282] : memref<2048xf32, #tpu.memory_space<vmem>>[vector<16xi32>], vector<16xf32>,
        %parallel_loop3A_1295 = arith.subf %parallel_loop3A_1294, %gather3A_110 : vector<16xf32>
        %parallel_loop3A_1296 = tpu.vector_load_idx %arg6[%parallel_loop3A_1282] : memref<2048xf32, #tpu.memory_space<vmem>>[vector<16xi32>], vector<16xf32>,
        %parallel_loop3A_1297 = arith.subf %parallel_loop3A_1296, %gather3A_113 : vector<16xf32>
        %parallel_loop3A_1298 = tpu.vector_load_idx %arg7[%parallel_loop3A_1282] : memref<2048xf32, #tpu.memory_space<vmem>>[vector<16xi32>], vector<16xf32>,
        %parallel_loop3A_1299 = arith.subf %parallel_loop3A_1298, %gather3A_116 : vector<16xf32>
        %parallel_loop3A_1300 = arith.mulf %parallel_loop3A_1295, %parallel_loop3A_1295 : vector<16xf32>
        %parallel_loop3A_1301 = arith.mulf %parallel_loop3A_1297, %parallel_loop3A_1297 : vector<16xf32>
        %parallel_loop3A_1302 = arith.addf %parallel_loop3A_1300, %parallel_loop3A_1301 : vector<16xf32>
        %parallel_loop3A_1303 = arith.mulf %parallel_loop3A_1299, %parallel_loop3A_1299 : vector<16xf32>
        %parallel_loop3A_1304 = arith.addf %parallel_loop3A_1302, %parallel_loop3A_1303 : vector<16xf32>
        %parallel_loop3A_1305 = vector.broadcast %add3A_61 : i32 to vector<16xi32>
        %parallel_loop3A_1306 = arith.cmpi ne, %parallel_loop3A_1276, %parallel_loop3A_1305 : vector<16xi32>
        %parallel_loop3A_1307 = arith.andi %parallel_loop3A_1273, %parallel_loop3A_1306 : vector<16xi1>
        %parallel_loop3A_1308 = vector.broadcast %scan3A_46 : f32 to vector<16xf32>
        %parallel_loop3A_1309 = arith.select %parallel_loop3A_1307, %parallel_loop3A_1293, %parallel_loop3A_1308 : vector<16xi1>, vector<16xf32>
        %parallel_loop3A_1310 = vector.broadcast %add3A_63 : i32 to vector<16xi32>
        %parallel_loop3A_1311 = arith.cmpi ne, %parallel_loop3A_1282, %parallel_loop3A_1310 : vector<16xi32>
        %parallel_loop3A_1312 = arith.andi %parallel_loop3A_1279, %parallel_loop3A_1311 : vector<16xi1>
        %parallel_loop3A_1313 = vector.broadcast %scan3A_46 : f32 to vector<16xf32>
        %parallel_loop3A_1314 = arith.select %parallel_loop3A_1312, %parallel_loop3A_1304, %parallel_loop3A_1313 : vector<16xi1>, vector<16xf32>
        %parallel_loop3A_1315 = arith.constant dense<true> : vector<16xi1>
        %parallel_loop3A_1316, %parallel_loop3A_1317, %parallel_loop3A_1318 = tpu.sort %parallel_loop3A_1309, %parallel_loop3A_1276 masked %parallel_loop3A_1315 {descending = true} : (vector<16xf32>, vector<16xi32>, vector<16xi1>) -> (vector<16xi1>, vector<16xf32>, vector<16xi32>)
        %parallel_loop3A_1319 = arith.constant dense<true> : vector<16xi1>
        %parallel_loop3A_1320, %parallel_loop3A_1321, %parallel_loop3A_1322 = tpu.sort %parallel_loop3A_1314, %parallel_loop3A_1282 masked %parallel_loop3A_1319 {descending = true} : (vector<16xf32>, vector<16xi32>, vector<16xi1>) -> (vector<16xi1>, vector<16xf32>, vector<16xi32>)
        %parallel_loop3A_1323 = arith.cmpf olt, %parallel_loop3A_1263, %parallel_loop3A_1317 : vector<16xf32>
        %parallel_loop3A_1324 = arith.cmpf oeq, %parallel_loop3A_1263, %parallel_loop3A_1317 : vector<16xf32>
        %parallel_loop3A_1325 = arith.cmpi slt, %parallel_loop3A_1264, %parallel_loop3A_1318 : vector<16xi32>
        %parallel_loop3A_1326 = arith.andi %parallel_loop3A_1324, %parallel_loop3A_1325 : vector<16xi1>
        %parallel_loop3A_1327 = arith.ori %parallel_loop3A_1323, %parallel_loop3A_1326 : vector<16xi1>
        %parallel_loop3A_1328 = arith.select %parallel_loop3A_1327, %parallel_loop3A_1263, %parallel_loop3A_1317 : vector<16xi1>, vector<16xf32>
        %parallel_loop3A_1329 = arith.select %parallel_loop3A_1327, %parallel_loop3A_1264, %parallel_loop3A_1318 : vector<16xi1>, vector<16xi32>
        %parallel_loop3A_1330 = arith.constant dense<true> : vector<16xi1>
        %parallel_loop3A_1331, %parallel_loop3A_1332, %parallel_loop3A_1333 = tpu.sort %parallel_loop3A_1328, %parallel_loop3A_1329 masked %parallel_loop3A_1330 : (vector<16xf32>, vector<16xi32>, vector<16xi1>) -> (vector<16xi1>, vector<16xf32>, vector<16xi32>)
        %parallel_loop3A_1334 = arith.cmpf olt, %parallel_loop3A_1265, %parallel_loop3A_1321 : vector<16xf32>
        %parallel_loop3A_1335 = arith.cmpf oeq, %parallel_loop3A_1265, %parallel_loop3A_1321 : vector<16xf32>
        %parallel_loop3A_1336 = arith.cmpi slt, %parallel_loop3A_1266, %parallel_loop3A_1322 : vector<16xi32>
        %parallel_loop3A_1337 = arith.andi %parallel_loop3A_1335, %parallel_loop3A_1336 : vector<16xi1>
        %parallel_loop3A_1338 = arith.ori %parallel_loop3A_1334, %parallel_loop3A_1337 : vector<16xi1>
        %parallel_loop3A_1339 = arith.select %parallel_loop3A_1338, %parallel_loop3A_1265, %parallel_loop3A_1321 : vector<16xi1>, vector<16xf32>
        %parallel_loop3A_1340 = arith.select %parallel_loop3A_1338, %parallel_loop3A_1266, %parallel_loop3A_1322 : vector<16xi1>, vector<16xi32>
        %parallel_loop3A_1341 = arith.constant dense<true> : vector<16xi1>
        %parallel_loop3A_1342, %parallel_loop3A_1343, %parallel_loop3A_1344 = tpu.sort %parallel_loop3A_1339, %parallel_loop3A_1340 masked %parallel_loop3A_1341 : (vector<16xf32>, vector<16xi32>, vector<16xi1>) -> (vector<16xi1>, vector<16xf32>, vector<16xi32>)
        scf.yield %parallel_loop3A_1332, %parallel_loop3A_1333, %parallel_loop3A_1343, %parallel_loop3A_1344 : vector<16xf32>, vector<16xi32>, vector<16xf32>, vector<16xi32>
      } {sc.loop_unroll_factor = 1 : i64, sc.parallel_access}
      %mul3A_1226 = arith.constant 2 : i32
      %mul3A_1227 = arith.muli %mul3A_1226, %scan3A_57 : i32
      %mul3A_1228 = arith.constant 16 : i32
      %mul3A_1229 = arith.muli %mul3A_1227, %mul3A_1228 : i32
      %swap3A = arith.index_cast %mul3A_1229 : i32 to index
      %swap3A_1230 = tpu.vector_load %arg12[%swap3A] {strides = array<i32>} : memref<8192xf32, #tpu.memory_space<vmem>>, vector<16xf32>,
      tpu.vector_store %arg12[%swap3A], %parallel_loop3A_1225#0 {strides = array<i32>} : memref<8192xf32, #tpu.memory_space<vmem>>, vector<16xf32>,
      %mul3A_1231 = arith.constant 2048 : i32
      %mul3A_1232 = arith.muli %select_n3A, %mul3A_1231 : i32
      %add3A_1233 = vector.broadcast %mul3A_1232 : i32 to vector<16xi32>
      %add3A_1234 = arith.addi %parallel_loop3A_1225#1, %add3A_1233 : vector<16xi32>
      %mul3A_1235 = arith.constant 2 : i32
      %mul3A_1236 = arith.muli %mul3A_1235, %scan3A_57 : i32
      %mul3A_1237 = arith.constant 16 : i32
      %mul3A_1238 = arith.muli %mul3A_1236, %mul3A_1237 : i32
      %swap3A_1239 = arith.index_cast %mul3A_1238 : i32 to index
      %swap3A_1240 = tpu.vector_load %arg11[%swap3A_1239] {strides = array<i32>} : memref<8192xi32, #tpu.memory_space<vmem>>, vector<16xi32>,
      tpu.vector_store %arg11[%swap3A_1239], %add3A_1234 {strides = array<i32>} : memref<8192xi32, #tpu.memory_space<vmem>>, vector<16xi32>,
      %mul3A_1241 = arith.constant 2 : i32
      %mul3A_1242 = arith.muli %mul3A_1241, %scan3A_57 : i32
      %add3A_1243 = arith.constant 1 : i32
      %add3A_1244 = arith.addi %mul3A_1242, %add3A_1243 : i32
      %mul3A_1245 = arith.constant 16 : i32
      %mul3A_1246 = arith.muli %add3A_1244, %mul3A_1245 : i32
      %swap3A_1247 = arith.index_cast %mul3A_1246 : i32 to index
      %swap3A_1248 = tpu.vector_load %arg12[%swap3A_1247] {strides = array<i32>} : memref<8192xf32, #tpu.memory_space<vmem>>, vector<16xf32>,
      tpu.vector_store %arg12[%swap3A_1247], %parallel_loop3A_1225#2 {strides = array<i32>} : memref<8192xf32, #tpu.memory_space<vmem>>, vector<16xf32>,
      %mul3A_1249 = arith.constant 2048 : i32
      %mul3A_1250 = arith.muli %select_n3A, %mul3A_1249 : i32
      %add3A_1251 = vector.broadcast %mul3A_1250 : i32 to vector<16xi32>
      %add3A_1252 = arith.addi %parallel_loop3A_1225#3, %add3A_1251 : vector<16xi32>
      %mul3A_1253 = arith.constant 2 : i32
      %mul3A_1254 = arith.muli %mul3A_1253, %scan3A_57 : i32
      %add3A_1255 = arith.constant 1 : i32
      %add3A_1256 = arith.addi %mul3A_1254, %add3A_1255 : i32
      %mul3A_1257 = arith.constant 16 : i32
      %mul3A_1258 = arith.muli %add3A_1256, %mul3A_1257 : i32
      %swap3A_1259 = arith.index_cast %mul3A_1258 : i32 to index
      %swap3A_1260 = tpu.vector_load %arg11[%swap3A_1259] {strides = array<i32>} : memref<8192xi32, #tpu.memory_space<vmem>>, vector<16xi32>,
      tpu.vector_store %arg11[%swap3A_1259], %add3A_1252 {strides = array<i32>} : memref<8192xi32, #tpu.memory_space<vmem>>, vector<16xi32>,
      %scan3A_1261 = arith.constant 0 : i32
      scf.yield %scan3A_1261 : i32
    }
    %scan3A_54 = arith.constant 256 : i32
    %mul3A_55 = arith.constant 8192 : i32
    %mul3A_56 = arith.muli %add3A, %mul3A_55 : i32
    "tpu.region"() ({
      %run_scoped3A = tpu.sem_alloc : memref<!tpu.dma_semaphore, #tpu.memory_space<semaphore_mem>>
      %dma_start3A = tpu.memref_slice %arg3[%mul3A_56] : memref<262144xi32, #tpu.memory_space<hbm>> -> memref<8192xi32, #tpu.memory_space<hbm>>
      %dma_start3A_57 = tpu.memref_slice %arg3[%mul3A_56] : memref<262144xi32, #tpu.memory_space<hbm>> -> memref<8192xi32, #tpu.memory_space<hbm>>
      tpu.enqueue_dma source(%arg11 : memref<8192xi32, #tpu.memory_space<vmem>>) target(%dma_start3A_57 : memref<8192xi32, #tpu.memory_space<hbm>>) target_semaphore(%run_scoped3A : memref<!tpu.dma_semaphore, #tpu.memory_space<semaphore_mem>>)
      %dma_wait3A = tpu.memref_slice %arg3[%mul3A_56] : memref<262144xi32, #tpu.memory_space<hbm>> -> memref<8192xi32, #tpu.memory_space<hbm>>
      %dma_wait3A_58 = tpu.memref_slice %arg3[%mul3A_56] : memref<262144xi32, #tpu.memory_space<hbm>> -> memref<8192xi32, #tpu.memory_space<hbm>>
      tpu.wait_dma2 semaphore(%run_scoped3A : memref<!tpu.dma_semaphore, #tpu.memory_space<semaphore_mem>>) src(%arg11 : memref<8192xi32, #tpu.memory_space<vmem>>) dst(%dma_wait3A_58 : memref<8192xi32, #tpu.memory_space<hbm>>)
      tpu.yield
    }) : () -> ()
    "tpu.region"() ({
      %run_scoped3A = tpu.sem_alloc : memref<!tpu.dma_semaphore, #tpu.memory_space<semaphore_mem>>
      %dma_start3A = tpu.memref_slice %arg4[%mul3A_56] : memref<262144xf32, #tpu.memory_space<hbm>> -> memref<8192xf32, #tpu.memory_space<hbm>>
      %dma_start3A_57 = tpu.memref_slice %arg4[%mul3A_56] : memref<262144xf32, #tpu.memory_space<hbm>> -> memref<8192xf32, #tpu.memory_space<hbm>>
      tpu.enqueue_dma source(%arg12 : memref<8192xf32, #tpu.memory_space<vmem>>) target(%dma_start3A_57 : memref<8192xf32, #tpu.memory_space<hbm>>) target_semaphore(%run_scoped3A : memref<!tpu.dma_semaphore, #tpu.memory_space<semaphore_mem>>)
      %dma_wait3A = tpu.memref_slice %arg4[%mul3A_56] : memref<262144xf32, #tpu.memory_space<hbm>> -> memref<8192xf32, #tpu.memory_space<hbm>>
      %dma_wait3A_58 = tpu.memref_slice %arg4[%mul3A_56] : memref<262144xf32, #tpu.memory_space<hbm>> -> memref<8192xf32, #tpu.memory_space<hbm>>
      tpu.wait_dma2 semaphore(%run_scoped3A : memref<!tpu.dma_semaphore, #tpu.memory_space<semaphore_mem>>) src(%arg12 : memref<8192xf32, #tpu.memory_space<vmem>>) dst(%dma_wait3A_58 : memref<8192xf32, #tpu.memory_space<hbm>>)
      tpu.yield
    }) : () -> ()
    return
  }
}

</mosaic_0001>

<sc_bundles>
// kernel: _knn_call.3.cloned.1.call-start
scs
__scs_entry_jumppad:
0x0: {  	(pc) =	sbr.rel $0x88, $3  }
0x1: {  	(tag) =	ssettag $0x0;
	lr =	simm.s32 $0x1  }
0x2: {  	[smem:$0x3FA0] =	sst lr;
	_ =	strace $0xD0000000  }
0x3: {  	_ = 	snop  }
0x4: {  	_ = 	snop  }
0x5: {  	_ = 	snop  }
0x6: {  	_ = 	snop  }
0x7: {  	_ = 	snop  }
__scs_overlays_trampoline_lowered:
0x8: {  	[smem:$0x3FAF] =	sst s0  }
0x9: {  	[smem:$0x3FB0] =	sst s1  }
0xa: {  	[smem:$0x3FB1] =	sst s2  }
0xb: {  	[smem:$0x3FB2] =	sst s3  }
0xc: {  	[smem:$0x3FB3] =	sst s4  }
0xd: {  	[smem:$0x3FB4] =	sst s5  }
0xe: {  	[smem:$0x3FB5] =	sst s6  }
0xf: {  	[smem:$0x3FB6] =	sst s7  }
0x10: {  	[smem:$0x3FB7] =	sst s8  }
0x11: {  	[smem:$0x3FB8] =	sst s9;
	s0 =	simm.s32 @!p0 $0x0  }
0x12: {  	s1 =	sld [smem:$0x3F9E];
	s0 =	simm.s32 @p0 $0x1  }
0x13: {  	[smem:$0x3FB9] =	sst s0;
	s0 =	simm.s32 @!p1 $0x0  }
0x14: {  	s2 =	sld [smem:$0x3F9D];
	s0 =	simm.s32 @p1 $0x1  }
0x15: {  	[smem:$0x3FBA] =	sst s0;
	s0 =	simm.s32 @!p2 $0x0  }
0x16: {  	s3 =	sld [smem:$0x3FDB];
	s0 =	simm.s32 @p2 $0x1  }
0x17: {  	s4 =	simm.s32 $0x1BF5;
	[smem:$0x3FBC] =	sst s0  }
0x18: {  	s0 =	sld [smem:$0x3F9F];
	_ =	swait.ge [sflag:s4], $0x0  }
0x19: {  	s7 =	sld [smem:$0x3FA0]  }
0x1a: {  	s8 =	sadd.s32 $0xFFFFE003, lr  }
0x1b: {  	s9 =	sadd.s32 $0xFFFFFEF7, lr;
	s5 =	simm.s32 $0xFFFFFFFF;
	p2 =	slt.u32 s8, $0xFFFFF086  }
0x1c: {  	p1 =	slt.u32 s9, $0xF7A;
	s5 =	simm.s32 @!p2 $0x0  }
0x1d: {  	s5 =	simm.s32 @p1 $0x1;
	p0 =	seq.s32 s7, s2  }
0x1e: {  	s7 =	smul.u32 @!p0 $0xF7A, s2;
	p2 =	seq.s32 @!p0 s5, $0x0  }
0x1f: {  	s9 =	smul.u32 $0xF7A, s1;
	s8 =	simm.s32 @!p0 $0x1BF5;
	p2 =	por !p2, p0  }
0x20: {  	[sflag:s8] =	ssyncset.s32 @!p0 $0xFFFFF086;
	s6 =	sadd.s32 @!p0 s3, s7;
	s7 =	simm.s32 @!p0 $0x108  }
0x21: {  	s3 =	sadd.s32 s3, s9;
	s6 =	sadd.s32 @!p0 $0x88, s6;
	s7 =	simm.s32 @p2 $0x1082  }
0x22: {  	[simem:s7], [sflag:s8] =	dma.local @!p0 [hbm:s6], $0xF7A  }
0x23: {  	s9 =	sor.u32 $0xD0000000, s2;
	s6 =	simm.s32 $0x108;
	_ =	swait.ge @!p0 [sflag:s8], $0x0  }
0x24: {  	s3 =	sadd.s32 $0x88, s3;
	s6 =	simm.s32 @!p1 $0x1082;
	[sflag:s4] =	ssyncset.s32 $0xFFFFF086  }
0x25: {  	[simem:s6], [sflag:s4] =	dma.local [hbm:s3], $0xF7A  }
0x26: {  	[smem:$0x3FA0] =	sst s1;
	(tag) =	ssettag s2;
	_ =	strace s9  }
0x27: {  	s1 =	sld [smem:$0x3FB0]  }
0x28: {  	s2 =	sld [smem:$0x3FB1]  }
0x29: {  	s4 =	sld [smem:$0x3FB3]  }
0x2a: {  	p0 =	seq.s32 s5, $0x0;
	s5 =	sld [smem:$0x3FB4]  }
0x2b: {  	s6 =	sld [smem:$0x3FB5]  }
0x2c: {  	s7 =	sld [smem:$0x3FB6]  }
0x2d: {  	s3 =	simm.s32 $0x108;
	s8 =	sld [smem:$0x3FB7]  }
0x2e: {  	s3 =	simm.s32 @!p0 $0x1082;
	s9 =	sld [smem:$0x3FB8]  }
0x2f: {  	lr =	sadd.s32 s0, s3;
	s0 =	sld [smem:$0x3FAF]  }
0x30: {  	s3 =	sld [smem:$0x3FB2]  }
0x31: {  	[smem:$0x3FBB] =	sst s10  }
0x32: {  	s10 =	sld [smem:$0x3FB9];
	_ =	sdelay $0x3  }
0x33: {  	p0 =	seq.s32 s10, $0x1;
	s10 =	sld [smem:$0x3FBB];
	_ =	sdelay $0x3  }
0x34: {  	[smem:$0x3FBB] =	sst s10  }
0x35: {  	s10 =	sld [smem:$0x3FBA];
	_ =	sdelay $0x3  }
0x36: {  	p1 =	seq.s32 s10, $0x1;
	s10 =	sld [smem:$0x3FBB];
	_ =	sdelay $0x3  }
0x37: {  	[smem:$0x3FBB] =	sst s10  }
0x38: {  	s10 =	sld [smem:$0x3FBC]  }
0x39: {  	_ = 	snop;
	(pc) =	sbr.ind lr, $3  }
0x3a: {  	_ = 	snop  }
0x3b: {  	_ = 	snop  }
0x3c: {  	p2 =	seq.s32 s10, $0x1;
	s10 =	sld [smem:$0x3FBB]  }
0x3d: {  	_ =	shalt  }
0x3e: {  	_ =	shalt  }
0x3f: {  	_ =	shalt  }
0x40: {  	_ =	shalt  }
0x41: {  	_ =	shalt  }
0x42: {  	_ =	shalt  }
0x43: {  	_ =	shalt  }
0x44: {  	_ =	shalt  }
0x45: {  	_ =	shalt  }
0x46: {  	_ =	shalt  }
0x47: {  	_ =	shalt  }
0x48: {  	_ =	shalt  }
0x49: {  	_ =	shalt  }
0x4a: {  	_ =	shalt  }
0x4b: {  	_ =	shalt  }
0x4c: {  	_ =	shalt  }
0x4d: {  	_ =	shalt  }
0x4e: {  	_ =	shalt  }
0x4f: {  	_ =	shalt  }
0x50: {  	_ =	shalt  }
0x51: {  	_ =	shalt  }
0x52: {  	_ =	shalt  }
0x53: {  	_ =	shalt  }
0x54: {  	_ =	shalt  }
0x55: {  	_ =	shalt  }
0x56: {  	_ =	shalt  }
0x57: {  	_ =	shalt  }
0x58: {  	_ =	shalt  }
0x59: {  	_ =	shalt  }
0x5a: {  	_ =	shalt  }
0x5b: {  	_ =	shalt  }
0x5c: {  	_ =	shalt  }
0x5d: {  	_ =	shalt  }
0x5e: {  	_ =	shalt  }
0x5f: {  	_ =	shalt  }
0x60: {  	_ =	shalt  }
0x61: {  	_ =	shalt  }
0x62: {  	_ =	shalt  }
0x63: {  	_ =	shalt  }
0x64: {  	_ =	shalt  }
0x65: {  	_ =	shalt  }
0x66: {  	_ =	shalt  }
0x67: {  	_ =	shalt  }
0x68: {  	_ =	shalt  }
0x69: {  	_ =	shalt  }
0x6a: {  	_ =	shalt  }
0x6b: {  	_ =	shalt  }
0x6c: {  	_ =	shalt  }
0x6d: {  	_ =	shalt  }
0x6e: {  	_ =	shalt  }
0x6f: {  	_ =	shalt  }
0x70: {  	_ =	shalt  }
0x71: {  	_ =	shalt  }
0x72: {  	_ =	shalt  }
0x73: {  	_ =	shalt  }
0x74: {  	_ =	shalt  }
0x75: {  	_ =	shalt  }
0x76: {  	_ =	shalt  }
0x77: {  	_ =	shalt  }
0x78: {  	_ =	shalt  }
0x79: {  	_ =	shalt  }
0x7a: {  	_ =	shalt  }
0x7b: {  	_ =	shalt  }
0x7c: {  	_ =	shalt  }
0x7d: {  	_ =	shalt  }
0x7e: {  	_ =	shalt  }
0x7f: {  	_ =	shalt  }
0x80: {  	_ =	shalt  }
0x81: {  	_ =	shalt  }
0x82: {  	_ =	shalt  }
0x83: {  	_ =	shalt  }
0x84: {  	_ =	shalt  }
0x85: {  	_ =	shalt  }
0x86: {  	_ =	shalt  }
0x87: {  	_ =	shalt  }
.Lfunc_end0:
.L_simem_size_0:
called_computation_lowered:
.L_overlay_start_0:
0x88: {  	s2 =	sld [smem:$0x3FD9]  }
0x89: {  	s3 =	sld [smem:$0x3FFE];
	_ =	sdelay $0x1  }
0x8a: {  	s1 =	srdreg.scid  }
0x8b: {  	s0 =	sand.u32 $0x1, s1  }
0x8c: {  	s15 =	sshll.u32 s0, $0xA;
	s2 =	sadd.s32 s3, s2  }
0x8d: {  	s2 =	sadd.s32 s2, s15  }
0x8e: {  	[smem:$0x3FC7] =	sst s2  }
0x8f: {  	_ = 	snop  }
0x90: {  	s2 =	sld [smem:$0x3FD0];
	_ =	sdelay $0x2  }
0x91: {  	s4 =	simm.s32 $0xA;
	s5 =	simm.s32 $0x10;
	s16 =	sld [smem:$0x3FC9]  }
0x92: {  	[smem:s5], [sflag:s4] =	dma.local [hbm:s2], $0x1  }
0x93: {  	_ =	swait.eq [sflag:s4], $0x1  }
0x94: {  	[sflag:s4] =	ssyncset.done $0x0  }
0x95: {  	s17 =	sld [smem:$0x10];
	[sflag:s4] =	ssyncadd.s32 $0xFFFFFFFF  }
0x96: {  	s18 =	sld [smem:$0x11];
	(tm) =	ssettm $0x1  }
0x97: {  	s19 =	sld [smem:$0x3FFB];
	_ =	sdelay $0x3  }
0x98: {  	_ =	strace s19  }
0x99: {  	s5 =	sld [smem:$0x3FFC];
	_ =	sdelay $0x3  }
0x9a: {  	_ =	strace s5  }
0x9b: {  	s5 =	sld [smem:$0x3FFD];
	_ =	sdelay $0x3  }
0x9c: {  	_ =	strace s5  }
0x9d: {  	_ =	strace $0x8FFFFFFF  }
0x9e: {  	s20 =	sld [smem:$0x3FDB];
	_ =	sdelay $0x1  }
0x9f: {  	s6 =	simm.s32 $_scs_section_size  }
0xa0: {  	s7 =	simm.s32 $_size__tile_overlayer_lowered;
	s8 =	simm.s32 $_tile_overlayer_lowered  }
0xa1: {  	s23 =	simm.s32 $0x1BFF;
	s22 =	sshll.u32 s8, $0x1;
	s5 =	sadd.s32 s6, s20  }
0xa2: {  	s9 =	simm.s32 $0x0;
	s21 =	sshll.u32 s7, $0x1;
	s7 =	sadd.s32 s22, s5  }
0xa3: {  	[timem:s9], [sflag:s23] =	dma.local [hbm:s7], s21  }
0xa4: {  	_ =	swait.ge [sflag:s23], s21  }
0xa5: {  	s6 =	ssub.s32 $0x0, s21;
	[sflag:s23] =	ssyncset.done $0x0  }
0xa6: {  	[sflag:s23] =	ssyncadd.s32 s6;
	_ =	sdelay $0x1  }
0xa7: {  	s24 =	simm.s32 $0x1B8B  }
0xa8: {  	_ =	swait.ge [sflag:s24], $0x1  }
0xa9: {  	[sflag:s24] =	ssyncset.done $0x0  }
0xaa: {  	s25 =	simm.s32 $0x1B8E;
	[sflag:s24] =	ssyncadd.s32 $0xFFFFFFFF  }
0xab: {  	s26 =	simm.s32 $execute0_lowered;
	[smem:$0x3FD2] =	sst s25  }
0xac: {  	s6 =	sshll.u32 s26, $0x1;
	_ =	strace $0x80000046;
	[dreg:$0x1] =	wrdreg $0xFFFFFFFF  }
0xad: {  	s28 =	simm.s32 $_size_execute0_lowered;
	s5 =	sadd.s32 s5, s6;
	[dreg:$0x0] =	wrdreg $0x0  }
0xae: {  	s6 =	sshll.u32 s28, $0x1;
	[dreg:$0x2] =	wrdreg s5  }
0xaf: {  	[dreg:$0x3] =	wrdreg s6  }
0xb0: {  	[dreg:$0x4] =	wrdreg $0xC0  }
0xb1: {  	_ =	task [dreg:s9], $0x5FFFF  }
0xb2: {  	[dreg:$0x1] =	wrdreg $0xFFFFFFFF  }
0xb3: {  	[dreg:$0x0] =	wrdreg $0x60  }
0xb4: {  	[dreg:$0x2] =	wrdreg s16  }
0xb5: {  	[dreg:$0x3] =	wrdreg s17  }
0xb6: {  	[dreg:$0x4] =	wrdreg s18  }
0xb7: {  	[dreg:$0x5] =	wrdreg $0x9  }
0xb8: {  	_ =	task.clear_ibuf [dreg:s9], $0x6FFFF;
	_ =	strace $0x90000046  }
0xb9: {  	s29 =	simm.s32 $0x9;
	_ =	strace $0x80000048  }
0xba: {  	_ =	swait.ge [sflag:s29], $0x1  }
0xbb: {  	[sflag:s29] =	ssyncadd.s32 $0xFFFFFFFF  }
0xbc: {  	_ =	strace $0x90000048  }
0xbd: {  	_ =	sfence  }
0xbe: {  	s30 =	sld [smem:$0x0];
	_ =	sdelay $0x2  }
0xbf: {  	s31 =	sshll.u32 s1, $0xD;
	s1 =	sshrl.u32 s1, $0x2  }
0xc0: {  	s3 =	sand.u32 $0x4000, s31;
	s1 =	sadd.s32 s1, s30  }
0xc1: {  	s0 =	sor.u32 s3, s0;
	s1 =	sshll.u32 s1, $0x11  }
0xc2: {  	s0 =	sor.u32 s1, s0  }
0xc3: {  	s0 =	sadd.s32 $0x8F2B, s0  }
0xc4: {  	[sflag:s0] =	ssyncadd.remote.s32 $0x1  }
0xc5: {  	_ =	sfence.sel $0xFFFF  }
0xc6: {  	[dreg:$0x0] =	wrdreg $0xFFFFFFFF;
	(pc) =	sbr.abs _section_cstart, $3  }
0xc7: {  	[dreg:$0x1] =	wrdreg $0xFFFFFFFF  }
0xc8: {  	_ =	task.clear_ibuf [dreg:s9], $0x2FFFF;
	_ =	strace $0x9FFFFFFF  }
0xc9: {  	(tm) =	ssettm $0x7FFFFFFF  }
tec
execute0_lowered:
.L_overlay_start_1:
0x0: {  	(tag) =	ssettag $0x1  }
0x1: {  	s3 =	rddreg [dreg:$0x0]  }
0x2: {  	s7 =	rddreg [dreg:$0x1];
	s1 =	stileid.u32  }
0x3: {  	s8 =	rddreg [dreg:$0x2];
	s2 =	simm.s32 $0x0;
	v0 =	vlaneseq.u32;
	s5 =	sshrl.u32 s1, $0x1  }
0x4: {  	[smem:$0x7FF] =	sst s2;
	v2 =	vor.u32 $0xE0, v0;
	s6 =	smul.u32 $0x1800, s5;
	s5 =	sshll.u32 s5, $0xB  }
0x5: {  	s0 =	rddreg [dreg:$0x3];
	_ =	strace $0x80000047;
	[tilespmem:$0x1FFC0] =	vst v2;
	v1 =	vmov s5  }
0x6: {  	[tilespmem:$0x1FEF0] =	vst v1;
	v1 =	vor.u32 $0x80, v0  }
0x7: {  	[tilespmem:$0x1FF00] =	vst v1;
	v1 =	vor.u32 $0x10, v0  }
0x8: {  	[tilespmem:$0x1FF10] =	vst v1;
	v1 =	vor.u32 $0x90, v0  }
0x9: {  	[tilespmem:$0x1FF20] =	vst v1;
	v1 =	vor.u32 $0x20, v0  }
0xa: {  	[tilespmem:$0x1FF30] =	vst v1;
	v1 =	vor.u32 $0xA0, v0  }
0xb: {  	[tilespmem:$0x1FF40] =	vst v1;
	v1 =	vor.u32 $0x30, v0  }
0xc: {  	[tilespmem:$0x1FF50] =	vst v1;
	v1 =	vor.u32 $0xB0, v0  }
0xd: {  	s4 =	srdreg.scid;
	s12 =	simm.s32 $0x1000;
	[tilespmem:$0x1FF60] =	vst v1;
	v1 =	vor.u32 $0x40, v0  }
0xe: {  	s13 =	simm.s32 $0x2000;
	s14 =	simm.s32 $0x2800;
	s15 =	simm.s32 $0x3000;
	[tilespmem:$0x1FF70] =	vst v1;
	v1 =	vor.u32 $0xC0, v0  }
0xf: {  	s16 =	simm.s32 $0x5000;
	s4 =	sand.u32 $0x1, s4;
	s10 =	sshll.u32 s1, $0x1;
	[tilespmem:$0x1FF80] =	vst v1;
	v1 =	vor.u32 $0x50, v0  }
0x10: {  	s17 =	simm.s32 $0x0;
	s9 =	ssub.s32 $0x2, s4;
	s10 =	sor.u32 s4, s10;
	[tilespmem:$0x1FF90] =	vst v1;
	v1 =	vor.u32 $0xD0, v0  }
.Ltmp0:
0x11: {  	s11 =	sshrl.u32 s9, $0x1;
	s31 =	sshll.u32 s10, $0x9;
	[tilespmem:$0x1FFA0] =	vst v1;
	v1 =	vor.u32 $0x60, v0;
	(pc) =	sbr.rel .LBB2_1-.Ltmp0, $4  }
0x12: {  	v2 =	vor.u32 $0x70, v0;
	s10 =	sshll.u32 s10, $0xA;
	s30 =	sshrl.u32 s6, $0x3;
	s9 =	ssub.s32 s9, s11;
	[tilespmem:$0x1FFB0] =	vst v1;
	v1 =	vmul.u32 $0xFFFFFFFF, v0  }
0x13: {  	[tilespmem:$0x1FFD0] =	vst v2;
	v2 =	vor.u32 $0xF0, v0;
	s4 =	sand.u32 $0x600, s31;
	s7 =	sadd.s32 s7, s10;
	s8 =	sadd.s32 s8, s10  }
0x14: {  	s10 =	simm.s32 $0x1;
	s11 =	simm.s32 $0x800;
	[tilespmem:$0x1FFE0] =	vst v2;
	s3 =	sadd.s32 s3, s30;
	v1 =	vadd.s32 $0xF, v1  }
0x15: {  	v18 =	vimm.s32 $0xF;
	v19 =	vimm.s32 $0x0;
	s9 =	smax.u32 s9, $0x1;
	s5 =	sadd.s32 $0x100, s3;
	s6 =	sadd.s32 $0x200, s3;
	[tilespmem:$0x1FFF0] =	vst v1  }
.LBB2_9:
0x16: {  	[hbm4b:s7+s2] =	stream.linear.scatter [tilespmem:s15], [sflag:$0x1], $0x2000, $0x38;
	[tilespmem:$0x7000] =	vst v63  }
0x17: {  	s17 =	sadd.s32 $0x1, s17;
	_ =	swait.ge [sflag:s10], $0x2000  }
0x18: {  	p0 =	sne.s32 s17, s9;
	[sflag:s10] =	ssyncset.done $0x0  }
.Ltmp1:
0x19: {  	[sflag:s10] =	ssyncadd.s32 $0xFFFFE000;
	(pc) =	sbr.rel @!p0 .LBB2_10-.Ltmp1, $4  }
0x1a: {  	[hbm4b:s8+s2] =	stream.linear.scatter [tilespmem:s16], [sflag:$0x1], $0x2000, $0x38;
	[tilespmem:$0x7000] =	vst v63  }
0x1b: {  	_ =	swait.ge [sflag:s10], $0x2000  }
0x1c: {  	[sflag:s10] =	ssyncset.done $0x0  }
0x1d: {  	[sflag:s10] =	ssyncadd.s32 $0xFFFFE000  }
.LBB2_1:
0x1e: {  	[tilespmem:s2], [sflag:$0x1] =	stream.linear.gather [hbm4b:s3+s2], $0x800, $0x38;
	[tilespmem:$0x7000] =	vst v63  }
0x1f: {  	_ =	swait.ge [sflag:s10], $0x800  }
0x20: {  	[sflag:s10] =	ssyncset.done $0x0  }
0x21: {  	[sflag:s10] =	ssyncadd.s32 $0xFFFFF800  }
0x22: {  	[tilespmem:s11], [sflag:$0x1] =	stream.linear.gather [hbm4b:s5+s2], $0x800, $0x38;
	[tilespmem:$0x7000] =	vst v63  }
0x23: {  	_ =	swait.ge [sflag:s10], $0x800  }
0x24: {  	[sflag:s10] =	ssyncset.done $0x0  }
0x25: {  	[sflag:s10] =	ssyncadd.s32 $0xFFFFF800  }
0x26: {  	[tilespmem:s12], [sflag:$0x1] =	stream.linear.gather [hbm4b:s6+s2], $0x800, $0x38;
	[tilespmem:$0x7000] =	vst v63  }
0x27: {  	_ =	swait.ge [sflag:s10], $0x800  }
0x28: {  	[sflag:s10] =	ssyncset.done $0x0  }
0x29: {  	s18 =	simm.s32 $0x0;
	[sflag:s10] =	ssyncadd.s32 $0xFFFFF800  }
0x2a: {  	v1 =	vld [tilespmem:s18+$0x30]  }
0x2b: {  	v2 =	vld [tilespmem:s18+$0x830]  }
0x2c: {  	v4 =	vld [tilespmem:s18+$0x0]  }
0x2d: {  	v3 =	vld [tilespmem:s18+$0x1030]  }
0x2e: {  	v6 =	vld [tilespmem:s18+$0x800]  }
0x2f: {  	v7 =	vld [tilespmem:s18+$0x10]  }
0x30: {  	v8 =	vld [tilespmem:s18+$0x810];
	v1 =	vmul.f32 v1, v1;
	v5 =	vmul.f32 v2, v2  }
0x31: {  	v21 =	vld [tilespmem:s18+$0x20]  }
0x32: {  	v2 =	vld [tilespmem:s18+$0x820];
	v20 =	vmul.f32 v3, v3;
	v1 =	vadd.f32 v5, v1  }
0x33: {  	v5 =	vld [tilespmem:s18+$0x1000]  }
0x34: {  	v3 =	vld [tilespmem:s18+$0x1010];
	v22 =	vmul.f32 v4, v4;
	v6 =	vmul.f32 v6, v6;
	v23 =	vadd.f32 v20, v1  }
0x35: {  	s19 =	simm.s32 $0x40;
	v4 =	vld [tilespmem:s18+$0x1020];
	v7 =	vmul.f32 v7, v7;
	v20 =	vmul.f32 v8, v8  }
0x36: {  	s20 =	simm.s32 $0x200;
	v6 =	vadd.f32 v6, v22;
	v1 =	vld [tilespmem:s19+$0x30];
	v8 =	vmul.f32 v21, v21;
	[tilespmem:s18+$0x1830] =	vst v23  }
.LBB2_2:
0x37: {  	p0 =	sne.s32 s20, $0x1F00;
	v21 =	vld [tilespmem:s19+$0x830];
	v7 =	vadd.f32 v20, v7;
	v2 =	vmul.f32 v2, v2  }
0x38: {  	v20 =	vld [tilespmem:s19+$0x0];
	v5 =	vmul.f32 v5, v5  }
0x39: {  	v22 =	vld [tilespmem:s19+$0x1030];
	v3 =	vmul.f32 v3, v3;
	v2 =	vadd.f32 v2, v8  }
0x3a: {  	v8 =	vld [tilespmem:s19+$0x800];
	v5 =	vadd.f32 v5, v6;
	v4 =	vmul.f32 v4, v4  }
0x3b: {  	v6 =	vld [tilespmem:s19+$0x10];
	v3 =	vadd.f32 v3, v7  }
0x3c: {  	v1 =	vmul.f32 v1, v1;
	v23 =	vld [tilespmem:s19+$0x810];
	v7 =	vmul.f32 v21, v21;
	[tilespmem:s18+$0x1800] =	vst v5;
	v4 =	vadd.f32 v4, v2  }
0x3d: {  	v20 =	vmul.f32 v20, v20;
	v21 =	vld [tilespmem:s19+$0x20];
	[tilespmem:s18+$0x1810] =	vst v3  }
.Ltmp2:
0x3e: {  	v2 =	vld [tilespmem:s19+$0x820];
	v1 =	vadd.f32 v7, v1;
	v22 =	vmul.f32 v22, v22;
	[tilespmem:s18+$0x1820] =	vst v4;
	s18 =	smov.u32 s19;
	(pc) =	sbr.rel @p0 .LBB2_2-.Ltmp2, $4  }
0x3f: {  	v5 =	vld [tilespmem:s18+$0x1000];
	v4 =	vmul.f32 v8, v8  }
0x40: {  	v3 =	vld [tilespmem:s18+$0x1010];
	v7 =	vmul.f32 v6, v6;
	v22 =	vadd.f32 v22, v1  }
0x41: {  	s19 =	sshra.s32 s20, $0x2;
	v6 =	vadd.f32 v4, v20;
	v20 =	vmul.f32 v23, v23;
	v4 =	vld [tilespmem:s18+$0x1020]  }
0x42: {  	s20 =	sadd.s32 $0x100, s20;
	v1 =	vld [tilespmem:s19+$0x30];
	v8 =	vmul.f32 v21, v21;
	[tilespmem:s18+$0x1830] =	vst v22  }
0x43: {  	v21 =	vld [tilespmem:s19+$0x830]  }
0x44: {  	v22 =	vld [tilespmem:s19+$0x0];
	v2 =	vmul.f32 v2, v2;
	v5 =	vmul.f32 v5, v5  }
0x45: {  	v23 =	vld [tilespmem:s19+$0x1030];
	v7 =	vadd.f32 v20, v7;
	v3 =	vmul.f32 v3, v3  }
0x46: {  	v20 =	vld [tilespmem:s19+$0x800];
	v2 =	vadd.f32 v2, v8;
	v5 =	vadd.f32 v5, v6;
	v4 =	vmul.f32 v4, v4  }
0x47: {  	v55 =	vld [tilespmem:s19+$0x10];
	v3 =	vadd.f32 v3, v7  }
0x48: {  	v24 =	vld [tilespmem:s19+$0x810];
	[tilespmem:s18+$0x1800] =	vst v5;
	v2 =	vadd.f32 v4, v2  }
0x49: {  	v5 =	vld [tilespmem:s19+$0x20];
	[tilespmem:s18+$0x1810] =	vst v3  }
0x4a: {  	v3 =	vld [tilespmem:s19+$0x820];
	[tilespmem:s18+$0x1820] =	vst v2  }
0x4b: {  	v2 =	vld [tilespmem:s19+$0x1000]  }
0x4c: {  	v1 =	vmul.f32 v1, v1;
	v56 =	vmul.f32 v21, v21;
	v57 =	vld [tilespmem:s19+$0x1010]  }
0x4d: {  	v58 =	vmul.f32 v22, v22;
	v59 =	vmul.f32 v23, v23;
	v60 =	vld [tilespmem:s19+$0x1020]  }
0x4e: {  	v20 =	vmul.f32 v20, v20;
	v6 =	vmul.f32 v55, v55  }
0x4f: {  	v61 =	vmul.f32 v24, v24;
	v1 =	vadd.f32 v56, v1;
	v5 =	vmul.f32 v5, v5  }
0x50: {  	v8 =	vadd.f32 v20, v58;
	v3 =	vmul.f32 v3, v3;
	v2 =	vmul.f32 v2, v2  }
0x51: {  	v4 =	vadd.f32 v61, v6;
	v1 =	vadd.f32 v59, v1;
	v62 =	vmul.f32 v57, v57  }
.Ltmp3:
0x52: {  	v63 =	vmul.f32 v60, v60;
	v3 =	vadd.f32 v3, v5;
	v2 =	vadd.f32 v2, v8;
	(pc) =	sbr.rel .LBB2_4-.Ltmp3, $4  }
0x53: {  	[tilespmem:s19+$0x1830] =	vst v1;
	v1 =	vadd.f32 v62, v4  }
0x54: {  	[tilespmem:s19+$0x1800] =	vst v2;
	v2 =	vadd.f32 v63, v3  }
0x55: {  	[tilespmem:s19+$0x1810] =	vst v1  }
0x56: {  	s18 =	simm.s32 $0x0;
	[tilespmem:s19+$0x1820] =	vst v2  }
.LBB2_7:
0x57: {  	v3 =	vld [tilespmem:$0x1FED0]  }
0x58: {  	v1 =	vld [tilespmem:$0x1FEC0]  }
0x59: {  	v2 =	vld [tilespmem:$0x1FEE0]  }
.LBB2_8:
0x5a: {  	_ =	sdelay $0x2  }
0x5b: {  	s19 =	sshll.u32 s18, $0x5  }
0x5c: {  	[tilespmem:s19+$0x5000] =	vst v2;
	v2 =	vld [tilespmem:$0x1FEF0]  }
0x5d: {  	s18 =	sadd.s32 $0x1, s18  }
0x5e: {  	p0 =	seq.s32 s18, $0x100  }
.Ltmp4:
0x5f: {  	_ = 	snop;
	(pc) =	sbr.rel @p0 .LBB2_9-.Ltmp4, $4  }
0x60: {  	_ = 	snop  }
0x61: {  	[tilespmem:s19+$0x5010] =	vst v29;
	v1 =	vadd.s32 v2, v1  }
0x62: {  	[tilespmem:s19+$0x3000] =	vst v1;
	v1 =	vadd.s32 v2, v3  }
0x63: {  	[tilespmem:s19+$0x3010] =	vst v1  }
.LBB2_4:
0x64: {  	s19 =	sshll.u32 s18, $0x1  }
0x65: {  	s20 =	sand.u32 $0x7, s18;
	s19 =	sadd.s32 s4, s19  }
0x66: {  	p1 =	sne.s32 s20, $0x0;
	p0 =	seq.s32 s19, $0x0  }
0x67: {  	p0 =	por !p1, !p0  }
0x68: {  	s20 =	simm.s32 $0xFFFFFFFF;
	p0 =	por !p0, !p0  }
0x69: {  	s20 =	simm.s32 @!p0 $0x0  }
0x6a: {  	s20 =	sshll.u32 s20, $0x4  }
0x6b: {  	v4 =	vld [tilespmem:$0x0];
	s20 =	sadd.s32 s19, s20  }
0x6c: {  	v5 =	vld [tilespmem:$0x800];
	s20 =	sand.u32 $0xFFFFFFF0, s20  }
0x6d: {  	v1 =	vld [tilespmem:s20+$0x0]  }
0x6e: {  	v2 =	vld [tilespmem:s20+$0x800]  }
0x6f: {  	v6 =	vld [tilespmem:$0x80]  }
0x70: {  	v3 =	vld [tilespmem:s20+$0x1000]  }
0x71: {  	v7 =	vld [tilespmem:$0x880];
	s20 =	ssub.s32 s19, s20  }
0x72: {  	v8 =	vmov s20  }
0x73: {  	v28 =	vld [tilespmem:$0x1080];
	v20 =	vperm.xlane v1, v8;
	v21 =	vperm.xlane v2, v8  }
0x74: {  	v27 =	vld [tilespmem:$0x1000];
	v24 =	vor.u32 $0x1, v8  }
0x75: {  	v22 =	vperm.xlane v3, v8;
	v8 =	vsub.f32 v4, v20;
	v25 =	vsub.f32 v5, v21  }
0x76: {  	v23 =	vperm.xlane v1, v24;
	v1 =	vsub.f32 v6, v20;
	v26 =	vsub.f32 v7, v21  }
0x77: {  	v8 =	vmul.f32 v8, v8;
	v30 =	vmul.f32 v25, v25  }
0x78: {  	v31 =	vsub.f32 v28, v22;
	v1 =	vmul.f32 v1, v1;
	v32 =	vmul.f32 v26, v26  }
0x79: {  	v29 =	vsub.f32 v27, v22;
	v26 =	vperm.xlane v2, v24  }
0x7a: {  	v2 =	vadd.f32 v30, v8;
	v1 =	vadd.f32 v32, v1;
	v8 =	vmul.f32 v31, v31  }
0x7b: {  	v4 =	vsub.f32 v4, v23;
	v6 =	vsub.f32 v6, v23;
	v25 =	vperm.xlane v3, v24  }
0x7c: {  	v3 =	vmul.f32 v29, v29;
	v5 =	vsub.f32 v5, v26;
	v1 =	vadd.f32 v8, v1;
	v8 =	vld [tilespmem:$0x1FF00]  }
0x7d: {  	v24 =	vmov s19;
	v4 =	vmul.f32 v4, v4;
	v7 =	vsub.f32 v7, v26  }
0x7e: {  	v2 =	vadd.f32 v3, v2;
	v3 =	vsub.f32 v27, v25;
	v5 =	vmul.f32 v5, v5  }
0x7f: {  	s19 =	sor.u32 $0x1, s19;
	v6 =	vmul.f32 v6, v6;
	vm0 =	veq.s32 v24, v0;
	v7 =	vmul.f32 v7, v7  }
0x80: {  	v27 =	vmov s19;
	v4 =	vadd.f32 v5, v4;
	v3 =	vmul.f32 v3, v3  }
0x81: {  	v2 =	vsel vm0, $0x7F800000, v2;
	v5 =	vsub.f32 v28, v25;
	vm0 =	veq.s32 v24, v8  }
0x82: {  	(xrf1) =	vsort.dscd.msk.f32 $0xffff, v2, v0;
	v2 =	vadd.f32 v3, v4;
	v3 =	vadd.f32 v7, v6;
	v1 =	vsel vm0, $0x7F800000, v1  }
0x83: {  	v4 =	vmul.f32 v5, v5;
	vm0 =	veq.s32 v27, v0;
	(xrf1) =	vsort.dscd.msk.f32 $0xffff, v1, v8  }
0x84: {  	v1 =	vsel vm0, $0x7F800000, v2  }
0x85: {  	(xrf1) =	vsort.dscd.msk.f32 $0xffff, v1, v0;
	v1 =	vadd.f32 v4, v3  }
0x86: {  	vm0 =	veq.s32 v27, v8  }
0x87: {  	v2 =	vld [tilespmem:$0x810];
	v1 =	vsel vm0, $0x7F800000, v1  }
0x88: {  	(xrf1) =	vsort.dscd.msk.f32 $0xffff, v1, v8;
	v1 =	vld [tilespmem:$0x10];
	_ =	sdelay $0x2  }
0x89: {  	v3 =	vld [tilespmem:$0x1010];
	_ =	sdelay $0x1  }
0x8a: {  	v5 =	vld [tilespmem:$0x890];
	v7 =	vsub.f32 v2, v21;
	v6 =	vsub.f32 v1, v20  }
0x8b: {  	v4 =	vld [tilespmem:$0x90]  }
0x8c: {  	v8 =	vld [tilespmem:$0x1090];
	v7 =	vmul.f32 v7, v7;
	v6 =	vmul.f32 v6, v6  }
0x8d: {  	v28 =	vsub.f32 v3, v22;
	v29, v30, _ =	vpop (xrf1)  }
0x8e: {  	(xrf1) =	vsort.ascd.msk.f32 $0xffff, v29, v30;
	v6 =	vadd.f32 v7, v6;
	v31, v48, _ =	vpop (xrf1)  }
0x8f: {  	v9 =	vld [tilespmem:$0x1FF10];
	v7 =	vmul.f32 v28, v28;
	(xrf1) =	vsort.ascd.msk.f32 $0xffff, v31, v48;
	v31 =	vsub.f32 v5, v21  }
0x90: {  	v30 =	vsub.f32 v4, v20  }
0x91: {  	v28, v29, _ =	vpop (xrf1);
	v6 =	vadd.f32 v7, v6;
	v7 =	vsub.f32 v8, v22  }
0x92: {  	(xrf1) =	vsort.ascd.msk.f32 $0xffff, v28, v29;
	v28 =	vmul.f32 v30, v30;
	v29 =	vmul.f32 v31, v31;
	_ =	sdelay $0x1  }
0x93: {  	vm0 =	veq.s32 v24, v9;
	v7 =	vmul.f32 v7, v7;
	v28 =	vadd.f32 v29, v28;
	v30, v31, _ =	vpop (xrf1)  }
0x94: {  	v2 =	vsub.f32 v2, v26;
	v1 =	vsub.f32 v1, v23;
	v6 =	vsel vm0, $0x7F800000, v6;
	(xrf1) =	vsort.ascd.msk.f32 $0xffff, v30, v31  }
0x95: {  	(xrf1) =	vsort.dscd.msk.f32 $0xffff, v6, v9;
	v6 =	vadd.f32 v7, v28;
	v7 =	vld [tilespmem:$0x1FF20]  }
0x96: {  	v3 =	vsub.f32 v3, v25;
	v2 =	vmul.f32 v2, v2;
	v1 =	vmul.f32 v1, v1;
	_ =	sdelay $0x1  }
0x97: {  	v1 =	vadd.f32 v2, v1;
	v2 =	vmul.f32 v3, v3  }
0x98: {  	v4 =	vsub.f32 v4, v23  }
0x99: {  	v5 =	vsub.f32 v5, v26;
	v1 =	vadd.f32 v2, v1;
	vm0 =	veq.s32 v24, v7  }
0x9a: {  	v2 =	vsub.f32 v8, v25;
	v3 =	vsel vm0, $0x7F800000, v6;
	vm0 =	veq.s32 v27, v9  }
0x9b: {  	(xrf1) =	vsort.dscd.msk.f32 $0xffff, v3, v7;
	v3 =	vmul.f32 v4, v4;
	v4 =	vmul.f32 v5, v5  }
0x9c: {  	v1 =	vsel vm0, $0x7F800000, v1  }
0x9d: {  	v2 =	vmul.f32 v2, v2;
	(xrf1) =	vsort.dscd.msk.f32 $0xffff, v1, v9;
	v1 =	vadd.f32 v4, v3;
	_ =	sdelay $0x1  }
0x9e: {  	v1 =	vadd.f32 v2, v1  }
0x9f: {  	vm0 =	veq.s32 v27, v7  }
0xa0: {  	v1 =	vsel vm0, $0x7F800000, v1;
	_ =	sdelay $0x1  }
0xa1: {  	v2, v3, _ =	vpop (xrf1);
	(xrf1) =	vsort.dscd.msk.f32 $0xffff, v1, v7  }
0xa2: {  	v1, v4, _ =	vpop (xrf1)  }
0xa3: {  	v33 =	vld [tilespmem:$0x820];
	v5, v6, _ =	vpop (xrf1)  }
0xa4: {  	v7, v8, _ =	vpop (xrf1)  }
0xa5: {  	v28, v29, _ =	vpop (xrf1)  }
0xa6: {  	vm0 =	veq.f32 v2, v28;
	vm1 =	vlt.s32 v3, v29  }
0xa7: {  	v30 =	vld [tilespmem:$0x20];
	vm2 =	vlt.f32 v2, v28;
	vm0 =	vmand vm0, vm1  }
0xa8: {  	v35 =	vsub.f32 v33, v21;
	v31, v49, _ =	vpop (xrf1);
	vm0 =	vmor vm2, vm0  }
0xa9: {  	vm1 =	veq.f32 v1, v31;
	vm2 =	vlt.s32 v4, v49;
	v2 =	vsel vm0, v2, v28  }
0xaa: {  	v28, v34, _ =	vpop (xrf1);
	v3 =	vsel vm0, v3, v29;
	vm0 =	vlt.f32 v1, v31;
	vm1 =	vmand vm1, vm2;
	v29 =	vld [tilespmem:$0x1020]  }
0xab: {  	vm0 =	vmor vm0, vm1;
	vm1 =	veq.f32 v5, v28;
	vm2 =	vlt.s32 v6, v34  }
0xac: {  	vm3 =	vlt.f32 v5, v28;
	(xrf1) =	vsort.ascd.msk.f32 $0xffff, v2, v3;
	v2 =	vld [tilespmem:$0x8A0];
	v3 =	vsub.f32 v30, v20;
	vm1 =	vmand vm1, vm2  }
0xad: {  	v35 =	vmul.f32 v35, v35;
	v1 =	vsel vm0, v1, v31;
	v31 =	vld [tilespmem:$0xA0];
	vm1 =	vmor vm3, vm1  }
0xae: {  	v4 =	vsel vm0, v4, v49;
	v3 =	vmul.f32 v3, v3;
	v5 =	vsel vm1, v5, v28  }
0xaf: {  	v51 =	vld [tilespmem:$0x10A0];
	v6 =	vsel vm1, v6, v34;
	v28, v50, _ =	vpop (xrf1);
	v36 =	vsub.f32 v29, v22;
	(xrf1) =	vsort.ascd.msk.f32 $0xffff, v1, v4  }
0xb0: {  	v1 =	vadd.f32 v35, v3;
	vm1 =	veq.f32 v7, v28;
	vm2 =	vlt.s32 v8, v50  }
0xb1: {  	vm0 =	vlt.f32 v7, v28;
	(xrf1) =	vsort.ascd.msk.f32 $0xffff, v5, v6;
	v5 =	vsub.f32 v2, v21;
	vm1 =	vmand vm1, vm2  }
0xb2: {  	v9 =	vld [tilespmem:$0x1FF30];
	v3 =	vmul.f32 v36, v36;
	v4 =	vsub.f32 v31, v20;
	vm0 =	vmor vm0, vm1  }
0xb3: {  	v6 =	vsel vm0, v7, v28;
	v7 =	vsel vm0, v8, v50;
	v8 =	vsub.f32 v30, v23  }
0xb4: {  	v5 =	vmul.f32 v5, v5;
	v1 =	vadd.f32 v3, v1;
	v3 =	vsub.f32 v51, v22  }
0xb5: {  	v4 =	vmul.f32 v4, v4;
	(xrf1) =	vsort.ascd.msk.f32 $0xffff, v6, v7;
	v6 =	vmul.f32 v8, v8;
	v8 =	vld [tilespmem:$0x1FF40]  }
0xb6: {  	v28 =	vsub.f32 v33, v26  }
0xb7: {  	vm0 =	veq.s32 v24, v9;
	v4 =	vadd.f32 v5, v4;
	v3 =	vmul.f32 v3, v3  }
0xb8: {  	v1 =	vsel vm0, $0x7F800000, v1;
	v5 =	vsub.f32 v29, v25;
	v7 =	vmul.f32 v28, v28  }
0xb9: {  	v2 =	vsub.f32 v2, v26;
	(xrf1) =	vsort.dscd.msk.f32 $0xffff, v1, v9;
	v1 =	vadd.f32 v3, v4  }
0xba: {  	v3 =	vadd.f32 v7, v6;
	v4 =	vmul.f32 v5, v5;
	vm0 =	veq.s32 v24, v8  }
0xbb: {  	v5 =	vsub.f32 v31, v23;
	v1 =	vsel vm0, $0x7F800000, v1  }
0xbc: {  	v2 =	vmul.f32 v2, v2;
	(xrf1) =	vsort.dscd.msk.f32 $0xffff, v1, v8;
	v1 =	vadd.f32 v4, v3  }
0xbd: {  	vm0 =	veq.s32 v27, v9;
	v3 =	vsub.f32 v51, v25;
	v4 =	vmul.f32 v5, v5  }
0xbe: {  	v1 =	vsel vm0, $0x7F800000, v1  }
0xbf: {  	(xrf1) =	vsort.dscd.msk.f32 $0xffff, v1, v9;
	v1 =	vadd.f32 v2, v4;
	v2 =	vmul.f32 v3, v3;
	_ =	sdelay $0x1  }
0xc0: {  	v1 =	vadd.f32 v2, v1  }
0xc1: {  	vm0 =	veq.s32 v27, v8  }
0xc2: {  	v1 =	vsel vm0, $0x7F800000, v1;
	_ =	sdelay $0x1  }
0xc3: {  	v2, v3, _ =	vpop (xrf1);
	(xrf1) =	vsort.dscd.msk.f32 $0xffff, v1, v8  }
0xc4: {  	v1, v4, _ =	vpop (xrf1)  }
0xc5: {  	v53 =	vld [tilespmem:$0x830];
	v5, v6, _ =	vpop (xrf1)  }
0xc6: {  	v7, v8, _ =	vpop (xrf1)  }
0xc7: {  	v28, v29, _ =	vpop (xrf1)  }
0xc8: {  	vm0 =	veq.f32 v2, v28;
	vm1 =	vlt.s32 v3, v29  }
0xc9: {  	v30 =	vld [tilespmem:$0x30];
	vm2 =	vlt.f32 v2, v28;
	vm0 =	vmand vm0, vm1  }
0xca: {  	v55 =	vsub.f32 v53, v21;
	v31, v52, _ =	vpop (xrf1);
	vm0 =	vmor vm2, vm0  }
0xcb: {  	vm1 =	veq.f32 v1, v31;
	vm2 =	vlt.s32 v4, v52;
	v2 =	vsel vm0, v2, v28  }
0xcc: {  	v28, v54, _ =	vpop (xrf1);
	v3 =	vsel vm0, v3, v29;
	vm0 =	vlt.f32 v1, v31;
	vm1 =	vmand vm1, vm2;
	v29 =	vld [tilespmem:$0x1030]  }
0xcd: {  	vm0 =	vmor vm0, vm1;
	vm1 =	veq.f32 v5, v28;
	vm2 =	vlt.s32 v6, v54  }
0xce: {  	vm3 =	vlt.f32 v5, v28;
	(xrf1) =	vsort.ascd.msk.f32 $0xffff, v2, v3;
	v2 =	vld [tilespmem:$0x8B0];
	v3 =	vsub.f32 v30, v20  }
0xcf: {  	v1 =	vsel vm0, v1, v31;
	vm1 =	vmand vm1, vm2;
	v31 =	vld [tilespmem:$0xB0];
	v4 =	vsel vm0, v4, v52  }
0xd0: {  	v35 =	vmul.f32 v55, v55;
	vm1 =	vmor vm3, vm1;
	v3 =	vmul.f32 v3, v3;
	(xrf1) =	vsort.ascd.msk.f32 $0xffff, v1, v4  }
0xd1: {  	v57 =	vld [tilespmem:$0x10B0];
	v5 =	vsel vm1, v5, v28;
	v6 =	vsel vm1, v6, v54;
	v28, v56, _ =	vpop (xrf1);
	v58 =	vsub.f32 v29, v22  }
0xd2: {  	v1 =	vadd.f32 v35, v3;
	vm1 =	veq.f32 v7, v28;
	vm2 =	vlt.s32 v8, v56  }
0xd3: {  	(xrf1) =	vsort.ascd.msk.f32 $0xffff, v5, v6;
	vm0 =	vlt.f32 v7, v28;
	v5 =	vsub.f32 v2, v21;
	vm1 =	vmand vm1, vm2  }
0xd4: {  	v9 =	vld [tilespmem:$0x1FF50];
	v3 =	vmul.f32 v58, v58;
	v4 =	vsub.f32 v31, v20;
	vm0 =	vmor vm0, vm1  }
0xd5: {  	v6 =	vsel vm0, v7, v28;
	v7 =	vsel vm0, v8, v56;
	v8 =	vsub.f32 v30, v23  }
0xd6: {  	v5 =	vmul.f32 v5, v5;
	v1 =	vadd.f32 v3, v1;
	v3 =	vsub.f32 v57, v22  }
0xd7: {  	v4 =	vmul.f32 v4, v4;
	(xrf1) =	vsort.ascd.msk.f32 $0xffff, v6, v7;
	v6 =	vmul.f32 v8, v8;
	v8 =	vld [tilespmem:$0x1FF60]  }
0xd8: {  	v28 =	vsub.f32 v53, v26  }
0xd9: {  	vm0 =	veq.s32 v24, v9;
	v4 =	vadd.f32 v5, v4;
	v3 =	vmul.f32 v3, v3  }
0xda: {  	v1 =	vsel vm0, $0x7F800000, v1;
	v5 =	vsub.f32 v29, v25;
	v7 =	vmul.f32 v28, v28  }
0xdb: {  	v2 =	vsub.f32 v2, v26;
	(xrf1) =	vsort.dscd.msk.f32 $0xffff, v1, v9;
	v1 =	vadd.f32 v3, v4  }
0xdc: {  	v3 =	vadd.f32 v7, v6;
	v4 =	vmul.f32 v5, v5;
	vm0 =	veq.s32 v24, v8  }
0xdd: {  	v5 =	vsub.f32 v31, v23;
	v1 =	vsel vm0, $0x7F800000, v1  }
0xde: {  	v2 =	vmul.f32 v2, v2;
	(xrf1) =	vsort.dscd.msk.f32 $0xffff, v1, v8;
	v1 =	vadd.f32 v4, v3  }
0xdf: {  	vm0 =	veq.s32 v27, v9;
	v3 =	vsub.f32 v57, v25;
	v4 =	vmul.f32 v5, v5  }
0xe0: {  	v1 =	vsel vm0, $0x7F800000, v1  }
0xe1: {  	(xrf1) =	vsort.dscd.msk.f32 $0xffff, v1, v9;
	v1 =	vadd.f32 v2, v4;
	v2 =	vmul.f32 v3, v3;
	_ =	sdelay $0x1  }
0xe2: {  	v1 =	vadd.f32 v2, v1  }
0xe3: {  	vm0 =	veq.s32 v27, v8  }
0xe4: {  	v1 =	vsel vm0, $0x7F800000, v1;
	_ =	sdelay $0x1  }
0xe5: {  	v2, v3, _ =	vpop (xrf1);
	(xrf1) =	vsort.dscd.msk.f32 $0xffff, v1, v8  }
0xe6: {  	v1, v4, _ =	vpop (xrf1)  }
0xe7: {  	v60 =	vld [tilespmem:$0x840];
	v5, v6, _ =	vpop (xrf1)  }
0xe8: {  	v7, v8, _ =	vpop (xrf1)  }
0xe9: {  	v28, v29, _ =	vpop (xrf1)  }
0xea: {  	vm0 =	veq.f32 v2, v28;
	vm1 =	vlt.s32 v3, v29  }
0xeb: {  	v30 =	vld [tilespmem:$0x40];
	vm2 =	vlt.f32 v2, v28;
	vm0 =	vmand vm0, vm1  }
0xec: {  	v62 =	vsub.f32 v60, v21;
	v31, v59, _ =	vpop (xrf1);
	vm0 =	vmor vm2, vm0  }
0xed: {  	vm1 =	veq.f32 v1, v31;
	vm2 =	vlt.s32 v4, v59;
	v2 =	vsel vm0, v2, v28  }
0xee: {  	v28, v61, _ =	vpop (xrf1);
	v3 =	vsel vm0, v3, v29;
	vm0 =	vlt.f32 v1, v31;
	vm1 =	vmand vm1, vm2;
	v29 =	vld [tilespmem:$0x1040]  }
0xef: {  	vm0 =	vmor vm0, vm1;
	vm1 =	veq.f32 v5, v28;
	vm2 =	vlt.s32 v6, v61  }
0xf0: {  	vm3 =	vlt.f32 v5, v28;
	(xrf1) =	vsort.ascd.msk.f32 $0xffff, v2, v3;
	v2 =	vld [tilespmem:$0x8C0];
	v3 =	vsub.f32 v30, v20;
	vm1 =	vmand vm1, vm2  }
0xf1: {  	v35 =	vmul.f32 v62, v62;
	v1 =	vsel vm0, v1, v31;
	v31 =	vld [tilespmem:$0xC0];
	vm1 =	vmor vm3, vm1  }
0xf2: {  	v4 =	vsel vm0, v4, v59;
	v3 =	vmul.f32 v3, v3;
	v5 =	vsel vm1, v5, v28  }
0xf3: {  	v12 =	vld [tilespmem:$0x10C0];
	v6 =	vsel vm1, v6, v61;
	v28, v63, _ =	vpop (xrf1);
	v13 =	vsub.f32 v29, v22;
	(xrf1) =	vsort.ascd.msk.f32 $0xffff, v1, v4  }
0xf4: {  	v1 =	vadd.f32 v35, v3;
	vm1 =	veq.f32 v7, v28;
	vm2 =	vlt.s32 v8, v63  }
0xf5: {  	vm0 =	vlt.f32 v7, v28;
	(xrf1) =	vsort.ascd.msk.f32 $0xffff, v5, v6;
	v5 =	vsub.f32 v2, v21;
	vm1 =	vmand vm1, vm2  }
0xf6: {  	v9 =	vld [tilespmem:$0x1FF70];
	v3 =	vmul.f32 v13, v13;
	v4 =	vsub.f32 v31, v20;
	vm0 =	vmor vm0, vm1  }
0xf7: {  	v6 =	vsel vm0, v7, v28;
	v7 =	vsel vm0, v8, v63;
	v8 =	vsub.f32 v30, v23  }
0xf8: {  	v5 =	vmul.f32 v5, v5;
	v1 =	vadd.f32 v3, v1;
	v3 =	vsub.f32 v12, v22  }
0xf9: {  	v4 =	vmul.f32 v4, v4;
	(xrf1) =	vsort.ascd.msk.f32 $0xffff, v6, v7;
	v6 =	vmul.f32 v8, v8;
	v8 =	vld [tilespmem:$0x1FF80]  }
0xfa: {  	v28 =	vsub.f32 v60, v26  }
0xfb: {  	vm0 =	veq.s32 v24, v9;
	v4 =	vadd.f32 v5, v4;
	v3 =	vmul.f32 v3, v3  }
0xfc: {  	v1 =	vsel vm0, $0x7F800000, v1;
	v5 =	vsub.f32 v29, v25;
	v7 =	vmul.f32 v28, v28  }
0xfd: {  	v2 =	vsub.f32 v2, v26;
	(xrf1) =	vsort.dscd.msk.f32 $0xffff, v1, v9;
	v1 =	vadd.f32 v3, v4  }
0xfe: {  	v3 =	vadd.f32 v7, v6;
	v4 =	vmul.f32 v5, v5;
	vm0 =	veq.s32 v24, v8  }
0xff: {  	v5 =	vsub.f32 v31, v23;
	v1 =	vsel vm0, $0x7F800000, v1  }
0x100: {  	v2 =	vmul.f32 v2, v2;
	(xrf1) =	vsort.dscd.msk.f32 $0xffff, v1, v8;
	v1 =	vadd.f32 v4, v3  }
0x101: {  	vm0 =	veq.s32 v27, v9;
	v3 =	vsub.f32 v12, v25;
	v4 =	vmul.f32 v5, v5  }
0x102: {  	v1 =	vsel vm0, $0x7F800000, v1  }
0x103: {  	(xrf1) =	vsort.dscd.msk.f32 $0xffff, v1, v9;
	v1 =	vadd.f32 v2, v4;
	v2 =	vmul.f32 v3, v3;
	_ =	sdelay $0x1  }
0x104: {  	v1 =	vadd.f32 v2, v1  }
0x105: {  	vm0 =	veq.s32 v27, v8  }
0x106: {  	v1 =	vsel vm0, $0x7F800000, v1;
	_ =	sdelay $0x1  }
0x107: {  	v2, v3, _ =	vpop (xrf1);
	(xrf1) =	vsort.dscd.msk.f32 $0xffff, v1, v8  }
0x108: {  	v1, v4, _ =	vpop (xrf1)  }
0x109: {  	v15 =	vld [tilespmem:$0x850];
	v5, v6, _ =	vpop (xrf1)  }
0x10a: {  	v7, v8, _ =	vpop (xrf1)  }
0x10b: {  	v28, v29, _ =	vpop (xrf1)  }
0x10c: {  	vm0 =	veq.f32 v2, v28;
	vm1 =	vlt.s32 v3, v29  }
0x10d: {  	v30 =	vld [tilespmem:$0x50];
	vm2 =	vlt.f32 v2, v28;
	vm0 =	vmand vm0, vm1  }
0x10e: {  	v41 =	vsub.f32 v15, v21;
	v31, v14, _ =	vpop (xrf1);
	vm0 =	vmor vm2, vm0  }
0x10f: {  	vm1 =	veq.f32 v1, v31;
	vm2 =	vlt.s32 v4, v14;
	v2 =	vsel vm0, v2, v28  }
0x110: {  	v28, v40, _ =	vpop (xrf1);
	v3 =	vsel vm0, v3, v29;
	vm0 =	vlt.f32 v1, v31;
	vm1 =	vmand vm1, vm2  }
0x111: {  	v35 =	vmul.f32 v41, v41;
	v29 =	vld [tilespmem:$0x1050];
	vm0 =	vmor vm0, vm1;
	vm1 =	veq.f32 v5, v28  }
0x112: {  	vm2 =	vlt.s32 v6, v40;
	(xrf1) =	vsort.ascd.msk.f32 $0xffff, v2, v3;
	v2 =	vld [tilespmem:$0x8D0];
	v3 =	vsub.f32 v30, v20  }
0x113: {  	vm3 =	vlt.f32 v5, v28;
	v1 =	vsel vm0, v1, v31;
	vm1 =	vmand vm1, vm2  }
0x114: {  	v31 =	vld [tilespmem:$0xD0];
	v4 =	vsel vm0, v4, v14;
	vm1 =	vmor vm3, vm1;
	v3 =	vmul.f32 v3, v3  }
0x115: {  	v43 =	vld [tilespmem:$0x10D0];
	(xrf1) =	vsort.ascd.msk.f32 $0xffff, v1, v4;
	v5 =	vsel vm1, v5, v28;
	v6 =	vsel vm1, v6, v40;
	v28, v42, _ =	vpop (xrf1)  }
0x116: {  	v44 =	vsub.f32 v29, v22;
	vm1 =	veq.f32 v7, v28;
	vm2 =	vlt.s32 v8, v42  }
0x117: {  	v9 =	vld [tilespmem:$0x1FF90];
	(xrf1) =	vsort.ascd.msk.f32 $0xffff, v5, v6;
	vm0 =	vlt.f32 v7, v28;
	v5 =	vsub.f32 v2, v21;
	vm1 =	vmand vm1, vm2  }
0x118: {  	v1 =	vadd.f32 v35, v3;
	v3 =	vmul.f32 v44, v44;
	vm0 =	vmor vm0, vm1  }
0x119: {  	v4 =	vsub.f32 v31, v20;
	v5 =	vmul.f32 v5, v5;
	v6 =	vsel vm0, v7, v28  }
0x11a: {  	v7 =	vsel vm0, v8, v42;
	v1 =	vadd.f32 v3, v1;
	v3 =	vsub.f32 v43, v22  }
0x11b: {  	v4 =	vmul.f32 v4, v4;
	v8 =	vsub.f32 v30, v23;
	v28 =	vsub.f32 v15, v26  }
0x11c: {  	vm0 =	veq.s32 v24, v9;
	(xrf1) =	vsort.ascd.msk.f32 $0xffff, v6, v7;
	v3 =	vmul.f32 v3, v3  }
0x11d: {  	v4 =	vadd.f32 v5, v4;
	v6 =	vmul.f32 v8, v8;
	v7 =	vmul.f32 v28, v28  }
0x11e: {  	v1 =	vsel vm0, $0x7F800000, v1  }
0x11f: {  	(xrf1) =	vsort.dscd.msk.f32 $0xffff, v1, v9;
	v1 =	vadd.f32 v3, v4;
	v3 =	vadd.f32 v7, v6;
	v6 =	vld [tilespmem:$0x1FFA0]  }
0x120: {  	v5 =	vsub.f32 v29, v25  }
0x121: {  	v2 =	vsub.f32 v2, v26  }
0x122: {  	v4 =	vmul.f32 v5, v5  }
0x123: {  	v2 =	vmul.f32 v2, v2;
	v5 =	vsub.f32 v31, v23  }
0x124: {  	v3 =	vadd.f32 v4, v3;
	v4 =	vsub.f32 v43, v25;
	vm0 =	veq.s32 v24, v6  }
0x125: {  	v5 =	vmul.f32 v5, v5;
	v1 =	vsel vm0, $0x7F800000, v1;
	vm0 =	veq.s32 v27, v9  }
0x126: {  	(xrf1) =	vsort.dscd.msk.f32 $0xffff, v1, v6;
	v1 =	vsel vm0, $0x7F800000, v3  }
0x127: {  	(xrf1) =	vsort.dscd.msk.f32 $0xffff, v1, v9;
	v1 =	vadd.f32 v2, v5;
	v2 =	vmul.f32 v4, v4;
	_ =	sdelay $0x1  }
0x128: {  	v1 =	vadd.f32 v2, v1  }
0x129: {  	vm0 =	veq.s32 v27, v6  }
0x12a: {  	v1 =	vsel vm0, $0x7F800000, v1  }
0x12b: {  	(xrf1) =	vsort.dscd.msk.f32 $0xffff, v1, v6;
	_ =	sdelay $0x1  }
0x12c: {  	v45 =	vld [tilespmem:$0x60];
	v1, v2, _ =	vpop (xrf1)  }
0x12d: {  	v48 =	vld [tilespmem:$0x1060];
	v3, v4, _ =	vpop (xrf1)  }
0x12e: {  	v5, v6, _ =	vpop (xrf1)  }
0x12f: {  	v7, v8, _ =	vpop (xrf1)  }
0x130: {  	v28, v29, _ =	vpop (xrf1)  }
0x131: {  	v51 =	vsub.f32 v45, v20;
	vm0 =	veq.f32 v1, v28;
	vm1 =	vlt.s32 v2, v29  }
0x132: {  	v38 =	vsub.f32 v48, v22;
	v49 =	vld [tilespmem:$0xE0];
	vm2 =	vlt.f32 v1, v28;
	vm0 =	vmand vm0, vm1;
	v30, v31, _ =	vpop (xrf1)  }
0x133: {  	v34 =	vmul.f32 v51, v51;
	vm0 =	vmor vm2, vm0;
	vm1 =	vlt.f32 v3, v30  }
0x134: {  	v46, v47, _ =	vpop (xrf1);
	vm2 =	veq.f32 v3, v30;
	vm3 =	vlt.s32 v4, v31;
	v1 =	vsel vm0, v1, v28  }
0x135: {  	v28 =	vld [tilespmem:$0x860];
	vm4 =	veq.f32 v5, v46;
	vm5 =	vlt.s32 v6, v47;
	vm2 =	vmand vm2, vm3  }
0x136: {  	vm3 =	vlt.f32 v5, v46;
	v2 =	vsel vm0, v2, v29;
	v29 =	vld [tilespmem:$0x8E0];
	vm4 =	vmand vm4, vm5  }
0x137: {  	vm0 =	vmor vm1, vm2;
	(xrf1) =	vsort.ascd.msk.f32 $0xffff, v1, v2;
	v1 =	vsub.f32 v49, v20;
	vm1 =	vmor vm3, vm4  }
0x138: {  	v50 =	vld [tilespmem:$0x10E0];
	v3 =	vsel vm0, v3, v30;
	v4 =	vsel vm0, v4, v31;
	v5 =	vsel vm1, v5, v46;
	v30, v31, _ =	vpop (xrf1)  }
0x139: {  	v6 =	vsel vm1, v6, v47;
	vm1 =	veq.f32 v7, v30;
	vm2 =	vlt.s32 v8, v31  }
0x13a: {  	v37 =	vsub.f32 v28, v21;
	vm0 =	vlt.f32 v7, v30;
	vm1 =	vmand vm1, vm2  }
0x13b: {  	(xrf1) =	vsort.ascd.msk.f32 $0xffff, v3, v4;
	v4 =	vmul.f32 v38, v38;
	v2 =	vsub.f32 v29, v21;
	vm0 =	vmor vm0, vm1  }
0x13c: {  	(xrf1) =	vsort.ascd.msk.f32 $0xffff, v5, v6;
	v37 =	vmul.f32 v37, v37;
	v6 =	vsel vm0, v8, v31;
	v8 =	vld [tilespmem:$0x1FFB0]  }
0x13d: {  	v52 =	vsub.f32 v50, v22;
	v1 =	vmul.f32 v1, v1;
	v2 =	vmul.f32 v2, v2  }
0x13e: {  	v5 =	vsel vm0, v7, v30;
	v7 =	vsub.f32 v28, v26;
	v3 =	vadd.f32 v37, v34  }
0x13f: {  	v1 =	vadd.f32 v2, v1;
	v2 =	vmul.f32 v52, v52;
	(xrf1) =	vsort.ascd.msk.f32 $0xffff, v5, v6  }
0x140: {  	v5 =	vmul.f32 v7, v7;
	v7 =	vld [tilespmem:$0x1FFC0];
	v3 =	vadd.f32 v4, v3;
	v4 =	vsub.f32 v45, v23  }
0x141: {  	v6 =	vsub.f32 v29, v26;
	v1 =	vadd.f32 v2, v1;
	vm0 =	veq.s32 v24, v8  }
0x142: {  	v2 =	vsub.f32 v48, v25;
	v4 =	vmul.f32 v4, v4;
	v3 =	vsel vm0, $0x7F800000, v3  }
0x143: {  	(xrf1) =	vsort.dscd.msk.f32 $0xffff, v3, v8;
	v3 =	vsub.f32 v49, v23  }
0x144: {  	v6 =	vmul.f32 v6, v6;
	v2 =	vmul.f32 v2, v2;
	v4 =	vadd.f32 v5, v4  }
0x145: {  	vm0 =	veq.s32 v24, v7;
	v5 =	vsub.f32 v50, v25;
	v3 =	vmul.f32 v3, v3  }
0x146: {  	v1 =	vsel vm0, $0x7F800000, v1;
	vm0 =	veq.s32 v27, v8;
	v2 =	vadd.f32 v2, v4  }
0x147: {  	v4 =	vmul.f32 v5, v5;
	(xrf1) =	vsort.dscd.msk.f32 $0xffff, v1, v7;
	v3 =	vadd.f32 v6, v3  }
0x148: {  	v1 =	vsel vm0, $0x7F800000, v2  }
0x149: {  	(xrf1) =	vsort.dscd.msk.f32 $0xffff, v1, v8;
	v1 =	vadd.f32 v4, v3  }
0x14a: {  	vm0 =	veq.s32 v27, v7  }
0x14b: {  	v1 =	vsel vm0, $0x7F800000, v1;
	_ =	sdelay $0x2  }
0x14c: {  	v56 =	vld [tilespmem:$0x8F0];
	(xrf1) =	vsort.dscd.msk.f32 $0xffff, v1, v7;
	v1, v2, _ =	vpop (xrf1)  }
0x14d: {  	v3, v4, _ =	vpop (xrf1)  }
0x14e: {  	v55 =	vld [tilespmem:$0xF0];
	v5, v6, _ =	vpop (xrf1)  }
0x14f: {  	v7, v8, _ =	vpop (xrf1)  }
0x150: {  	v28, v29, _ =	vpop (xrf1)  }
0x151: {  	v39 =	vsub.f32 v56, v21;
	v57 =	vld [tilespmem:$0x1070];
	vm0 =	veq.f32 v1, v28;
	vm1 =	vlt.s32 v2, v29  }
0x152: {  	vm2 =	vlt.f32 v1, v28;
	vm0 =	vmand vm0, vm1  }
0x153: {  	v39 =	vmul.f32 v39, v39;
	v61 =	vsub.f32 v55, v20;
	v31, v53, _ =	vpop (xrf1);
	vm0 =	vmor vm2, vm0  }
0x154: {  	v30 =	vld [tilespmem:$0x70];
	vm1 =	veq.f32 v3, v31;
	vm2 =	vlt.s32 v4, v53;
	v1 =	vsel vm0, v1, v28  }
0x155: {  	v2 =	vsel vm0, v2, v29;
	v28 =	vld [tilespmem:$0x870];
	vm0 =	vlt.f32 v3, v31;
	vm1 =	vmand vm1, vm2  }
0x156: {  	v33 =	vmul.f32 v61, v61;
	v40 =	vsub.f32 v57, v22;
	v29, v54, _ =	vpop (xrf1);
	vm0 =	vmor vm0, vm1  }
0x157: {  	vm2 =	veq.f32 v5, v29;
	vm3 =	vlt.s32 v6, v54;
	v3 =	vsel vm0, v3, v31;
	v31 =	vld [tilespmem:$0x10F0]  }
0x158: {  	vm1 =	vlt.f32 v5, v29;
	(xrf1) =	vsort.ascd.msk.f32 $0xffff, v1, v2;
	vm2 =	vmand vm2, vm3;
	v4 =	vsel vm0, v4, v53  }
0x159: {  	v2 =	vmul.f32 v40, v40;
	vm0 =	vmor vm1, vm2;
	(xrf1) =	vsort.ascd.msk.f32 $0xffff, v3, v4;
	v3 =	vadd.f32 v39, v33  }
0x15a: {  	v58, v59, _ =	vpop (xrf1);
	v5 =	vsel vm0, v5, v29;
	v29 =	vsub.f32 v30, v20;
	v60 =	vsub.f32 v28, v21  }
0x15b: {  	v6 =	vsel vm0, v6, v54;
	vm1 =	veq.f32 v7, v58;
	vm2 =	vlt.s32 v8, v59  }
0x15c: {  	v29 =	vmul.f32 v29, v29;
	v32 =	vmul.f32 v60, v60;
	v41 =	vsub.f32 v31, v22  }
0x15d: {  	v9 =	vld [tilespmem:$0x1FFD0];
	vm0 =	vlt.f32 v7, v58;
	(xrf1) =	vsort.ascd.msk.f32 $0xffff, v5, v6;
	v6 =	vsub.f32 v56, v26;
	vm1 =	vmand vm1, vm2  }
0x15e: {  	vm0 =	vmor vm0, vm1;
	v1 =	vadd.f32 v32, v29;
	v4 =	vmul.f32 v41, v41  }
0x15f: {  	v10 =	vld [tilespmem:$0x1FFE0];
	v6 =	vmul.f32 v6, v6;
	v5 =	vsel vm0, v7, v58  }
0x160: {  	v1 =	vadd.f32 v2, v1;
	v2 =	vsel vm0, v8, v59;
	v3 =	vadd.f32 v4, v3  }
0x161: {  	v4 =	vsub.f32 v28, v26;
	(xrf1) =	vsort.ascd.msk.f32 $0xffff, v5, v2;
	v2 =	vsub.f32 v30, v23  }
0x162: {  	v7 =	vsub.f32 v57, v25;
	vm0 =	veq.s32 v24, v9;
	v5 =	vsub.f32 v55, v23  }
0x163: {  	v8 =	vsub.f32 v31, v25;
	v4 =	vmul.f32 v4, v4;
	v2 =	vmul.f32 v2, v2  }
0x164: {  	v1 =	vsel vm0, $0x7F800000, v1;
	vm0 =	veq.s32 v24, v10;
	v5 =	vmul.f32 v5, v5  }
0x165: {  	(xrf1) =	vsort.dscd.msk.f32 $0xffff, v1, v9;
	v1 =	vsel vm0, $0x7F800000, v3;
	v3 =	vmul.f32 v7, v7;
	v2 =	vadd.f32 v4, v2  }
0x166: {  	(xrf1) =	vsort.dscd.msk.f32 $0xffff, v1, v10;
	v1 =	vadd.f32 v6, v5;
	v4 =	vmul.f32 v8, v8  }
0x167: {  	v2 =	vadd.f32 v3, v2  }
0x168: {  	vm0 =	veq.s32 v27, v9;
	v1 =	vadd.f32 v4, v1  }
0x169: {  	v2 =	vsel vm0, $0x7F800000, v2;
	vm0 =	veq.s32 v27, v10  }
0x16a: {  	(xrf1) =	vsort.dscd.msk.f32 $0xffff, v2, v9;
	v1 =	vsel vm0, $0x7F800000, v1  }
0x16b: {  	(xrf1) =	vsort.dscd.msk.f32 $0xffff, v1, v10;
	_ =	sdelay $0x3  }
0x16c: {  	v1, v2, _ =	vpop (xrf1)  }
0x16d: {  	v3, v4, _ =	vpop (xrf1)  }
0x16e: {  	v5, v6, _ =	vpop (xrf1)  }
0x16f: {  	v7, v8, _ =	vpop (xrf1)  }
0x170: {  	v28, v29, _ =	vpop (xrf1)  }
0x171: {  	v30, v31, _ =	vpop (xrf1);
	vm0 =	vlt.f32 v1, v28;
	vm1 =	veq.f32 v1, v28;
	vm2 =	vlt.s32 v2, v29  }
0x172: {  	vm1 =	vmand vm1, vm2;
	vm2 =	veq.f32 v3, v30;
	vm3 =	vlt.s32 v4, v31  }
0x173: {  	vm0 =	vmor vm0, vm1;
	vm1 =	vlt.f32 v3, v30;
	vm2 =	vmand vm2, vm3  }
0x174: {  	v1 =	vsel vm0, v1, v28;
	vm1 =	vmor vm1, vm2  }
0x175: {  	v2 =	vsel vm0, v2, v29;
	v3 =	vsel vm1, v3, v30;
	v4 =	vsel vm1, v4, v31;
	v28, v62, _ =	vpop (xrf1)  }
0x176: {  	v29, v30, _ =	vpop (xrf1);
	vm0 =	vlt.f32 v5, v28;
	vm1 =	veq.f32 v5, v28;
	vm2 =	vlt.s32 v6, v62  }
0x177: {  	vm1 =	vmand vm1, vm2;
	vm2 =	veq.f32 v7, v29;
	vm3 =	vlt.s32 v8, v30  }
0x178: {  	(xrf1) =	vsort.ascd.msk.f32 $0xffff, v1, v2;
	vm0 =	vmor vm0, vm1;
	vm1 =	vlt.f32 v7, v29;
	vm2 =	vmand vm2, vm3  }
0x179: {  	(xrf1) =	vsort.ascd.msk.f32 $0xffff, v3, v4;
	v1 =	vsel vm0, v5, v28;
	v2 =	vsel vm0, v6, v62;
	vm0 =	vmor vm1, vm2  }
0x17a: {  	(xrf1) =	vsort.ascd.msk.f32 $0xffff, v1, v2;
	v1 =	vsel vm0, v7, v29;
	v2 =	vsel vm0, v8, v30  }
0x17b: {  	(xrf1) =	vsort.ascd.msk.f32 $0xffff, v1, v2;
	_ =	sdelay $0x8  }
0x17c: {  	v9 =	vld [tilespmem:$0x1FFF0];
	_ =	sdelay $0x1  }
0x17d: {  	v1, v2, _ =	vpop (xrf1)  }
0x17e: {  	v3, v4, _ =	vpop (xrf1)  }
0x17f: {  	v5, v6, _ =	vpop (xrf1)  }
0x180: {  	v3 =	vperm.xlane v3, v9;
	v4 =	vperm.xlane v4, v9;
	v7, v8, _ =	vpop (xrf1)  }
0x181: {  	v7 =	vperm.xlane v7, v9;
	v8 =	vperm.xlane v8, v9  }
0x182: {  	vm0 =	vlt.f32 v1, v3;
	vm1 =	veq.f32 v1, v3;
	vm2 =	vlt.s32 v2, v4  }
0x183: {  	vm1 =	vmand vm1, vm2;
	vm2 =	veq.f32 v5, v7;
	vm3 =	vlt.s32 v6, v8  }
0x184: {  	vm0 =	vmor vm0, vm1;
	vm1 =	vlt.f32 v5, v7;
	vm2 =	vmand vm2, vm3  }
0x185: {  	v1 =	vsel vm0, v1, v3;
	v2 =	vsel vm0, v2, v4;
	vm0 =	vmor vm1, vm2  }
0x186: {  	(xrf1) =	vsort.ascd.msk.f32 $0xffff, v1, v2;
	v1 =	vsel vm0, v5, v7;
	v2 =	vsel vm0, v6, v8  }
0x187: {  	(xrf1) =	vsort.ascd.msk.f32 $0xffff, v1, v2;
	_ =	sdelay $0xc  }
0x188: {  	v2, v1, _ =	vpop (xrf1)  }
0x189: {  	[tilespmem:$0x1FEC0] =	vst v1;
	v29, v1, _ =	vpop (xrf1)  }
0x18a: {  	s21 =	simm.s32 $0x1170;
	[tilespmem:$0x1FED0] =	vst v1  }
0x18b: {  	s19 =	simm.s32 $0x170;
	v1 =	vld [tilespmem:s21+$0x0];
	[tilespmem:$0x1FEE0] =	vst v2  }
0x18c: {  	s20 =	simm.s32 $0x970;
	v36 =	vadd.f32 v23, v23;
	v4 =	vld [tilespmem:s19+$0x0]  }
0x18d: {  	v13 =	vmul.f32 v26, v26;
	v63 =	vmul.f32 v23, v23;
	v35 =	vadd.f32 v21, v21;
	v7 =	vld [tilespmem:s20+$0x0]  }
0x18e: {  	v42 =	vmul.f32 v25, v25;
	v34 =	vadd.f32 v25, v25;
	v5 =	vmul.f32 v20, v20;
	v12 =	vld [tilespmem:s21+$0xFFFFFFF0]  }
0x18f: {  	v33 =	vadd.f32 v22, v22;
	v6 =	vmul.f32 v21, v21;
	v8 =	vmul.f32 v22, v22;
	v14 =	vld [tilespmem:s21+$0xFFFFFFE0]  }
0x190: {  	v32 =	vadd.f32 v20, v20;
	v3 =	vperm.xlane v29, v18;
	v2 =	vperm.xlane v2, v18;
	v43 =	vld [tilespmem:s21+$0xFFFFFFD0]  }
0x191: {  	v37 =	vadd.f32 v26, v26;
	v44 =	vld [tilespmem:s19+$0xFFFFFFF0];
	v45 =	vmul.f32 v1, v33;
	v1 =	vmul.f32 v1, v34  }
0x192: {  	v46 =	vld [tilespmem:s20+$0xFFFFFFF0];
	v47 =	vmul.f32 v4, v32;
	v48 =	vmul.f32 v7, v35  }
0x193: {  	v49 =	vld [tilespmem:s19+$0xFFFFFFE0];
	v4 =	vmul.f32 v4, v36;
	v7 =	vmul.f32 v7, v37  }
0x194: {  	v5 =	vadd.f32 v6, v5;
	v50 =	vld [tilespmem:s20+$0xFFFFFFE0];
	v51 =	vmul.f32 v12, v33;
	v52 =	vmul.f32 v12, v34  }
0x195: {  	v38 =	vadd.f32 v13, v63;
	v15 =	vld [tilespmem:s19+$0xFFFFFFD0];
	v53 =	vmul.f32 v14, v33;
	v41 =	vmul.f32 v14, v34  }
0x196: {  	v5 =	vadd.f32 v8, v5;
	v6 =	vld [tilespmem:s20+$0xFFFFFFD0];
	v54 =	vmul.f32 v43, v33;
	v43 =	vmul.f32 v43, v34  }
0x197: {  	v38 =	vadd.f32 v42, v38;
	v8 =	vld [tilespmem:s20+$0xFFFFFFC0];
	v55 =	vmul.f32 v44, v32;
	v56 =	vmul.f32 v46, v35  }
0x198: {  	v2 =	vsub.f32 v2, v5;
	v5 =	vld [tilespmem:s19+$0xFFFFFFB0];
	v44 =	vmul.f32 v44, v36;
	v46 =	vmul.f32 v46, v37  }
0x199: {  	v3 =	vsub.f32 v3, v38;
	v13 =	vmul.f32 v49, v32;
	v57 =	vmul.f32 v50, v35  }
0x19a: {  	v58 =	vld [tilespmem:s20+$0xFFFFFFB0];
	v49 =	vmul.f32 v49, v36;
	v50 =	vmul.f32 v50, v37  }
0x19b: {  	v39 =	vadd.f32 $3.000000140e-04, v3;
	v59 =	vmul.f32 v15, v32;
	v60 =	vmul.f32 v6, v35  }
0x19c: {  	v38 =	vadd.f32 $3.000000140e-04, v2;
	v61 =	vmul.f32 v15, v36;
	v6 =	vmul.f32 v6, v37  }
0x19d: {  	v2 =	vld [tilespmem:s19+$0xFFFFFFA0];
	v63 =	vmul.f32 v8, v35;
	v14 =	vmul.f32 v5, v32;
	v47 =	vadd.f32 v48, v47  }
0x19e: {  	v5 =	vmul.f32 v5, v36;
	v55 =	vadd.f32 v56, v55;
	v4 =	vadd.f32 v7, v4  }
0x19f: {  	v12 =	vld [tilespmem:s19+$0xFFFFFFC0];
	v7 =	vmul.f32 v58, v35;
	v42 =	vadd.f32 v57, v13;
	v44 =	vadd.f32 v46, v44  }
0x1a0: {  	v3 =	vld [tilespmem:s20+$0xFFFFFFA0];
	v58 =	vmul.f32 v58, v37;
	v59 =	vadd.f32 v60, v59;
	v49 =	vadd.f32 v50, v49  }
0x1a1: {  	v8 =	vmul.f32 v8, v37;
	v15 =	vld [tilespmem:s20+$0xFFFFFF90];
	v6 =	vadd.f32 v6, v61;
	v7 =	vadd.f32 v7, v14  }
0x1a2: {  	v48 =	vld [tilespmem:s19+$0xFFFFFF90];
	v46 =	vmul.f32 v2, v32;
	v5 =	vadd.f32 v58, v5;
	v45 =	vadd.f32 v45, v47  }
0x1a3: {  	v50 =	vld [tilespmem:s21+$0xFFFFFFC0];
	v2 =	vmul.f32 v2, v36;
	v1 =	vadd.f32 v1, v4;
	v42 =	vadd.f32 v53, v42  }
0x1a4: {  	v61 =	vld [tilespmem:s21+$0xFFFFFFB0];
	v44 =	vadd.f32 v52, v44;
	v52 =	vadd.f32 v54, v59;
	v62 =	vmul.f32 v12, v32  }
0x1a5: {  	v57 =	vld [tilespmem:s21+$0xFFFFFFA0];
	v41 =	vadd.f32 v41, v49;
	v40 =	vmul.f32 v12, v36;
	v12 =	vmul.f32 v3, v35  }
0x1a6: {  	v6 =	vadd.f32 v43, v6;
	v3 =	vmul.f32 v3, v37;
	v14 =	vmul.f32 v15, v35  }
0x1a7: {  	v15 =	vmul.f32 v15, v37;
	v62 =	vadd.f32 v63, v62;
	v13 =	vmul.f32 v48, v32  }
0x1a8: {  	v48 =	vmul.f32 v48, v36;
	v8 =	vadd.f32 v8, v40;
	v46 =	vadd.f32 v12, v46;
	v12 =	vld [tilespmem:s21+$0xFFFFFF90];
	s21 =	simm.s32 $0x1970  }
0x1a9: {  	v2 =	vadd.f32 v3, v2;
	v3 =	vmul.f32 v50, v33;
	v4 =	vmul.f32 v61, v34;
	v49 =	vld [tilespmem:s21+$0x0]  }
0x1aa: {  	v59 =	vmul.f32 v57, v34;
	v60 =	vld [tilespmem:s21+$0xFFFFFFF0];
	v56 =	vadd.f32 v14, v13;
	v40 =	vadd.f32 v15, v48  }
0x1ab: {  	v47 =	vld [tilespmem:s21+$0xFFFFFFE0];
	v13 =	vmul.f32 v50, v34;
	v14 =	vmul.f32 v61, v33;
	v50 =	vadd.f32 v51, v55  }
0x1ac: {  	v15 =	vmul.f32 v57, v33;
	v3 =	vadd.f32 v3, v62;
	v4 =	vadd.f32 v4, v5  }
0x1ad: {  	v2 =	vadd.f32 v59, v2;
	v7 =	vadd.f32 v14, v7  }
0x1ae: {  	v5 =	vld [tilespmem:s21+$0xFFFFFFD0];
	v8 =	vadd.f32 v13, v8;
	v46 =	vadd.f32 v15, v46;
	v61 =	vmul.f32 v12, v33  }
0x1af: {  	v62 =	vmul.f32 v12, v34;
	v12 =	vld [tilespmem:s21+$0xFFFFFFC0];
	v45 =	vsub.f32 v49, v45;
	v50 =	vsub.f32 v60, v50  }
0x1b0: {  	v14 =	vld [tilespmem:s21+$0xFFFFFFB0];
	v1 =	vsub.f32 v49, v1;
	v42 =	vsub.f32 v47, v42  }
0x1b1: {  	s22 =	simm.s32 $0x140;
	v13 =	vimm.s32 $0xFFFFFFFF;
	v15 =	vld [tilespmem:s21+$0xFFFFFFA0];
	v43 =	vsub.f32 v60, v44;
	v63 =	vadd.f32 v61, v56  }
0x1b2: {  	v57 =	vld [tilespmem:s21+$0xFFFFFF90];
	v48 =	vadd.f32 v62, v40;
	v40 =	vor.u32 s22, v0;
	vm4 =	vle.f32 v45, v38  }
0x1b3: {  	v58 =	vsub.f32 v5, v52;
	vm7 =	vle.f32 v50, v38;
	v45 =	vsel vm4, $0x1, v19  }
0x1b4: {  	vm10 =	vle.f32 v42, v38;
	v59 =	vsel vm7, $0x1, v19;
	v3 =	vsub.f32 v12, v3;
	(xrf0) =	vadd.scan.msk.s32 $0xffff, v45  }
0x1b5: {  	v7 =	vsub.f32 v14, v7;
	vm11 =	vle.f32 v58, v38;
	v60 =	vsel vm10, $0x1, v19;
	(xrf0) =	vadd.scan.msk.s32 $0xffff, v59  }
0x1b6: {  	v61 =	vsub.f32 v15, v46;
	vm0 =	vle.f32 v3, v38;
	v3 =	vsel vm11, $0x1, v19;
	(xrf0) =	vadd.scan.msk.s32 $0xffff, v60  }
0x1b7: {  	v62 =	vsub.f32 v57, v63;
	vm3 =	vle.f32 v7, v38;
	v7 =	vsel vm0, $0x1, v19;
	(xrf0) =	vadd.scan.msk.s32 $0xffff, v3  }
0x1b8: {  	vm5 =	vle.f32 v61, v38;
	v63 =	vsel vm3, $0x1, v19;
	v3 =	vsub.f32 v57, v48;
	(xrf0) =	vadd.scan.msk.s32 $0xffff, v7  }
0x1b9: {  	v2 =	vsub.f32 v15, v2;
	vm9 =	vle.f32 v62, v38;
	v7 =	vsel vm5, $0x1, v19;
	(xrf0) =	vadd.scan.msk.s32 $0xffff, v63  }
0x1ba: {  	vm8 =	vle.f32 v3, v39;
	v3 =	vsub.f32 v14, v4;
	v4 =	vsel vm9, $0x1, v19;
	(xrf0) =	vadd.scan.msk.s32 $0xffff, v7;
	v46, _, _ =	vpop (xrf0)  }
0x1bb: {  	vm6 =	vle.f32 v2, v39;
	v2 =	vsub.f32 v12, v8;
	v7 =	vsel vm8, $0x1, v19;
	(xrf0) =	vadd.scan.msk.s32 $0xffff, v4;
	v49, _, _ =	vpop (xrf0)  }
0x1bc: {  	vm2 =	vle.f32 v3, v39;
	v3 =	vsel vm6, $0x1, v19;
	v4 =	vsub.f32 v5, v6;
	(xrf0) =	vadd.scan.msk.s32 $0xffff, v7;
	v50, _, _ =	vpop (xrf0)  }
0x1bd: {  	vm1 =	vle.f32 v2, v39;
	v5 =	vsub.f32 v47, v41;
	v2 =	vsel vm2, $0x1, v19;
	(xrf0) =	vadd.scan.msk.s32 $0xffff, v3;
	v51, _, _ =	vpop (xrf0)  }
0x1be: {  	vm12 =	vle.f32 v1, v39;
	v3 =	vsel vm1, $0x1, v19;
	vm15 =	vle.f32 v4, v39;
	v45, _, _ =	vpop (xrf0);
	(xrf0) =	vadd.scan.msk.s32 $0xffff, v2  }
0x1bf: {  	vm13 =	vle.f32 v43, v39;
	vm14 =	vle.f32 v5, v39;
	v1 =	vsel vm15, $0x1, v19;
	v47, _, _ =	vpop (xrf0);
	(xrf0) =	vadd.scan.msk.s32 $0xffff, v3  }
0x1c0: {  	v60 =	vperm.xlane v46, v18;
	v62 =	vperm.xlane v49, v18;
	v2 =	vsel vm14, $0x1, v19;
	v48, _, _ =	vpop (xrf0);
	(xrf0) =	vadd.scan.msk.s32 $0xffff, v1  }
0x1c1: {  	v63 =	vperm.xlane v50, v18;
	v6 =	vperm.xlane v51, v18;
	v1 =	vsel vm13, $0x1, v19;
	v3, _, _ =	vpop (xrf0);
	(xrf0) =	vadd.scan.msk.s32 $0xffff, v2  }
0x1c2: {  	v5 =	vsel vm12, $0x1, v19;
	v4 =	vperm.xlane v45, v18;
	v7, _, _ =	vpop (xrf0);
	(xrf0) =	vadd.scan.msk.s32 $0xffff, v1;
	v1 =	vperm.xlane v3, v18  }
0x1c3: {  	v2 =	vperm.xlane v47, v18;
	v43 =	vadd.s32 v13, v3;
	v8 =	vperm.xlane v7, v18;
	v52, _, _ =	vpop (xrf0);
	(xrf0) =	vadd.scan.msk.s32 $0xffff, v5  }
0x1c4: {  	v3 =	vperm.xlane v48, v18;
	v44 =	vadd.s32 v13, v7;
	v5 =	vperm.xlane v52, v18;
	v53, _, _ =	vpop (xrf0)  }
0x1c5: {  	v56 =	vadd.s32 v13, v1;
	v7 =	vperm.xlane v53, v18;
	v55 =	vadd.s32 v13, v8;
	v54, _, _ =	vpop (xrf0)  }
0x1c6: {  	v61 =	vadd.s32 v3, v56;
	v8 =	vperm.xlane v54, v18;
	v57 =	vadd.s32 v5, v55;
	v1, _, _ =	vpop (xrf0)  }
0x1c7: {  	v59 =	vadd.s32 v2, v61;
	v58 =	vadd.s32 v7, v57;
	v7 =	vperm.xlane v1, v18;
	v2, _, _ =	vpop (xrf0)  }
0x1c8: {  	v3 =	vadd.s32 v4, v59;
	v4 =	vadd.s32 v8, v58;
	v42 =	vperm.xlane v2, v18;
	v5, _, _ =	vpop (xrf0)  }
0x1c9: {  	s23 =	simm.s32 $0x4;
	s24 =	simm.s32 $0x11F0;
	s22 =	simm.s32 $0x170;
	v8 =	vadd.s32 v3, v6;
	v41 =	vperm.xlane v5, v18;
	v7 =	vadd.s32 v4, v7;
	v6, _, _ =	vpop (xrf0)  }
.LBB2_5:
0x1ca: {  	v9 =	vld [tilespmem:s24+$0x0];
	v10 =	vperm.xlane v6, v18;
	v63 =	vadd.s32 v63, v8;
	v11 =	vadd.s32 v42, v7;
	s19 =	sadd.s32 $0x80, s19  }
0x1cb: {  	s20 =	sadd.s32 $0x80, s20;
	v12 =	vld [tilespmem:s19+$0x0];
	v13 =	vadd.s32 v49, v63;
	v42 =	vadd.s32 v62, v63;
	v49 =	vadd.s32 v41, v11  }
0x1cc: {  	v62 =	vld [tilespmem:s20+$0x0];
	v63 =	vadd.s32 v42, v46;
	v41 =	vadd.s32 v60, v42;
	v42 =	vadd.s32 v10, v49  }
0x1cd: {  	v8 =	vadd.s32 v50, v8;
	v5 =	vadd.s32 v5, v11;
	v6 =	vadd.s32 v6, v49;
	v10 =	vld [tilespmem:s24+$0xFFFFFFF0]  }
0x1ce: {  	v3 =	vadd.s32 v3, v51;
	v1 =	vadd.s32 v4, v1;
	v2 =	vadd.s32 v2, v7;
	v11 =	vld [tilespmem:s24+$0xFFFFFFE0]  }
0x1cf: {  	v7 =	vadd.s32 v47, v61;
	v46 =	vadd.s32 v59, v45;
	v45 =	vadd.s32 v54, v58;
	v4 =	vld [tilespmem:s24+$0xFFFFFFD0]  }
0x1d0: {  	v47 =	vadd.s32 v53, v57;
	v51 =	vmul.f32 v9, v33;
	v49 =	vmul.f32 v9, v34;
	v50 =	vld [tilespmem:s19+$0xFFFFFFF0]  }
0x1d1: {  	v48 =	vadd.s32 v48, v56;
	v53 =	vmul.f32 v12, v32;
	v9 =	vld [tilespmem:s20+$0xFFFFFFF0];
	v54 =	vmul.f32 v62, v35  }
0x1d2: {  	v52 =	vadd.s32 v52, v55;
	v12 =	vmul.f32 v12, v36;
	v57 =	vmul.f32 v62, v37;
	v56 =	vld [tilespmem:s19+$0xFFFFFFE0]  }
0x1d3: {  	s25 =	sadd.s32 $0xFFFFFFE0, s22;
	v58 =	vmul.f32 v10, v33;
	v10 =	vmul.f32 v10, v34;
	v55 =	vld [tilespmem:s20+$0xFFFFFFE0];
	[tilespmem:v3+s13+$0x0] =	vst.idx.msk vm11, v40  }
0x1d4: {  	v60 =	vor.u32 s25, v0;
	v59 =	vmul.f32 v11, v33;
	v11 =	vmul.f32 v11, v34;
	v3 =	vld [tilespmem:s19+$0xFFFFFFD0];
	[tilespmem:v1+s14+$0x0] =	vst.idx.msk vm15, v40  }
0x1d5: {  	s25 =	sadd.s32 $0xFFFFFFF0, s22;
	v40 =	vmul.f32 v4, v33;
	v4 =	vmul.f32 v4, v34;
	v1 =	vld [tilespmem:s20+$0xFFFFFFD0];
	[tilespmem:v8+s13+$0x0] =	vst.idx.msk vm10, v60  }
0x1d6: {  	v14 =	vor.u32 s25, v0;
	v61 =	vmul.f32 v50, v32;
	v8 =	vld [tilespmem:s19+$0xFFFFFFC0];
	v62 =	vmul.f32 v9, v35;
	[tilespmem:v2+s14+$0x0] =	vst.idx.msk vm14, v60  }
0x1d7: {  	v50 =	vmul.f32 v50, v36;
	v9 =	vmul.f32 v9, v37;
	v2 =	vld [tilespmem:s20+$0xFFFFFFC0];
	[tilespmem:v13+s13+$0x0] =	vst.idx.msk vm7, v14  }
0x1d8: {  	v16 =	vor.u32 s22, v0;
	v60 =	vmul.f32 v56, v32;
	v13 =	vld [tilespmem:s19+$0xFFFFFFB0];
	v15 =	vmul.f32 v55, v35;
	[tilespmem:v5+s14+$0x0] =	vst.idx.msk vm13, v14  }
0x1d9: {  	s25 =	sadd.s32 $0xFFFFFF90, s22;
	v14 =	vmul.f32 v56, v36;
	v55 =	vmul.f32 v55, v37;
	v5 =	vld [tilespmem:s20+$0xFFFFFFB0];
	[tilespmem:v63+s13+$0x0] =	vst.idx.msk vm4, v16  }
0x1da: {  	v30 =	vor.u32 s25, v0;
	v63 =	vmul.f32 v3, v32;
	v56 =	vld [tilespmem:s19+$0xFFFFFFA0];
	v17 =	vmul.f32 v1, v35;
	[tilespmem:v6+s14+$0x0] =	vst.idx.msk vm12, v16  }
0x1db: {  	s25 =	sadd.s32 $0xFFFFFFA0, s22;
	v3 =	vmul.f32 v3, v36;
	v1 =	vmul.f32 v1, v37;
	v6 =	vld [tilespmem:s20+$0xFFFFFFA0];
	[tilespmem:v43+s13+$0x0] =	vst.idx.msk vm9, v30  }
0x1dc: {  	v28 =	vor.u32 s25, v0;
	v16 =	vmul.f32 v8, v32;
	v43 =	vmul.f32 v2, v35;
	[tilespmem:v44+s14+$0x0] =	vst.idx.msk vm8, v30  }
0x1dd: {  	s25 =	sadd.s32 $0xFFFFFFB0, s22;
	v8 =	vmul.f32 v8, v36;
	v2 =	vmul.f32 v2, v37;
	[tilespmem:v48+s13+$0x0] =	vst.idx.msk vm5, v28  }
0x1de: {  	v31 =	vor.u32 s25, v0;
	v44 =	vmul.f32 v13, v32;
	v30 =	vld [tilespmem:s19+$0xFFFFFF90];
	v48 =	vmul.f32 v5, v35;
	[tilespmem:v52+s14+$0x0] =	vst.idx.msk vm6, v28  }
0x1df: {  	v13 =	vmul.f32 v13, v36;
	v5 =	vmul.f32 v5, v37;
	v28 =	vld [tilespmem:s20+$0xFFFFFF90];
	[tilespmem:v7+s13+$0x0] =	vst.idx.msk vm3, v31  }
0x1e0: {  	v53 =	vadd.f32 v54, v53;
	v7 =	vmul.f32 v56, v32;
	v52 =	vmul.f32 v6, v35  }
0x1e1: {  	v12 =	vadd.f32 v57, v12;
	v54 =	vmul.f32 v56, v36;
	v56 =	vadd.f32 v62, v61  }
0x1e2: {  	v9 =	vadd.f32 v9, v50;
	v15 =	vadd.f32 v15, v60;
	v6 =	vmul.f32 v6, v37;
	v57 =	vld [tilespmem:s24+$0xFFFFFFC0]  }
0x1e3: {  	v14 =	vadd.f32 v55, v14;
	v17 =	vadd.f32 v17, v63;
	v50 =	vmul.f32 v30, v32  }
0x1e4: {  	v1 =	vadd.f32 v1, v3;
	v16 =	vadd.f32 v43, v16;
	v55 =	vmul.f32 v28, v35;
	v60 =	vld [tilespmem:s24+$0xFFFFFFB0]  }
0x1e5: {  	v2 =	vadd.f32 v2, v8;
	v3 =	vmul.f32 v30, v36;
	v30 =	vadd.f32 v48, v44  }
0x1e6: {  	v5 =	vadd.f32 v5, v13;
	v7 =	vadd.f32 v52, v7;
	v8 =	vmul.f32 v28, v37;
	v28 =	vld [tilespmem:s24+$0xFFFFFFA0]  }
0x1e7: {  	v6 =	vadd.f32 v6, v54;
	v13 =	vadd.f32 v55, v50;
	v43 =	vmul.f32 v57, v33  }
0x1e8: {  	s23 =	sadd.s32 $0x2, s23;
	v48 =	vadd.f32 v51, v53;
	v3 =	vadd.f32 v8, v3;
	v8 =	vmul.f32 v57, v34;
	v44 =	vld [tilespmem:s24+$0xFFFFFF90]  }
0x1e9: {  	p0 =	slt.u32 s23, $0x1E;
	v12 =	vadd.f32 v49, v12;
	v51 =	vadd.f32 v58, v56;
	v50 =	vmul.f32 v60, v33  }
0x1ea: {  	s21 =	sadd.s32 $0x80, s21;
	v9 =	vadd.f32 v10, v9;
	v15 =	vadd.f32 v59, v15;
	v49 =	vmul.f32 v60, v34  }
0x1eb: {  	v11 =	vadd.f32 v11, v14;
	v17 =	vadd.f32 v40, v17;
	v10 =	vmul.f32 v28, v33;
	v14 =	vld [tilespmem:s21+$0x0]  }
0x1ec: {  	v1 =	vadd.f32 v4, v1;
	v16 =	vadd.f32 v43, v16;
	v28 =	vmul.f32 v28, v34;
	v4 =	vld [tilespmem:s21+$0xFFFFFFF0]  }
0x1ed: {  	v2 =	vadd.f32 v8, v2;
	v30 =	vadd.f32 v50, v30;
	v40 =	vmul.f32 v44, v33;
	v8 =	vld [tilespmem:s21+$0xFFFFFFE0]  }
0x1ee: {  	s25 =	sadd.s32 $0xFFFFFFC0, s22;
	v5 =	vadd.f32 v49, v5;
	v43 =	vmul.f32 v44, v34;
	v7 =	vadd.f32 v10, v7;
	v10 =	vld [tilespmem:s21+$0xFFFFFFD0]  }
0x1ef: {  	s22 =	sadd.s32 $0x80, s22;
	v6 =	vadd.f32 v28, v6;
	v44 =	vor.u32 s25, v0;
	v13 =	vadd.f32 v40, v13;
	v28 =	vld [tilespmem:s21+$0xFFFFFFC0];
	[tilespmem:v47+s14+$0x0] =	vst.idx.msk vm2, v31  }
0x1f0: {  	s25 =	sadd.s32 $0xFFFFFFD0, s22;
	v3 =	vadd.f32 v43, v3;
	v31 =	vld [tilespmem:s21+$0xFFFFFFB0];
	v43 =	vsub.f32 v14, v48;
	[tilespmem:v46+s13+$0x0] =	vst.idx.msk vm0, v44  }
0x1f1: {  	v40 =	vor.u32 s25, v0;
	v12 =	vsub.f32 v14, v12;
	v46 =	vld [tilespmem:s21+$0xFFFFFFA0];
	v47 =	vsub.f32 v4, v51;
	[tilespmem:v45+s14+$0x0] =	vst.idx.msk vm1, v44  }
0x1f2: {  	v4 =	vsub.f32 v4, v9;
	v14 =	vld [tilespmem:s21+$0xFFFFFF90];
	v15 =	vsub.f32 v8, v15;
	vm4 =	vle.f32 v43, v38  }
0x1f3: {  	v9 =	vsub.f32 v10, v17;
	vm7 =	vle.f32 v47, v38;
	v17 =	vsel vm4, $0x1, v19  }
0x1f4: {  	v16 =	vsub.f32 v28, v16;
	vm10 =	vle.f32 v15, v38;
	v15 =	vsel vm7, $0x1, v19;
	(xrf0) =	vadd.scan.msk.s32 $0xffff, v17  }
0x1f5: {  	v17 =	vsub.f32 v31, v30;
	vm11 =	vle.f32 v9, v38;
	v9 =	vsel vm10, $0x1, v19;
	(xrf0) =	vadd.scan.msk.s32 $0xffff, v15  }
0x1f6: {  	v7 =	vsub.f32 v46, v7;
	vm0 =	vle.f32 v16, v38;
	v15 =	vsel vm11, $0x1, v19;
	(xrf0) =	vadd.scan.msk.s32 $0xffff, v9  }
0x1f7: {  	v9 =	vsub.f32 v14, v13;
	vm3 =	vle.f32 v17, v38;
	v13 =	vsel vm0, $0x1, v19;
	(xrf0) =	vadd.scan.msk.s32 $0xffff, v15  }
0x1f8: {  	v3 =	vsub.f32 v14, v3;
	vm5 =	vle.f32 v7, v38;
	v7 =	vsel vm3, $0x1, v19;
	(xrf0) =	vadd.scan.msk.s32 $0xffff, v13  }
0x1f9: {  	v6 =	vsub.f32 v46, v6;
	vm9 =	vle.f32 v9, v38;
	v9 =	vsel vm5, $0x1, v19;
	(xrf0) =	vadd.scan.msk.s32 $0xffff, v7  }
0x1fa: {  	vm8 =	vle.f32 v3, v39;
	v3 =	vsub.f32 v31, v5;
	v5 =	vsel vm9, $0x1, v19;
	(xrf0) =	vadd.scan.msk.s32 $0xffff, v9;
	v46, _, _ =	vpop (xrf0)  }
0x1fb: {  	v2 =	vsub.f32 v28, v2;
	vm6 =	vle.f32 v6, v39;
	v6 =	vsel vm8, $0x1, v19;
	(xrf0) =	vadd.scan.msk.s32 $0xffff, v5;
	v49, _, _ =	vpop (xrf0)  }
0x1fc: {  	v1 =	vsub.f32 v10, v1;
	vm2 =	vle.f32 v3, v39;
	v3 =	vsel vm6, $0x1, v19;
	(xrf0) =	vadd.scan.msk.s32 $0xffff, v6;
	v50, _, _ =	vpop (xrf0)  }
0x1fd: {  	vm1 =	vle.f32 v2, v39;
	v5 =	vsub.f32 v8, v11;
	v2 =	vsel vm2, $0x1, v19;
	(xrf0) =	vadd.scan.msk.s32 $0xffff, v3;
	v51, _, _ =	vpop (xrf0)  }
0x1fe: {  	vm12 =	vle.f32 v12, v39;
	vm15 =	vle.f32 v1, v39;
	v3 =	vsel vm1, $0x1, v19;
	v45, _, _ =	vpop (xrf0);
	(xrf0) =	vadd.scan.msk.s32 $0xffff, v2  }
0x1ff: {  	vm13 =	vle.f32 v4, v39;
	v1 =	vsel vm15, $0x1, v19;
	vm14 =	vle.f32 v5, v39;
	v47, _, _ =	vpop (xrf0);
	(xrf0) =	vadd.scan.msk.s32 $0xffff, v3  }
0x200: {  	v60 =	vperm.xlane v46, v18;
	v62 =	vperm.xlane v49, v18;
	v2 =	vsel vm14, $0x1, v19;
	v48, _, _ =	vpop (xrf0);
	(xrf0) =	vadd.scan.msk.s32 $0xffff, v1  }
0x201: {  	v63 =	vperm.xlane v50, v18;
	v6 =	vperm.xlane v51, v18;
	v1 =	vsel vm13, $0x1, v19;
	v3, _, _ =	vpop (xrf0);
	(xrf0) =	vadd.scan.msk.s32 $0xffff, v2  }
0x202: {  	v5 =	vsel vm12, $0x1, v19;
	v4 =	vperm.xlane v45, v18;
	v2 =	vperm.xlane v47, v18;
	v7, _, _ =	vpop (xrf0);
	(xrf0) =	vadd.scan.msk.s32 $0xffff, v1  }
0x203: {  	v9 =	vperm.xlane v3, v18;
	v43 =	vadd.s32 v41, v3;
	v8 =	vperm.xlane v7, v18;
	v52, _, _ =	vpop (xrf0);
	(xrf0) =	vadd.scan.msk.s32 $0xffff, v5  }
0x204: {  	v3 =	vperm.xlane v48, v18;
	v44 =	vadd.s32 v42, v7;
	v5 =	vperm.xlane v52, v18;
	v53, _, _ =	vpop (xrf0)  }
.Ltmp5:
0x205: {  	v56 =	vadd.s32 v41, v9;
	v7 =	vperm.xlane v53, v18;
	v55 =	vadd.s32 v42, v8;
	v54, _, _ =	vpop (xrf0);
	(pc) =	sbr.rel @p0 .LBB2_5-.Ltmp5, $4  }
0x206: {  	v61 =	vadd.s32 v3, v56;
	v8 =	vperm.xlane v54, v18;
	v57 =	vadd.s32 v5, v55;
	v1, _, _ =	vpop (xrf0)  }
0x207: {  	v59 =	vadd.s32 v2, v61;
	v58 =	vadd.s32 v7, v57;
	v7 =	vperm.xlane v1, v18;
	v2, _, _ =	vpop (xrf0)  }
0x208: {  	v3 =	vadd.s32 v4, v59;
	v4 =	vadd.s32 v8, v58;
	v42 =	vperm.xlane v2, v18;
	v5, _, _ =	vpop (xrf0)  }
0x209: {  	s24 =	sadd.s32 $0x80, s24;
	v8 =	vadd.s32 v3, v6;
	v41 =	vperm.xlane v5, v18;
	v7 =	vadd.s32 v4, v7;
	v6, _, _ =	vpop (xrf0)  }
0x20a: {  	v9 =	vadd.s32 v63, v8  }
0x20b: {  	v10 =	vperm.xlane v6, v18;
	v11 =	vadd.s32 v42, v7;
	v12 =	vadd.s32 v62, v9  }
0x20c: {  	v13 =	vadd.s32 v41, v11;
	v14 =	vadd.s32 v60, v12  }
0x20d: {  	v10 =	vadd.s32 v10, v13;
	v32 =	vadd.s32 $0x1, v14  }
0x20e: {  	v33 =	vadd.s32 $0x1, v10;
	(v2sf) =	vpush v32, $0x0  }
0x20f: {  	(v2sf) =	vpush v33, $0x0;
	_ =	sdelay $0xc  }
0x210: {  	v3 =	vadd.s32 v3, v51  }
0x211: {  	v1 =	vadd.s32 v4, v1;
	s20 =	sadd.s32 $0xFFFFFFE0, s22;
	s19 =	spop (v2sf)  }
0x212: {  	v2 =	vadd.s32 v2, v7;
	s26 =	sadd.s32 $0xFFFFFF90, s22;
	v41 =	vadd.s32 v50, v8;
	s30 =	spop (v2sf);
	s19 =	sadd.s32 $0xF, s19  }
0x213: {  	s21 =	sadd.s32 $0xFFFFFFF0, s22;
	v42 =	vadd.s32 v49, v9;
	v49 =	vor.u32 s20, v0;
	v60 =	vor.u32 s26, v0;
	s23 =	sshra.s32 s19, $0x1F;
	s20 =	sadd.s32 $0xF, s30  }
0x214: {  	[tilespmem:v43+s13+$0x0] =	vst.idx.msk vm9, v60;
	p0 =	slt.s32 s19, $0x1;
	s31 =	sand.u32 $0xF, s19;
	s24 =	sand.u32 $0xF, s20  }
0x215: {  	v5 =	vadd.s32 v5, v11;
	[tilespmem:v3+s13+$0x0] =	vst.idx.msk vm11, v40;
	p1 =	sne.s32 s31, $0x0;
	p2 =	slt.s32 s20, $0x1;
	s25 =	sshrl.u32 s23, $0x1C  }
0x216: {  	v3 =	vadd.s32 v12, v46;
	[tilespmem:v1+s14+$0x0] =	vst.idx.msk vm15, v40;
	s30 =	sshra.s32 s20, $0x1F;
	p3 =	sne.s32 s24, $0x0;
	p1 =	por !p0, !p1  }
0x217: {  	v1 =	vadd.s32 v6, v13;
	[tilespmem:v41+s13+$0x0] =	vst.idx.msk vm10, v49;
	s19 =	sadd.s32 s25, s19;
	s25 =	simm.s32 $0x1;
	s23 =	sshrl.u32 s30, $0x1C  }
0x218: {  	v50 =	vor.u32 s21, v0;
	[tilespmem:v2+s14+$0x0] =	vst.idx.msk vm14, v49;
	p6 =	por !p2, !p3;
	s19 =	sshra.s32 s19, $0x4;
	p1 =	por !p1, !p1  }
0x219: {  	v2 =	vadd.s32 v48, v56;
	[tilespmem:v42+s13+$0x0] =	vst.idx.msk vm7, v50;
	s20 =	sadd.s32 s23, s20;
	s23 =	simm.s32 $0x1;
	p0 =	por !p6, !p6  }
0x21a: {  	v51 =	vor.u32 s22, v0;
	v56 =	vadd.s32 v52, v55;
	[tilespmem:v5+s14+$0x0] =	vst.idx.msk vm13, v50;
	s25 =	simm.s32 @!p1 $0x0;
	s20 =	sshra.s32 s20, $0x4;
	s23 =	simm.s32 @!p0 $0x0  }
0x21b: {  	[tilespmem:v3+s13+$0x0] =	vst.idx.msk vm4, v51;
	v3 =	vadd.s32 v47, v61;
	s21 =	ssub.s32 s19, s25;
	s19 =	ssub.s32 s20, s23  }
0x21c: {  	s28 =	sadd.s32 $0xFFFFFFA0, s22;
	[tilespmem:v1+s14+$0x0] =	vst.idx.msk vm12, v51;
	v1 =	vadd.s32 v53, v57;
	p0 =	sgt.s32 s21, s19  }
0x21d: {  	v62 =	vadd.s32 v59, v45;
	[tilespmem:v44+s14+$0x0] =	vst.idx.msk vm8, v60;
	v61 =	vor.u32 s28, v0;
	s19 =	smov.u32 @p0 s21  }
0x21e: {  	s29 =	sadd.s32 $0xFFFFFFB0, s22;
	v63 =	vadd.s32 v54, v58;
	[tilespmem:v2+s13+$0x0] =	vst.idx.msk vm5, v61;
	p0 =	slt.s32 s19, $0x1  }
.Ltmp6:
0x21f: {  	v2 =	vor.u32 s29, v0;
	[tilespmem:v56+s14+$0x0] =	vst.idx.msk vm6, v61;
	(pc) =	sbr.rel @p0 .LBB2_7-.Ltmp6, $4  }
0x220: {  	[tilespmem:v3+s13+$0x0] =	vst.idx.msk vm3, v2;
	s31 =	sadd.s32 $0xFFFFFFC0, s22  }
0x221: {  	[tilespmem:v1+s14+$0x0] =	vst.idx.msk vm2, v2;
	v3 =	vor.u32 s31, v0  }
0x222: {  	[tilespmem:v62+s13+$0x0] =	vst.idx.msk vm0, v3  }
0x223: {  	[tilespmem:v63+s14+$0x0] =	vst.idx.msk vm1, v3  }
0x224: {  	s22 =	simm.s32 $0x2000  }
0x225: {  	s21 =	simm.s32 $0x2800;
	v1 =	vld [tilespmem:s22+$0x0]  }
0x226: {  	p3 =	seq.s32 s19, $0x1;
	v2 =	vld [tilespmem:s21+$0x0]  }
.Ltmp7:
0x227: {  	s20 =	simm.s32 $0x0;
	(pc) =	sbr.rel @p3 .LBB2_12-.Ltmp7, $4  }
0x228: {  	v3 =	vor.u32 s20, v0  }
0x229: {  	v11 =	vld [tilespmem:$0x1FED0];
	vm0 =	vlt.s32 v3, v32  }
0x22a: {  	s19 =	sadd.s32 $0xFFFFFFFF, s19;
	v12 =	vld [tilespmem:$0x1FEC0];
	vm1 =	vlt.s32 v3, v33;
	v34 =	vnsel vm0, $0x0, v1  }
0x22b: {  	p0 =	por $0x0, $0x0;
	p1 =	por $0x0, $0x0;
	p2 =	por $0x0, $0x0;
	v13 =	vld [tilespmem:$0x1FEE0];
	v35 =	vnsel vm1, $0x0, v2;
	vm0 =	vmmov vm0;
	vm1 =	vmmov vm1  }
0x22c: {  	_ =	sdelay $0x3  }
0x22d: {  	v1 =	vld.idx.msk [tilespmem:v34+s2+$0x0], $0xffff  }
0x22e: {  	v2 =	vld.idx.msk [tilespmem:v34+s11+$0x0], $0xffff  }
0x22f: {  	v3 =	vld.idx.msk [tilespmem:v35+s2+$0x0], $0xffff  }
0x230: {  	v4 =	vld.idx.msk [tilespmem:v35+s11+$0x0], $0xffff  }
0x231: {  	v5 =	vld.idx.msk [tilespmem:v34+s12+$0x0], $0xffff  }
0x232: {  	v6 =	vld.idx.msk [tilespmem:v35+s12+$0x0], $0xffff;
	_ =	sdelay $0x1  }
0x233: {  	v1 =	vsub.f32 v1, v20;
	v2 =	vsub.f32 v2, v21  }
0x234: {  	s20 =	simm.s32 $0x2010;
	vm4 =	vne.s32 v34, v24;
	v3 =	vsub.f32 v3, v23;
	v4 =	vsub.f32 v4, v26  }
0x235: {  	s31 =	simm.s32 $0x2810;
	v7 =	vld [tilespmem:s20+$0x0];
	v5 =	vsub.f32 v5, v22;
	v1 =	vmul.f32 v1, v1;
	v2 =	vmul.f32 v2, v2  }
0x236: {  	s30 =	simm.s32 $0x10;
	v9 =	vld [tilespmem:s31+$0x0];
	v6 =	vsub.f32 v6, v25;
	v3 =	vmul.f32 v3, v3;
	v4 =	vmul.f32 v4, v4  }
0x237: {  	vm5 =	vne.s32 v35, v27;
	p3 =	seq.s32 s19, $0x1;
	v8 =	vor.u32 s30, v0;
	v5 =	vmul.f32 v5, v5  }
.Ltmp8:
0x238: {  	v1 =	vadd.f32 v2, v1;
	v2 =	vadd.f32 v4, v3;
	v3 =	vmul.f32 v6, v6;
	(pc) =	sbr.rel @p3 .LBB2_14-.Ltmp8, $4  }
0x239: {  	vm4 =	vmand vm0, vm4;
	vm1 =	vmand vm1, vm5;
	vm2 =	vlt.s32 v8, v32  }
0x23a: {  	vm3 =	vlt.s32 v8, v33;
	v1 =	vadd.f32 v5, v1;
	v2 =	vadd.f32 v3, v2  }
0x23b: {  	vm0 =	vmmov vm2;
	v49 =	vnsel vm2, $0x0, v7;
	v48 =	vnsel vm3, $0x0, v9  }
0x23c: {  	s19 =	sadd.s32 $0xFFFFFFFF, s19;
	p0 =	por $0x1, $0x1;
	v45 =	vnsel vm4, $0x7F800000, v1;
	v42 =	vnsel vm1, $0x7F800000, v2;
	vm1 =	vmmov vm3  }
0x23d: {  	_ =	sdelay $0x3  }
0x23e: {  	v1 =	vld.idx.msk [tilespmem:v49+s2+$0x0], $0xffff  }
0x23f: {  	v2 =	vld.idx.msk [tilespmem:v49+s11+$0x0], $0xffff;
	(xrf1) =	vsort.dscd.msk.f32 $0xffff, v45, v34  }
0x240: {  	v3 =	vld.idx.msk [tilespmem:v48+s2+$0x0], $0xffff;
	(xrf1) =	vsort.dscd.msk.f32 $0xffff, v42, v35  }
0x241: {  	v4 =	vld.idx.msk [tilespmem:v48+s11+$0x0], $0xffff  }
0x242: {  	v5 =	vld.idx.msk [tilespmem:v49+s12+$0x0], $0xffff  }
0x243: {  	v6 =	vld.idx.msk [tilespmem:v48+s12+$0x0], $0xffff;
	_ =	sdelay $0x1  }
0x244: {  	v1 =	vsub.f32 v1, v20;
	v2 =	vsub.f32 v2, v21  }
0x245: {  	s20 =	simm.s32 $0x2020;
	vm4 =	vne.s32 v49, v24;
	v3 =	vsub.f32 v3, v23;
	v4 =	vsub.f32 v4, v26  }
0x246: {  	s31 =	simm.s32 $0x2820;
	v7 =	vld [tilespmem:s20+$0x0];
	v5 =	vsub.f32 v5, v22;
	v1 =	vmul.f32 v1, v1;
	v2 =	vmul.f32 v2, v2  }
0x247: {  	s30 =	simm.s32 $0x20;
	v9 =	vld [tilespmem:s31+$0x0];
	v6 =	vsub.f32 v6, v25;
	v3 =	vmul.f32 v3, v3;
	v4 =	vmul.f32 v4, v4  }
0x248: {  	vm5 =	vne.s32 v48, v27;
	p3 =	seq.s32 s19, $0x1;
	v8 =	vor.u32 s30, v0;
	v5 =	vmul.f32 v5, v5  }
.Ltmp9:
0x249: {  	v1 =	vadd.f32 v2, v1;
	v2 =	vadd.f32 v4, v3;
	v3 =	vmul.f32 v6, v6;
	(pc) =	sbr.rel @p3 .LBB2_16-.Ltmp9, $4  }
0x24a: {  	vm4 =	vmand vm0, vm4;
	vm1 =	vmand vm1, vm5;
	vm2 =	vlt.s32 v8, v32  }
0x24b: {  	vm3 =	vlt.s32 v8, v33;
	v1 =	vadd.f32 v5, v1;
	v2 =	vadd.f32 v3, v2  }
0x24c: {  	vm0 =	vmmov vm2;
	v34 =	vnsel vm2, $0x0, v7;
	v35 =	vnsel vm3, $0x0, v9;
	v36, v37, _ =	vpop (xrf1)  }
0x24d: {  	s22 =	sadd.s32 $0xFFFFFFFF, s19;
	p1 =	por $0x1, $0x1;
	v45 =	vnsel vm4, $0x7F800000, v1;
	v42 =	vnsel vm1, $0x7F800000, v2;
	vm1 =	vmmov vm3;
	v38, v39, _ =	vpop (xrf1)  }
0x24e: {  	_ = 	snop  }
0x24f: {  	(xrf1) =	vsort.dscd.msk.f32 $0xffff, v45, v49;
	_ =	sdelay $0x2  }
0x250: {  	v1 =	vld.idx.msk [tilespmem:v34+s2+$0x0], $0xffff  }
0x251: {  	v2 =	vld.idx.msk [tilespmem:v34+s11+$0x0], $0xffff;
	_ =	sdelay $0x2  }
0x252: {  	vm2 =	veq.f32 v13, v36;
	vm3 =	vlt.s32 v12, v37;
	vm4 =	vlt.f32 v13, v36  }
0x253: {  	vm14 =	vlt.f32 v29, v38;
	vm2 =	vmand vm2, vm3;
	vm3 =	vlt.s32 v11, v39  }
0x254: {  	vm2 =	vmor vm4, vm2;
	v1 =	vsub.f32 v1, v20;
	v2 =	vsub.f32 v2, v21  }
0x255: {  	v4 =	vsel vm2, v13, v36;
	v5 =	vsel vm2, v12, v37;
	vm2 =	veq.f32 v29, v38  }
0x256: {  	(xrf1) =	vsort.dscd.msk.f32 $0xffff, v42, v48;
	vm2 =	vmand vm2, vm3;
	v1 =	vmul.f32 v1, v1;
	v2 =	vmul.f32 v2, v2  }
0x257: {  	(xrf1) =	vsort.ascd.msk.f32 $0xffff, v4, v5;
	vm2 =	vmor vm14, vm2  }
0x258: {  	v3 =	vld.idx.msk [tilespmem:v35+s2+$0x0], $0xffff;
	v7 =	vsel vm2, v29, v38;
	v1 =	vadd.f32 v2, v1;
	v2 =	vsel vm2, v11, v39  }
0x259: {  	v6 =	vld.idx.msk [tilespmem:v35+s11+$0x0], $0xffff;
	v43, v44, _ =	vpop (xrf1);
	(xrf1) =	vsort.ascd.msk.f32 $0xffff, v7, v2  }
0x25a: {  	v62 =	vld.idx.msk [tilespmem:v34+s12+$0x0], $0xffff  }
0x25b: {  	v63 =	vld.idx.msk [tilespmem:v35+s12+$0x0], $0xffff  }
0x25c: {  	s19 =	simm.s32 $0x2030  }
0x25d: {  	v8 =	vld [tilespmem:s19+$0x0]  }
0x25e: {  	s20 =	simm.s32 $0x30;
	s21 =	simm.s32 $0x2830;
	v3 =	vsub.f32 v3, v23;
	v6 =	vsub.f32 v6, v26  }
0x25f: {  	v9 =	vor.u32 s20, v0;
	v10 =	vld [tilespmem:s21+$0x0];
	v4 =	vsub.f32 v62, v22  }
0x260: {  	v5 =	vsub.f32 v63, v25;
	v3 =	vmul.f32 v3, v3;
	v6 =	vmul.f32 v6, v6  }
0x261: {  	p3 =	seq.s32 s22, $0x1;
	v4 =	vmul.f32 v4, v4;
	vm2 =	vlt.s32 v9, v32  }
.Ltmp10:
0x262: {  	v5 =	vmul.f32 v5, v5;
	v3 =	vadd.f32 v6, v3;
	v40 =	vnsel vm2, $0x0, v8;
	(pc) =	sbr.rel @p3 .LBB2_19-.Ltmp10, $4  }
0x263: {  	vm15 =	vne.s32 v34, v24;
	vm5 =	vne.s32 v35, v27;
	vm3 =	vlt.s32 v9, v33  }
0x264: {  	v41 =	vnsel vm3, $0x0, v10;
	v1 =	vadd.f32 v4, v1;
	v3 =	vadd.f32 v5, v3  }
0x265: {  	vm1 =	vmand vm1, vm5;
	vm4 =	vmand vm0, vm15;
	vm0 =	vmmov vm2;
	v46, v47, _ =	vpop (xrf1)  }
0x266: {  	s22 =	sadd.s32 $0xFFFFFFFF, s22;
	p2 =	por $0x1, $0x1;
	v45 =	vnsel vm4, $0x7F800000, v1;
	v42 =	vnsel vm1, $0x7F800000, v3;
	vm1 =	vmmov vm3;
	v50, v51, _ =	vpop (xrf1)  }
.LBB2_18:
0x267: {  	p3 =	seq.s32 s22, $0x1;
	v1 =	vld.idx.msk [tilespmem:v40+s2+$0x0], $0xffff;
	vm2 =	vlt.f32 v50, v43;
	vm3 =	veq.f32 v50, v43;
	vm4 =	vlt.s32 v51, v44;
	v2, v3, _ =	vpop (xrf1)  }
0x268: {  	v4 =	vld.idx.msk [tilespmem:v40+s11+$0x0], $0xffff;
	vm3 =	vmand vm3, vm4;
	vm4 =	veq.f32 v2, v46;
	vm5 =	vlt.s32 v3, v47  }
0x269: {  	v5 =	vld.idx.msk [tilespmem:v41+s2+$0x0], $0xffff;
	(xrf1) =	vsort.dscd.msk.f32 $0xffff, v45, v34;
	vm2 =	vmor vm2, vm3;
	vm3 =	vlt.f32 v2, v46;
	vm4 =	vmand vm4, vm5  }
0x26a: {  	(xrf1) =	vsort.dscd.msk.f32 $0xffff, v42, v35;
	v6 =	vsel vm2, v50, v43;
	v7 =	vsel vm2, v51, v44;
	vm2 =	vmor vm3, vm4  }
0x26b: {  	v8 =	vld.idx.msk [tilespmem:v41+s11+$0x0], $0xffff;
	v2 =	vsel vm2, v2, v46;
	v3 =	vsel vm2, v3, v47;
	(xrf1) =	vsort.ascd.msk.f32 $0xffff, v6, v7  }
0x26c: {  	v34 =	vmov v40;
	v35 =	vmov v41;
	v6 =	vld.idx.msk [tilespmem:v40+s12+$0x0], $0xffff;
	(xrf1) =	vsort.ascd.msk.f32 $0xffff, v2, v3  }
0x26d: {  	v2 =	vld.idx.msk [tilespmem:v41+s12+$0x0], $0xffff  }
0x26e: {  	s19 =	sadd.s32 $0x10, s19  }
0x26f: {  	s20 =	sadd.s32 $0x10, s20;
	v3 =	vld [tilespmem:s19+$0x0]  }
0x270: {  	s21 =	sadd.s32 $0x10, s21;
	v7 =	vor.u32 s20, v0;
	v1 =	vsub.f32 v1, v20;
	v4 =	vsub.f32 v4, v21  }
0x271: {  	vm2 =	vlt.s32 v7, v32;
	v5 =	vsub.f32 v5, v23;
	v8 =	vsub.f32 v8, v26;
	v9 =	vld [tilespmem:s21+$0x0]  }
0x272: {  	v1 =	vmul.f32 v1, v1;
	v4 =	vmul.f32 v4, v4;
	v6 =	vsub.f32 v6, v22  }
0x273: {  	v5 =	vmul.f32 v5, v5;
	v2 =	vsub.f32 v2, v25;
	v8 =	vmul.f32 v8, v8  }
0x274: {  	vm3 =	vlt.s32 v7, v33;
	v40 =	vnsel vm2, $0x0, v3;
	v3 =	vmul.f32 v6, v6  }
.Ltmp11:
0x275: {  	v1 =	vadd.f32 v4, v1;
	v4 =	vadd.f32 v8, v5;
	v2 =	vmul.f32 v2, v2;
	(pc) =	sbr.rel @!p3 .LBB2_18-.Ltmp11, $4  }
0x276: {  	vm4 =	vne.s32 v34, v24;
	v41 =	vnsel vm3, $0x0, v9  }
0x277: {  	vm5 =	vne.s32 v35, v27;
	v1 =	vadd.f32 v3, v1;
	v2 =	vadd.f32 v2, v4;
	v43, v44, _ =	vpop (xrf1)  }
0x278: {  	vm4 =	vmand vm0, vm4;
	vm1 =	vmand vm1, vm5;
	vm0 =	vmmov vm2;
	v46, v47, _ =	vpop (xrf1)  }
0x279: {  	s22 =	sadd.s32 $0xFFFFFFFF, s22;
	v45 =	vnsel vm4, $0x7F800000, v1;
	v42 =	vnsel vm1, $0x7F800000, v2;
	vm1 =	vmmov vm3;
	v50, v51, _ =	vpop (xrf1)  }
.LBB2_19:
0x27a: {  	_ =	sdelay $0x2  }
0x27b: {  	vm2 =	vlt.f32 @p1 v50, v43;
	vm3 =	veq.f32 @p1 v50, v43;
	vm4 =	vlt.s32 @p1 v51, v44;
	v1, v2, _ =	vpop @p2 (xrf1)  }
0x27c: {  	(xrf1) =	vsort.dscd.msk.f32 @p0 $0xffff, v45, v34;
	v3 =	vld.idx.msk [tilespmem:v40+s2+$0x0], $0xffff;
	vm3 =	vmand @p1 vm3, vm4;
	v1 =	vpsel p2, v1, v29  }
0x27d: {  	v2 =	vpsel p2, v2, v11;
	(xrf1) =	vsort.dscd.msk.f32 @p0 $0xffff, v42, v35;
	vm4 =	veq.f32 @p1 v1, v46;
	vm2 =	vmor @p1 vm2, vm3  }
0x27e: {  	v6 =	vld.idx.msk [tilespmem:v40+s11+$0x0], $0xffff;
	vm5 =	vlt.s32 @p1 v2, v47;
	v4 =	vsel @p1 vm2, v50, v43;
	v5 =	vsel @p1 vm2, v51, v44  }
0x27f: {  	vm2 =	vlt.f32 @p1 v1, v46;
	vm3 =	vmand @p1 vm4, vm5;
	(xrf1) =	vsort.ascd.msk.f32 @p1 $0xffff, v4, v5;
	v4 =	vld.idx.msk [tilespmem:v41+s2+$0x0], $0xffff  }
0x280: {  	vm2 =	vmor @p1 vm2, vm3;
	v5 =	vld.idx.msk [tilespmem:v41+s11+$0x0], $0xffff  }
0x281: {  	v7 =	vld.idx.msk [tilespmem:v40+s12+$0x0], $0xffff;
	v1 =	vsel @p1 vm2, v1, v46;
	v2 =	vsel @p1 vm2, v2, v47  }
0x282: {  	(xrf1) =	vsort.ascd.msk.f32 @p1 $0xffff, v1, v2  }
0x283: {  	v1 =	vld.idx.msk [tilespmem:v41+s12+$0x0], $0xffff  }
0x284: {  	v2 =	vsub.f32 v3, v20;
	v3 =	vsub.f32 v6, v21  }
0x285: {  	v4 =	vsub.f32 v4, v23;
	v5 =	vsub.f32 v5, v26  }
0x286: {  	v63 =	vsub.f32 v7, v22;
	v2 =	vmul.f32 v2, v2;
	v3 =	vmul.f32 v3, v3  }
0x287: {  	v4 =	vmul.f32 v4, v4;
	v5 =	vmul.f32 v5, v5  }
0x288: {  	v6 =	vmul.f32 v63, v63;
	v1 =	vsub.f32 v1, v25  }
0x289: {  	v2 =	vadd.f32 v3, v2;
	v3 =	vadd.f32 v5, v4  }
0x28a: {  	v1 =	vmul.f32 v1, v1  }
0x28b: {  	vm7 =	vne.s32 v40, v24  }
0x28c: {  	vm8 =	vne.s32 v41, v27;
	v2 =	vadd.f32 v6, v2;
	v1 =	vadd.f32 v1, v3;
	v4, v5, _ =	vpop @p0 (xrf1)  }
0x28d: {  	vm0 =	vmand vm0, vm7;
	vm1 =	vmand vm1, vm8;
	v3, v6, _ =	vpop @p0 (xrf1)  }
0x28e: {  	v2 =	vnsel vm0, $0x7F800000, v2;
	v1 =	vnsel vm1, $0x7F800000, v1;
	v4 =	vpsel p0, v4, v36;
	v7, v8, _ =	vpop @p1 (xrf1)  }
0x28f: {  	v5 =	vpsel p0, v5, v37;
	v3 =	vpsel p0, v3, v38;
	v7 =	vpsel p1, v7, v13  }
0x290: {  	v6 =	vpsel p0, v6, v39;
	v8 =	vpsel p1, v8, v12;
	vm0 =	vlt.f32 @p0 v7, v4;
	v9, v10, _ =	vpop @p1 (xrf1)  }
0x291: {  	vm1 =	veq.f32 @p0 v7, v4;
	vm2 =	vlt.s32 @p0 v8, v5;
	v9 =	vpsel p1, v9, v29  }
0x292: {  	vm1 =	vmand @p0 vm1, vm2;
	v10 =	vpsel p1, v10, v11;
	vm2 =	veq.f32 @p0 v9, v3  }
0x293: {  	(xrf1) =	vsort.dscd.msk.f32 $0xffff, v2, v40;
	vm3 =	vlt.s32 @p0 v10, v6;
	vm0 =	vmor @p0 vm0, vm1;
	vm1 =	vlt.f32 @p0 v9, v3  }
0x294: {  	(xrf1) =	vsort.dscd.msk.f32 $0xffff, v1, v41;
	vm2 =	vmand @p0 vm2, vm3;
	v1 =	vsel @p0 vm0, v7, v4;
	v2 =	vsel @p0 vm0, v8, v5  }
0x295: {  	vm0 =	vmor @p0 vm1, vm2;
	(xrf1) =	vsort.ascd.msk.f32 @p0 $0xffff, v1, v2  }
0x296: {  	v1 =	vsel @p0 vm0, v9, v3;
	v2 =	vsel @p0 vm0, v10, v6  }
0x297: {  	(xrf1) =	vsort.ascd.msk.f32 @p0 $0xffff, v1, v2;
	_ =	sdelay $0x9  }
0x298: {  	v1, v2, _ =	vpop (xrf1)  }
0x299: {  	v3, v4, _ =	vpop (xrf1)  }
0x29a: {  	v5, v6, _ =	vpop @p0 (xrf1)  }
0x29b: {  	v5 =	vpsel p0, v5, v13  }
0x29c: {  	v6 =	vpsel p0, v6, v12;
	vm9 =	vlt.f32 v5, v1;
	vm10 =	veq.f32 v5, v1;
	v7, v8, _ =	vpop @p0 (xrf1)  }
0x29d: {  	vm11 =	vlt.s32 v6, v2;
	v7 =	vpsel p0, v7, v29;
	v8 =	vpsel p0, v8, v11  }
0x29e: {  	vm1 =	vmand vm10, vm11;
	vm12 =	veq.f32 v7, v3;
	vm13 =	vlt.s32 v8, v4  }
0x29f: {  	vm0 =	vmor vm9, vm1;
	vm14 =	vlt.f32 v7, v3;
	vm2 =	vmand vm12, vm13  }
0x2a0: {  	v1 =	vsel vm0, v5, v1;
	v2 =	vsel vm0, v6, v2;
	vm15 =	vmor vm14, vm2  }
0x2a1: {  	(xrf1) =	vsort.ascd.msk.f32 $0xffff, v1, v2;
	v3 =	vsel vm15, v7, v3;
	v4 =	vsel vm15, v8, v4  }
0x2a2: {  	(xrf1) =	vsort.ascd.msk.f32 $0xffff, v3, v4;
	_ =	sdelay $0x9  }
.Ltmp12:
0x2a3: {  	_ = 	snop;
	(pc) =	sbr.rel .LBB2_8-.Ltmp12, $3  }
0x2a4: {  	_ =	sdelay $0x1  }
0x2a5: {  	v2, v1, _ =	vpop (xrf1)  }
0x2a6: {  	v29, v3, _ =	vpop (xrf1)  }
.LBB2_12:
.Ltmp13:
0x2a7: {  	_ = 	snop;
	(pc) =	sbr.rel .LBB2_19-.Ltmp13, $2  }
0x2a8: {  	_ =	sdelay $0x2  }
0x2a9: {  	v40 =	vmovc v34;
	v41 =	vmov v35;
	v51 =	vmov v12;
	v50 =	vmov v13  }
.LBB2_14:
.Ltmp14:
0x2aa: {  	(pc) =	sbr.rel .LBB2_19-.Ltmp14, $2  }
0x2ab: {  	_ =	sdelay $0x2  }
0x2ac: {  	v40 =	vmovc v49;
	v50 =	vmov v13;
	v51 =	vmov v12;
	v41 =	vmov v48  }
.LBB2_16:
.Ltmp15:
0x2ad: {  	(pc) =	sbr.rel .LBB2_19-.Ltmp15, $3  }
0x2ae: {  	_ =	sdelay $0x1  }
0x2af: {  	v40 =	vmovc v34;
	v41 =	vmovc v35;
	v50 =	vmov v13;
	v43 =	vmov v36;
	v51 =	vmov v12  }
0x2b0: {  	v44 =	vmovc v37;
	v46 =	vmovc v38;
	v47 =	vmov v39;
	v34 =	vmov v49;
	v35 =	vmov v48  }
.LBB2_10:
0x2b1: {  	_ =	sfence.sel $0x180000  }
0x2b2: {  	[bflag:$0x0] =	sbarrier.arrive $0xFFFF  }
0x2b3: {  	p0 =	sne.s32 s1, $0x0;
	_ =	strace $0x90000047  }
0x2b4: {  	s0 =	sadd.s32 @!p0 $0x100000, s0;
	[bflag:$0x2] =	sbarrier.arrive $0xFFFF  }
0x2b5: {  	[sflag:s0] =	ssyncadd.tile.s32 @!p0 $0x1;
	_ =	shalt  }
.Lfunc_end2:
_tile_overlayer_lowered:
.L_overlay_start_2:
0x2b6: {  	(tag) =	ssettag $0x2  }
0x2b7: {  	s0 =	rddreg [dreg:$0x0];
	s2 =	stileid.u32  }
0x2b8: {  	s1 =	rddreg [dreg:$0x1];
	p0 =	sne.s32 s2, $0x0  }
0x2b9: {  	s3 =	rddreg [dreg:$0x2];
	[bflag:$0x3] =	sbarrier.arrive $0xFFFF;
	s2 =	simm.s32 @!p0 $0x1C01  }
0x2ba: {  	[timem:s3], [sflag:s2] =	dma.local @!p0 [hbm:s0], s1  }
0x2bb: {  	s0 =	simm.s32 @!p0 $0x1  }
0x2bc: {  	_ =	swait.ge @!p0 [sflag:s0], s1  }
0x2bd: {  	s1 =	ssub.s32 @!p0 $0x0, s1;
	[sflag:s0] =	ssyncset.done @!p0 $0x0  }
0x2be: {  	[sflag:s0] =	ssyncadd.s32 @!p0 s1  }
0x2bf: {  	[bflag:$0x3] =	sbarrier.arrive $0xFFFF  }
0x2c0: {  	_ =	shalt  }

</sc_bundles>
